<compile_context>
chip_gen: v7x
topology: tpu7x:2x2x1
jax: 0.10.2.dev20260603
libtpu: 0.0.44.dev20260713+nightly
codegen_flags: <defaults>
</compile_context>

<pallas_src>
import functools

import jax
import jax.numpy as jnp
from jax import lax
from jax.experimental import pallas as pl
from jax.experimental.pallas import tpu as pltpu
from jax.experimental.pallas import tpu_sc as plsc

SEQ_LEN = 2048
D_MODEL = 768
N_HEAD = 12
D_K = 64
NUM_K = 32

N_CHUNK = 4
S_CHUNK = SEQ_LEN // N_CHUNK
S_BLK = 128
R_BLK = S_BLK * NUM_K
B_CHUNK = S_CHUNK * NUM_K
B_TOT = SEQ_LEN * NUM_K
HALF = D_MODEL // 2
KV_W = D_MODEL
NW = 32
B_PER_W = B_CHUNK // NW
CH = 64
NCH = B_PER_W // CH

_HI = -65536


def _bf16_bits(x):
    r = x.astype(jnp.bfloat16).astype(jnp.float32)
    return lax.bitcast_convert_type(r, jnp.int32)


def _unpack_lo(w):
    return lax.bitcast_convert_type(lax.shift_left(w, 16), jnp.float32)


def _unpack_hi(w):
    return lax.bitcast_convert_type(jnp.bitwise_and(w, _HI), jnp.float32)


def _mm_pack(a, we, wo):
    def body(a_ref, we_ref, wo_ref, o_ref):
        av = a_ref[...]
        re = jnp.dot(av, we_ref[...], preferred_element_type=jnp.float32)
        ro = jnp.dot(av, wo_ref[...], preferred_element_type=jnp.float32)
        lo = lax.shift_right_logical(_bf16_bits(re), 16)
        hi = jnp.bitwise_and(_bf16_bits(ro), _HI)
        o_ref[...] = jnp.bitwise_or(hi, lo)
    return pl.pallas_call(
        body,
        out_shape=jax.ShapeDtypeStruct((a.shape[0], we.shape[1]), jnp.int32),
    )(a, we, wo)


def _sc_gather(kv, idx):
    mesh = plsc.VectorSubcoreMesh(core_axis_name="c", subcore_axis_name="s")

    @functools.partial(
        pl.kernel,
        mesh=mesh,
        out_type=jax.ShapeDtypeStruct((B_CHUNK, KV_W), jnp.int32),
        scratch_types=[
            pltpu.VMEM((B_PER_W,), jnp.int32),
            pltpu.VMEM((CH, KV_W), jnp.int32),
            pltpu.VMEM((CH, KV_W), jnp.int32),
            pltpu.SemaphoreType.DMA,
            pltpu.SemaphoreType.DMA,
            pltpu.SemaphoreType.DMA,
            pltpu.SemaphoreType.DMA,
        ],
    )
    def k(kv_hbm, idx_hbm, out_hbm, idx_v, buf0, buf1, sg0, sg1, sw0, sw1):
        wid = lax.axis_index("s") * 2 + lax.axis_index("c")
        base = wid * B_PER_W
        pltpu.sync_copy(idx_hbm.at[pl.ds(base, B_PER_W)], idx_v)

        def g(c, buf, sem):
            pltpu.async_copy(kv_hbm.at[idx_v.at[pl.ds(c * CH, CH)]],
                             buf, sem)

        def w(c, buf, sem):
            pltpu.async_copy(buf, out_hbm.at[pl.ds(base + c * CH, CH)], sem)

        def wait_g(buf, sem):
            pltpu.make_async_copy(kv_hbm.at[pl.ds(0, CH)], buf, sem).wait()

        def wait_w(buf, sem):
            pltpu.make_async_copy(buf, out_hbm.at[pl.ds(base, CH)],
                                  sem).wait()

        g(0, buf0, sg0)

        def body(it, carry):
            c0 = 2 * it
            c1 = c0 + 1
            wait_g(buf0, sg0)

            @pl.when(it > 0)
            def _():
                wait_w(buf1, sw1)

            g(c1, buf1, sg1)
            w(c0, buf0, sw0)
            wait_g(buf1, sg1)
            wait_w(buf0, sw0)

            @pl.when(c1 + 1 < NCH)
            def _():
                g(c1 + 1, buf0, sg0)

            w(c1, buf1, sw1)
            return carry

        lax.fori_loop(0, NCH // 2, body, 0)
        wait_w(buf1, sw1)

    return k(kv, idx)


def _attn_body(hid_ref, kg_ref, vg_ref, rpe_ref, wqT_ref, sele_ref, selo_ref,
               seleT_ref, seloT_ref, wfcTe_ref, wfcTo_ref, vecs_ref, o_ref):
    h = hid_ref[...]
    q = jnp.dot(h, wqT_ref[...], preferred_element_type=jnp.float32)
    qr = jnp.broadcast_to(
        q.reshape(S_BLK, 1, D_MODEL), (S_BLK, NUM_K, D_MODEL)
    ).reshape(R_BLK, D_MODEL)
    kg_w = kg_ref[...]
    vg_w = vg_ref[...]
    scores = (
        jnp.dot(qr[:, :HALF] * _unpack_lo(kg_w), sele_ref[...],
                preferred_element_type=jnp.float32)
        + jnp.dot(qr[:, HALF:] * _unpack_hi(kg_w), selo_ref[...],
                  preferred_element_type=jnp.float32))
    rpe_r = jnp.swapaxes(rpe_ref[...], 1, 2).reshape(R_BLK, N_HEAD)
    rpe_p = jnp.concatenate(
        [rpe_r, jnp.zeros((R_BLK, 128 - N_HEAD), jnp.float32)],
        axis=1)
    scores = (scores + rpe_p) * (D_K ** -0.5)
    e = jnp.exp(scores)
    den = jnp.sum(e.reshape(S_BLK, NUM_K, 128), axis=1, keepdims=True)
    p = (e.reshape(S_BLK, NUM_K, 128) / den).reshape(R_BLK, 128)
    pe_e = jnp.dot(p, seleT_ref[...], preferred_element_type=jnp.float32)
    pe_o = jnp.dot(p, seloT_ref[...], preferred_element_type=jnp.float32)
    attn_e = jnp.sum(
        (pe_e * _unpack_lo(vg_w)).reshape(S_BLK, NUM_K, HALF), axis=1)
    attn_o = jnp.sum(
        (pe_o * _unpack_hi(vg_w)).reshape(S_BLK, NUM_K, HALF), axis=1)
    ctx = (jnp.dot(attn_e, wfcTe_ref[...], preferred_element_type=jnp.float32)
           + jnp.dot(attn_o, wfcTo_ref[...],
                     preferred_element_type=jnp.float32))
    ctx = ctx + vecs_ref[0:1, :] + h
    mu = jnp.mean(ctx, axis=1, keepdims=True)
    cc = ctx - mu
    var = jnp.mean(cc * cc, axis=1, keepdims=True)
    o_ref[...] = cc * lax.rsqrt(var + 1e-6) * vecs_ref[1:2, :] + vecs_ref[2:3, :]


def _attn(chunk, hid, kv_g, rpe, wqT, sele, selo, seleT, seloT, wfcTe,
          wfcTo, vecs):
    grid = (S_CHUNK // S_BLK,)
    off = chunk * (S_CHUNK // S_BLK)
    return pl.pallas_call(
        _attn_body,
        grid=grid,
        in_specs=[
            pl.BlockSpec((S_BLK, D_MODEL), lambda i: (off + i, 0)),
            pl.BlockSpec((R_BLK, HALF), lambda i: (i, 0)),
            pl.BlockSpec((R_BLK, HALF), lambda i: (i, 1)),
            pl.BlockSpec((S_BLK, N_HEAD, NUM_K), lambda i: (off + i, 0, 0)),
            pl.BlockSpec((D_MODEL, D_MODEL), lambda i: (0, 0)),
            pl.BlockSpec((HALF, 128), lambda i: (0, 0)),
            pl.BlockSpec((HALF, 128), lambda i: (0, 0)),
            pl.BlockSpec((128, HALF), lambda i: (0, 0)),
            pl.BlockSpec((128, HALF), lambda i: (0, 0)),
            pl.BlockSpec((HALF, D_MODEL), lambda i: (0, 0)),
            pl.BlockSpec((HALF, D_MODEL), lambda i: (0, 0)),
            pl.BlockSpec((8, D_MODEL), lambda i: (0, 0)),
        ],
        out_specs=pl.BlockSpec((S_BLK, D_MODEL), lambda i: (i, 0)),
        out_shape=jax.ShapeDtypeStruct((S_CHUNK, D_MODEL), jnp.float32),
    )(hid, kv_g, kv_g, rpe, wqT, sele, selo, seleT, seloT, wfcTe, wfcTo,
      vecs)


def kernel(hidden_states, rpe, q_k_mask, k_q_mask, w_qs, w_ks, w_vs, w_fc,
           b_fc, ln_gamma, ln_beta):
    hid = hidden_states[0]
    we = jnp.concatenate([w_ks[:HALF], w_vs[:HALF]], axis=0).T
    wo = jnp.concatenate([w_ks[HALF:], w_vs[HALF:]], axis=0).T
    kv = _mm_pack(hid, we, wo)
    idx = q_k_mask.reshape(-1).astype(jnp.int32)
    lane_head = jnp.arange(HALF) // D_K
    h128 = jnp.arange(128)[None, :]
    sele = (lane_head[:, None] == h128).astype(jnp.float32)
    selo = (lane_head[:, None] + 6 == h128).astype(jnp.float32)
    seleT = sele.T
    seloT = selo.T
    wfcTe = w_fc.T[:HALF, :]
    wfcTo = w_fc.T[HALF:, :]
    vecs = jnp.zeros((8, D_MODEL), jnp.float32)
    vecs = vecs.at[0].set(b_fc).at[1].set(ln_gamma).at[2].set(ln_beta)

    outs = []
    for p in range(N_CHUNK):
        idx_p = lax.dynamic_slice_in_dim(idx, p * B_CHUNK, B_CHUNK)
        kv_gp = _sc_gather(kv, idx_p)
        outs.append(_attn(p, hid, kv_gp, rpe, w_qs.T, sele, selo,
                          seleT, seloT, wfcTe, wfcTo, vecs))
    out = jnp.concatenate(outs, axis=0)
    return out[None]

# --- scband reference (transcript-rebuilt; emitter-appended) ---
"""Pipeline reference for scband-tvmshielded-attention-with-rpe-35682588295636 (READ-ONLY COPY).

The authoritative reference and input builder live on the scoring server;
editing this copy changes nothing except your own understanding.
"""

import jax, jax.numpy as jnp
import numpy as np

BSZ, SEQ_LEN, D_MODEL, N_HEAD, D_K, NUM_K = 1, 2048, 768, 12, 64, 32

def setup_inputs(seed: int = 0) -> dict:
    key = jax.random.key(seed)
    ks = jax.random.split(key, 10)
    hidden_states = jax.random.normal(ks[0], (BSZ, SEQ_LEN, D_MODEL), dtype=jnp.float32)
    rpe = jax.random.normal(ks[1], (SEQ_LEN, N_HEAD, NUM_K), dtype=jnp.float32)
    q_k_mask = jax.random.randint(ks[2], (SEQ_LEN, NUM_K), 0, SEQ_LEN, dtype=jnp.int64 if jax.config.jax_enable_x64 else jnp.int32)
    k_q_mask = jax.random.randint(ks[3], (SEQ_LEN, NUM_K), 0, SEQ_LEN, dtype=jnp.int64 if jax.config.jax_enable_x64 else jnp.int32)
    s = 0.02
    w_qs = jax.random.normal(ks[4], (N_HEAD * D_K, D_MODEL), dtype=jnp.float32) * s
    w_ks = jax.random.normal(ks[5], (N_HEAD * D_K, D_MODEL), dtype=jnp.float32) * s
    w_vs = jax.random.normal(ks[6], (N_HEAD * D_K, D_MODEL), dtype=jnp.float32) * s
    w_fc = jax.random.normal(ks[7], (D_MODEL, N_HEAD * D_K), dtype=jnp.float32) * s
    b_fc = jnp.zeros((D_MODEL,), dtype=jnp.float32)
    ln_gamma = jnp.ones((D_MODEL,), dtype=jnp.float32)
    ln_beta = jnp.zeros((D_MODEL,), dtype=jnp.float32)
    return {"hidden_states": hidden_states, "rpe": rpe, "q_k_mask": q_k_mask, "k_q_mask": k_q_mask,
            "w_qs": w_qs, "w_ks": w_ks, "w_vs": w_vs, "w_fc": w_fc, "b_fc": b_fc,
            "ln_gamma": ln_gamma, "ln_beta": ln_beta}

def reference(hidden_states, rpe, q_k_mask, k_q_mask, w_qs, w_ks, w_vs, w_fc, b_fc, ln_gamma, ln_beta):
    bsz, seq_len, d_model = hidden_states.shape
    residual = hidden_states
    q = (hidden_states @ w_qs.T).reshape(bsz, seq_len, N_HEAD, D_K).astype(jnp.float32)
    k = (hidden_states @ w_ks.T).reshape(bsz, seq_len, N_HEAD, D_K).astype(jnp.float32)
    v = (hidden_states @ w_vs.T).reshape(bsz, seq_len, N_HEAD, D_K).astype(jnp.float32)
    valid = q_k_mask >= 0
    idx = jnp.where(valid, q_k_mask, 0)
    # QKP_mm_tvm: sparse QK^T over masked neighborhood + relative position embedding, padding=-1e9
    k_g = jnp.take(k, idx.reshape(-1), axis=1).reshape(bsz, seq_len, NUM_K, N_HEAD, D_K)
    attn_weights = jnp.einsum('bshd,bsjhd->bshj', q, k_g) + rpe[None, :, :, :]
    attn_weights = jnp.where(valid[None, :, None, :], attn_weights, -1000000000.0)
    attn_weights = attn_weights / (D_K ** 0.5)
    attn_weights = jax.nn.softmax(attn_weights, axis=-1)  # dropout p=0.0 => identity
    # AttnV_mm_tvm: sparse attn @ V over same neighborhood, padding=0
    attn_weights = jnp.where(valid[None, :, None, :], attn_weights, 0.0)
    v_g = jnp.take(v, idx.reshape(-1), axis=1).reshape(bsz, seq_len, NUM_K, N_HEAD, D_K)
    attn = jnp.einsum('bshj,bsjhd->bshd', attn_weights, v_g)
    attn = attn.reshape(bsz, seq_len, N_HEAD * D_K)
    context = attn @ w_fc.T + b_fc  # dropout p=0.0 => identity
    context = context + residual
    mu = jnp.mean(context, axis=-1, keepdims=True)
    var = jnp.var(context, axis=-1, keepdims=True)
    context = (context - mu) / jnp.sqrt(var + 1e-06) * ln_gamma + ln_beta
    return context

if __name__ == "__main__":
    import jax
    _d = setup_inputs()
    print(jax.jit(kernel)(*tuple(_d.values())))

</pallas_src>

<mosaic_0001>
#map = affine_map<(d0, d1) -> (0, 0)>
#map1 = affine_map<(d0, d1) -> (0)>
module attributes {stable_mosaic.version = 14 : i64} {
  func.func @k(%arg0: i32, %arg1: i32, %arg2: memref<2048x768xi32, #tpu.memory_space<hbm>>, %arg3: memref<16384xi32, #tpu.memory_space<hbm>>, %arg4: memref<16384x768xi32, #tpu.memory_space<hbm>>, %arg5: memref<512xi32, #tpu.memory_space<vmem>>, %arg6: memref<64x768xi32, #tpu.memory_space<vmem>>, %arg7: memref<64x768xi32, #tpu.memory_space<vmem>>, %arg8: memref<!tpu.dma_semaphore, #tpu.memory_space<semaphore_mem>>, %arg9: memref<!tpu.dma_semaphore, #tpu.memory_space<semaphore_mem>>, %arg10: memref<!tpu.dma_semaphore, #tpu.memory_space<semaphore_mem>>, %arg11: memref<!tpu.dma_semaphore, #tpu.memory_space<semaphore_mem>>) attributes {dimension_semantics = [#tpu.dimension_semantics<core_parallel>, #tpu.dimension_semantics<subcore_parallel>], iteration_bounds = array<i64: 2, 16>, scalar_prefetch = 0 : i64, scratch_operands = 7 : i64, tpu.core_type = #tpu.core_type<sc_vector_subcore>, window_params = [{transform_indices = #map}, {transform_indices = #map1}, {transform_indices = #map}]} {
    %mul3A = arith.constant 2 : i32
    %mul3A_0 = arith.muli %arg1, %mul3A : i32
    %add3A = arith.addi %mul3A_0, %arg0 : i32
    %mul3A_1 = arith.constant 512 : i32
    %mul3A_2 = arith.muli %add3A, %mul3A_1 : i32
    "tpu.region"() ({
      %run_scoped3A = tpu.sem_alloc : memref<!tpu.dma_semaphore, #tpu.memory_space<semaphore_mem>>
      %dma_start3A_15 = tpu.memref_slice %arg3[%mul3A_2] : memref<16384xi32, #tpu.memory_space<hbm>> -> memref<512xi32, #tpu.memory_space<hbm>>
      %dma_start3A_16 = tpu.memref_slice %arg3[%mul3A_2] : memref<16384xi32, #tpu.memory_space<hbm>> -> memref<512xi32, #tpu.memory_space<hbm>>
      tpu.enqueue_dma source(%dma_start3A_16 : memref<512xi32, #tpu.memory_space<hbm>>) target(%arg5 : memref<512xi32, #tpu.memory_space<vmem>>) target_semaphore(%run_scoped3A : memref<!tpu.dma_semaphore, #tpu.memory_space<semaphore_mem>>)
      %dma_wait3A_17 = tpu.memref_slice %arg3[%mul3A_2] : memref<16384xi32, #tpu.memory_space<hbm>> -> memref<512xi32, #tpu.memory_space<hbm>>
      %dma_wait3A_18 = tpu.memref_slice %arg3[%mul3A_2] : memref<16384xi32, #tpu.memory_space<hbm>> -> memref<512xi32, #tpu.memory_space<hbm>>
      tpu.wait_dma2 semaphore(%run_scoped3A : memref<!tpu.dma_semaphore, #tpu.memory_space<semaphore_mem>>) src(%dma_wait3A_18 : memref<512xi32, #tpu.memory_space<hbm>>) dst(%arg5 : memref<512xi32, #tpu.memory_space<vmem>>)
      tpu.yield
    }) : () -> ()
    %dma_start3A = arith.constant 0 : i32
    %dma_start3A_3 = tpu.memref_slice %arg5[%dma_start3A] : memref<512xi32, #tpu.memory_space<vmem>> -> memref<64xi32, #tpu.memory_space<vmem>>
    %dma_start3A_4 = arith.constant 0 : i32
    %dma_start3A_5 = arith.constant 0 : i32
    %dma_start3A_6 = tpu.memref_slice %arg2[%dma_start3A_4, %dma_start3A_5] : memref<2048x768xi32, #tpu.memory_space<hbm>> -> memref<2048x768xi32, #tpu.memory_space<hbm>>
    tpu.enqueue_indirect_dma source(%dma_start3A_6 : memref<2048x768xi32, #tpu.memory_space<hbm>>) target(%arg6 : memref<64x768xi32, #tpu.memory_space<vmem>>) offsets(%dma_start3A_3 : memref<64xi32, #tpu.memory_space<vmem>>) semaphore(%arg8 : memref<!tpu.dma_semaphore, #tpu.memory_space<semaphore_mem>>)
    %scan3A = arith.constant 0 : i32
    %scan3A_7 = arith.constant 0 : i32
    %scan3A_8 = arith.constant 4 : i32
    %scan3A_9 = arith.addi %scan3A_7, %scan3A_8 : i32
    %scan3A_10 = arith.constant 1 : i32
    scf.for %scan3A_15 = %scan3A_7 to %scan3A_9 step %scan3A_10  : i32 {
      %mul3A_16 = arith.constant 2 : i32
      %mul3A_17 = arith.muli %mul3A_16, %scan3A_15 : i32
      %add3A_18 = arith.constant 1 : i32
      %add3A_19 = arith.addi %mul3A_17, %add3A_18 : i32
      %dma_wait3A_20 = arith.constant 0 : i32
      %dma_wait3A_21 = arith.constant 0 : i32
      %dma_wait3A_22 = tpu.memref_slice %arg2[%dma_wait3A_20, %dma_wait3A_21] : memref<2048x768xi32, #tpu.memory_space<hbm>> -> memref<64x768xi32, #tpu.memory_space<hbm>>
      %dma_wait3A_23 = arith.constant 0 : i32
      %dma_wait3A_24 = arith.constant 0 : i32
      %dma_wait3A_25 = tpu.memref_slice %arg2[%dma_wait3A_23, %dma_wait3A_24] : memref<2048x768xi32, #tpu.memory_space<hbm>> -> memref<64x768xi32, #tpu.memory_space<hbm>>
      tpu.wait_dma2 semaphore(%arg8 : memref<!tpu.dma_semaphore, #tpu.memory_space<semaphore_mem>>) src(%dma_wait3A_25 : memref<64x768xi32, #tpu.memory_space<hbm>>) dst(%arg6 : memref<64x768xi32, #tpu.memory_space<vmem>>)
      %gt3A = arith.constant 0 : i32
      %gt3A_26 = arith.cmpi sgt, %scan3A_15, %gt3A : i32
      %convert_element_type3A = arith.extui %gt3A_26 : i1 to i32
      %cond3A = arith.constant 0 : i32
      %cond3A_27 = arith.cmpi ne, %convert_element_type3A, %cond3A : i32
      scf.if %cond3A_27 {
        %dma_wait3A_64 = arith.constant 0 : i32
        %dma_wait3A_65 = tpu.memref_slice %arg4[%mul3A_2, %dma_wait3A_64] : memref<16384x768xi32, #tpu.memory_space<hbm>> -> memref<64x768xi32, #tpu.memory_space<hbm>>
        %dma_wait3A_66 = arith.constant 0 : i32
        %dma_wait3A_67 = tpu.memref_slice %arg4[%mul3A_2, %dma_wait3A_66] : memref<16384x768xi32, #tpu.memory_space<hbm>> -> memref<64x768xi32, #tpu.memory_space<hbm>>
        tpu.wait_dma2 semaphore(%arg11 : memref<!tpu.dma_semaphore, #tpu.memory_space<semaphore_mem>>) src(%arg7 : memref<64x768xi32, #tpu.memory_space<vmem>>) dst(%dma_wait3A_67 : memref<64x768xi32, #tpu.memory_space<hbm>>)
      } else {
      }
      %mul3A_28 = arith.constant 64 : i32
      %mul3A_29 = arith.muli %add3A_19, %mul3A_28 : i32
      %dma_start3A_30 = tpu.memref_slice %arg5[%mul3A_29] : memref<512xi32, #tpu.memory_space<vmem>> -> memref<64xi32, #tpu.memory_space<vmem>>
      %dma_start3A_31 = arith.constant 0 : i32
      %dma_start3A_32 = arith.constant 0 : i32
      %dma_start3A_33 = tpu.memref_slice %arg2[%dma_start3A_31, %dma_start3A_32] : memref<2048x768xi32, #tpu.memory_space<hbm>> -> memref<2048x768xi32, #tpu.memory_space<hbm>>
      tpu.enqueue_indirect_dma source(%dma_start3A_33 : memref<2048x768xi32, #tpu.memory_space<hbm>>) target(%arg7 : memref<64x768xi32, #tpu.memory_space<vmem>>) offsets(%dma_start3A_30 : memref<64xi32, #tpu.memory_space<vmem>>) semaphore(%arg9 : memref<!tpu.dma_semaphore, #tpu.memory_space<semaphore_mem>>)
      %mul3A_34 = arith.constant 64 : i32
      %mul3A_35 = arith.muli %mul3A_17, %mul3A_34 : i32
      %add3A_36 = arith.addi %mul3A_2, %mul3A_35 : i32
      %dma_start3A_37 = arith.constant 0 : i32
      %dma_start3A_38 = tpu.memref_slice %arg4[%add3A_36, %dma_start3A_37] : memref<16384x768xi32, #tpu.memory_space<hbm>> -> memref<64x768xi32, #tpu.memory_space<hbm>>
      %dma_start3A_39 = arith.constant 0 : i32
      %dma_start3A_40 = tpu.memref_slice %arg4[%add3A_36, %dma_start3A_39] : memref<16384x768xi32, #tpu.memory_space<hbm>> -> memref<64x768xi32, #tpu.memory_space<hbm>>
      tpu.enqueue_dma source(%arg6 : memref<64x768xi32, #tpu.memory_space<vmem>>) target(%dma_start3A_40 : memref<64x768xi32, #tpu.memory_space<hbm>>) target_semaphore(%arg10 : memref<!tpu.dma_semaphore, #tpu.memory_space<semaphore_mem>>)
      %dma_wait3A_41 = arith.constant 0 : i32
      %dma_wait3A_42 = arith.constant 0 : i32
      %dma_wait3A_43 = tpu.memref_slice %arg2[%dma_wait3A_41, %dma_wait3A_42] : memref<2048x768xi32, #tpu.memory_space<hbm>> -> memref<64x768xi32, #tpu.memory_space<hbm>>
      %dma_wait3A_44 = arith.constant 0 : i32
      %dma_wait3A_45 = arith.constant 0 : i32
      %dma_wait3A_46 = tpu.memref_slice %arg2[%dma_wait3A_44, %dma_wait3A_45] : memref<2048x768xi32, #tpu.memory_space<hbm>> -> memref<64x768xi32, #tpu.memory_space<hbm>>
      tpu.wait_dma2 semaphore(%arg9 : memref<!tpu.dma_semaphore, #tpu.memory_space<semaphore_mem>>) src(%dma_wait3A_46 : memref<64x768xi32, #tpu.memory_space<hbm>>) dst(%arg7 : memref<64x768xi32, #tpu.memory_space<vmem>>)
      %dma_wait3A_47 = arith.constant 0 : i32
      %dma_wait3A_48 = tpu.memref_slice %arg4[%mul3A_2, %dma_wait3A_47] : memref<16384x768xi32, #tpu.memory_space<hbm>> -> memref<64x768xi32, #tpu.memory_space<hbm>>
      %dma_wait3A_49 = arith.constant 0 : i32
      %dma_wait3A_50 = tpu.memref_slice %arg4[%mul3A_2, %dma_wait3A_49] : memref<16384x768xi32, #tpu.memory_space<hbm>> -> memref<64x768xi32, #tpu.memory_space<hbm>>
      tpu.wait_dma2 semaphore(%arg10 : memref<!tpu.dma_semaphore, #tpu.memory_space<semaphore_mem>>) src(%arg6 : memref<64x768xi32, #tpu.memory_space<vmem>>) dst(%dma_wait3A_50 : memref<64x768xi32, #tpu.memory_space<hbm>>)
      %add3A_51 = arith.constant 1 : i32
      %add3A_52 = arith.addi %add3A_19, %add3A_51 : i32
      %lt3A = arith.constant 8 : i32
      %lt3A_53 = arith.cmpi slt, %add3A_52, %lt3A : i32
      %convert_element_type3A_54 = arith.extui %lt3A_53 : i1 to i32
      %cond3A_55 = arith.constant 0 : i32
      %cond3A_56 = arith.cmpi ne, %convert_element_type3A_54, %cond3A_55 : i32
      scf.if %cond3A_56 {
        %add3A_64 = arith.constant 1 : i32
        %add3A_65 = arith.addi %add3A_19, %add3A_64 : i32
        %mul3A_66 = arith.constant 64 : i32
        %mul3A_67 = arith.muli %add3A_65, %mul3A_66 : i32
        %dma_start3A_68 = tpu.memref_slice %arg5[%mul3A_67] : memref<512xi32, #tpu.memory_space<vmem>> -> memref<64xi32, #tpu.memory_space<vmem>>
        %dma_start3A_69 = arith.constant 0 : i32
        %dma_start3A_70 = arith.constant 0 : i32
        %dma_start3A_71 = tpu.memref_slice %arg2[%dma_start3A_69, %dma_start3A_70] : memref<2048x768xi32, #tpu.memory_space<hbm>> -> memref<2048x768xi32, #tpu.memory_space<hbm>>
        tpu.enqueue_indirect_dma source(%dma_start3A_71 : memref<2048x768xi32, #tpu.memory_space<hbm>>) target(%arg6 : memref<64x768xi32, #tpu.memory_space<vmem>>) offsets(%dma_start3A_68 : memref<64xi32, #tpu.memory_space<vmem>>) semaphore(%arg8 : memref<!tpu.dma_semaphore, #tpu.memory_space<semaphore_mem>>)
      } else {
      }
      %mul3A_57 = arith.constant 64 : i32
      %mul3A_58 = arith.muli %add3A_19, %mul3A_57 : i32
      %add3A_59 = arith.addi %mul3A_2, %mul3A_58 : i32
      %dma_start3A_60 = arith.constant 0 : i32
      %dma_start3A_61 = tpu.memref_slice %arg4[%add3A_59, %dma_start3A_60] : memref<16384x768xi32, #tpu.memory_space<hbm>> -> memref<64x768xi32, #tpu.memory_space<hbm>>
      %dma_start3A_62 = arith.constant 0 : i32
      %dma_start3A_63 = tpu.memref_slice %arg4[%add3A_59, %dma_start3A_62] : memref<16384x768xi32, #tpu.memory_space<hbm>> -> memref<64x768xi32, #tpu.memory_space<hbm>>
      tpu.enqueue_dma source(%arg7 : memref<64x768xi32, #tpu.memory_space<vmem>>) target(%dma_start3A_63 : memref<64x768xi32, #tpu.memory_space<hbm>>) target_semaphore(%arg11 : memref<!tpu.dma_semaphore, #tpu.memory_space<semaphore_mem>>)
    }
    %scan3A_11 = arith.constant 4 : i32
    %dma_wait3A = arith.constant 0 : i32
    %dma_wait3A_12 = tpu.memref_slice %arg4[%mul3A_2, %dma_wait3A] : memref<16384x768xi32, #tpu.memory_space<hbm>> -> memref<64x768xi32, #tpu.memory_space<hbm>>
    %dma_wait3A_13 = arith.constant 0 : i32
    %dma_wait3A_14 = tpu.memref_slice %arg4[%mul3A_2, %dma_wait3A_13] : memref<16384x768xi32, #tpu.memory_space<hbm>> -> memref<64x768xi32, #tpu.memory_space<hbm>>
    tpu.wait_dma2 semaphore(%arg11 : memref<!tpu.dma_semaphore, #tpu.memory_space<semaphore_mem>>) src(%arg7 : memref<64x768xi32, #tpu.memory_space<vmem>>) dst(%dma_wait3A_14 : memref<64x768xi32, #tpu.memory_space<hbm>>)
    return
  }
}

#map = affine_map<(d0, d1) -> (0, 0)>
#map1 = affine_map<(d0, d1) -> (0)>
module attributes {stable_mosaic.version = 14 : i64} {
  func.func @k(%arg0: i32, %arg1: i32, %arg2: memref<2048x768xi32, #tpu.memory_space<hbm>>, %arg3: memref<16384xi32, #tpu.memory_space<hbm>>, %arg4: memref<16384x768xi32, #tpu.memory_space<hbm>>, %arg5: memref<512xi32, #tpu.memory_space<vmem>>, %arg6: memref<64x768xi32, #tpu.memory_space<vmem>>, %arg7: memref<64x768xi32, #tpu.memory_space<vmem>>, %arg8: memref<!tpu.dma_semaphore, #tpu.memory_space<semaphore_mem>>, %arg9: memref<!tpu.dma_semaphore, #tpu.memory_space<semaphore_mem>>, %arg10: memref<!tpu.dma_semaphore, #tpu.memory_space<semaphore_mem>>, %arg11: memref<!tpu.dma_semaphore, #tpu.memory_space<semaphore_mem>>) attributes {dimension_semantics = [#tpu.dimension_semantics<core_parallel>, #tpu.dimension_semantics<subcore_parallel>], iteration_bounds = array<i64: 2, 16>, scalar_prefetch = 0 : i64, scratch_operands = 7 : i64, tpu.core_type = #tpu.core_type<sc_vector_subcore>, window_params = [{transform_indices = #map}, {transform_indices = #map1}, {transform_indices = #map}]} {
    %mul3A = arith.constant 2 : i32
    %mul3A_0 = arith.muli %arg1, %mul3A : i32
    %add3A = arith.addi %mul3A_0, %arg0 : i32
    %mul3A_1 = arith.constant 512 : i32
    %mul3A_2 = arith.muli %add3A, %mul3A_1 : i32
    "tpu.region"() ({
      %run_scoped3A = tpu.sem_alloc : memref<!tpu.dma_semaphore, #tpu.memory_space<semaphore_mem>>
      %dma_start3A_15 = tpu.memref_slice %arg3[%mul3A_2] : memref<16384xi32, #tpu.memory_space<hbm>> -> memref<512xi32, #tpu.memory_space<hbm>>
      %dma_start3A_16 = tpu.memref_slice %arg3[%mul3A_2] : memref<16384xi32, #tpu.memory_space<hbm>> -> memref<512xi32, #tpu.memory_space<hbm>>
      tpu.enqueue_dma source(%dma_start3A_16 : memref<512xi32, #tpu.memory_space<hbm>>) target(%arg5 : memref<512xi32, #tpu.memory_space<vmem>>) target_semaphore(%run_scoped3A : memref<!tpu.dma_semaphore, #tpu.memory_space<semaphore_mem>>)
      %dma_wait3A_17 = tpu.memref_slice %arg3[%mul3A_2] : memref<16384xi32, #tpu.memory_space<hbm>> -> memref<512xi32, #tpu.memory_space<hbm>>
      %dma_wait3A_18 = tpu.memref_slice %arg3[%mul3A_2] : memref<16384xi32, #tpu.memory_space<hbm>> -> memref<512xi32, #tpu.memory_space<hbm>>
      tpu.wait_dma2 semaphore(%run_scoped3A : memref<!tpu.dma_semaphore, #tpu.memory_space<semaphore_mem>>) src(%dma_wait3A_18 : memref<512xi32, #tpu.memory_space<hbm>>) dst(%arg5 : memref<512xi32, #tpu.memory_space<vmem>>)
      tpu.yield
    }) : () -> ()
    %dma_start3A = arith.constant 0 : i32
    %dma_start3A_3 = tpu.memref_slice %arg5[%dma_start3A] : memref<512xi32, #tpu.memory_space<vmem>> -> memref<64xi32, #tpu.memory_space<vmem>>
    %dma_start3A_4 = arith.constant 0 : i32
    %dma_start3A_5 = arith.constant 0 : i32
    %dma_start3A_6 = tpu.memref_slice %arg2[%dma_start3A_4, %dma_start3A_5] : memref<2048x768xi32, #tpu.memory_space<hbm>> -> memref<2048x768xi32, #tpu.memory_space<hbm>>
    tpu.enqueue_indirect_dma source(%dma_start3A_6 : memref<2048x768xi32, #tpu.memory_space<hbm>>) target(%arg6 : memref<64x768xi32, #tpu.memory_space<vmem>>) offsets(%dma_start3A_3 : memref<64xi32, #tpu.memory_space<vmem>>) semaphore(%arg8 : memref<!tpu.dma_semaphore, #tpu.memory_space<semaphore_mem>>)
    %scan3A = arith.constant 0 : i32
    %scan3A_7 = arith.constant 0 : i32
    %scan3A_8 = arith.constant 4 : i32
    %scan3A_9 = arith.addi %scan3A_7, %scan3A_8 : i32
    %scan3A_10 = arith.constant 1 : i32
    scf.for %scan3A_15 = %scan3A_7 to %scan3A_9 step %scan3A_10  : i32 {
      %mul3A_16 = arith.constant 2 : i32
      %mul3A_17 = arith.muli %mul3A_16, %scan3A_15 : i32
      %add3A_18 = arith.constant 1 : i32
      %add3A_19 = arith.addi %mul3A_17, %add3A_18 : i32
      %dma_wait3A_20 = arith.constant 0 : i32
      %dma_wait3A_21 = arith.constant 0 : i32
      %dma_wait3A_22 = tpu.memref_slice %arg2[%dma_wait3A_20, %dma_wait3A_21] : memref<2048x768xi32, #tpu.memory_space<hbm>> -> memref<64x768xi32, #tpu.memory_space<hbm>>
      %dma_wait3A_23 = arith.constant 0 : i32
      %dma_wait3A_24 = arith.constant 0 : i32
      %dma_wait3A_25 = tpu.memref_slice %arg2[%dma_wait3A_23, %dma_wait3A_24] : memref<2048x768xi32, #tpu.memory_space<hbm>> -> memref<64x768xi32, #tpu.memory_space<hbm>>
      tpu.wait_dma2 semaphore(%arg8 : memref<!tpu.dma_semaphore, #tpu.memory_space<semaphore_mem>>) src(%dma_wait3A_25 : memref<64x768xi32, #tpu.memory_space<hbm>>) dst(%arg6 : memref<64x768xi32, #tpu.memory_space<vmem>>)
      %gt3A = arith.constant 0 : i32
      %gt3A_26 = arith.cmpi sgt, %scan3A_15, %gt3A : i32
      %convert_element_type3A = arith.extui %gt3A_26 : i1 to i32
      %cond3A = arith.constant 0 : i32
      %cond3A_27 = arith.cmpi ne, %convert_element_type3A, %cond3A : i32
      scf.if %cond3A_27 {
        %dma_wait3A_64 = arith.constant 0 : i32
        %dma_wait3A_65 = tpu.memref_slice %arg4[%mul3A_2, %dma_wait3A_64] : memref<16384x768xi32, #tpu.memory_space<hbm>> -> memref<64x768xi32, #tpu.memory_space<hbm>>
        %dma_wait3A_66 = arith.constant 0 : i32
        %dma_wait3A_67 = tpu.memref_slice %arg4[%mul3A_2, %dma_wait3A_66] : memref<16384x768xi32, #tpu.memory_space<hbm>> -> memref<64x768xi32, #tpu.memory_space<hbm>>
        tpu.wait_dma2 semaphore(%arg11 : memref<!tpu.dma_semaphore, #tpu.memory_space<semaphore_mem>>) src(%arg7 : memref<64x768xi32, #tpu.memory_space<vmem>>) dst(%dma_wait3A_67 : memref<64x768xi32, #tpu.memory_space<hbm>>)
      } else {
      }
      %mul3A_28 = arith.constant 64 : i32
      %mul3A_29 = arith.muli %add3A_19, %mul3A_28 : i32
      %dma_start3A_30 = tpu.memref_slice %arg5[%mul3A_29] : memref<512xi32, #tpu.memory_space<vmem>> -> memref<64xi32, #tpu.memory_space<vmem>>
      %dma_start3A_31 = arith.constant 0 : i32
      %dma_start3A_32 = arith.constant 0 : i32
      %dma_start3A_33 = tpu.memref_slice %arg2[%dma_start3A_31, %dma_start3A_32] : memref<2048x768xi32, #tpu.memory_space<hbm>> -> memref<2048x768xi32, #tpu.memory_space<hbm>>
      tpu.enqueue_indirect_dma source(%dma_start3A_33 : memref<2048x768xi32, #tpu.memory_space<hbm>>) target(%arg7 : memref<64x768xi32, #tpu.memory_space<vmem>>) offsets(%dma_start3A_30 : memref<64xi32, #tpu.memory_space<vmem>>) semaphore(%arg9 : memref<!tpu.dma_semaphore, #tpu.memory_space<semaphore_mem>>)
      %mul3A_34 = arith.constant 64 : i32
      %mul3A_35 = arith.muli %mul3A_17, %mul3A_34 : i32
      %add3A_36 = arith.addi %mul3A_2, %mul3A_35 : i32
      %dma_start3A_37 = arith.constant 0 : i32
      %dma_start3A_38 = tpu.memref_slice %arg4[%add3A_36, %dma_start3A_37] : memref<16384x768xi32, #tpu.memory_space<hbm>> -> memref<64x768xi32, #tpu.memory_space<hbm>>
      %dma_start3A_39 = arith.constant 0 : i32
      %dma_start3A_40 = tpu.memref_slice %arg4[%add3A_36, %dma_start3A_39] : memref<16384x768xi32, #tpu.memory_space<hbm>> -> memref<64x768xi32, #tpu.memory_space<hbm>>
      tpu.enqueue_dma source(%arg6 : memref<64x768xi32, #tpu.memory_space<vmem>>) target(%dma_start3A_40 : memref<64x768xi32, #tpu.memory_space<hbm>>) target_semaphore(%arg10 : memref<!tpu.dma_semaphore, #tpu.memory_space<semaphore_mem>>)
      %dma_wait3A_41 = arith.constant 0 : i32
      %dma_wait3A_42 = arith.constant 0 : i32
      %dma_wait3A_43 = tpu.memref_slice %arg2[%dma_wait3A_41, %dma_wait3A_42] : memref<2048x768xi32, #tpu.memory_space<hbm>> -> memref<64x768xi32, #tpu.memory_space<hbm>>
      %dma_wait3A_44 = arith.constant 0 : i32
      %dma_wait3A_45 = arith.constant 0 : i32
      %dma_wait3A_46 = tpu.memref_slice %arg2[%dma_wait3A_44, %dma_wait3A_45] : memref<2048x768xi32, #tpu.memory_space<hbm>> -> memref<64x768xi32, #tpu.memory_space<hbm>>
      tpu.wait_dma2 semaphore(%arg9 : memref<!tpu.dma_semaphore, #tpu.memory_space<semaphore_mem>>) src(%dma_wait3A_46 : memref<64x768xi32, #tpu.memory_space<hbm>>) dst(%arg7 : memref<64x768xi32, #tpu.memory_space<vmem>>)
      %dma_wait3A_47 = arith.constant 0 : i32
      %dma_wait3A_48 = tpu.memref_slice %arg4[%mul3A_2, %dma_wait3A_47] : memref<16384x768xi32, #tpu.memory_space<hbm>> -> memref<64x768xi32, #tpu.memory_space<hbm>>
      %dma_wait3A_49 = arith.constant 0 : i32
      %dma_wait3A_50 = tpu.memref_slice %arg4[%mul3A_2, %dma_wait3A_49] : memref<16384x768xi32, #tpu.memory_space<hbm>> -> memref<64x768xi32, #tpu.memory_space<hbm>>
      tpu.wait_dma2 semaphore(%arg10 : memref<!tpu.dma_semaphore, #tpu.memory_space<semaphore_mem>>) src(%arg6 : memref<64x768xi32, #tpu.memory_space<vmem>>) dst(%dma_wait3A_50 : memref<64x768xi32, #tpu.memory_space<hbm>>)
      %add3A_51 = arith.constant 1 : i32
      %add3A_52 = arith.addi %add3A_19, %add3A_51 : i32
      %lt3A = arith.constant 8 : i32
      %lt3A_53 = arith.cmpi slt, %add3A_52, %lt3A : i32
      %convert_element_type3A_54 = arith.extui %lt3A_53 : i1 to i32
      %cond3A_55 = arith.constant 0 : i32
      %cond3A_56 = arith.cmpi ne, %convert_element_type3A_54, %cond3A_55 : i32
      scf.if %cond3A_56 {
        %add3A_64 = arith.constant 1 : i32
        %add3A_65 = arith.addi %add3A_19, %add3A_64 : i32
        %mul3A_66 = arith.constant 64 : i32
        %mul3A_67 = arith.muli %add3A_65, %mul3A_66 : i32
        %dma_start3A_68 = tpu.memref_slice %arg5[%mul3A_67] : memref<512xi32, #tpu.memory_space<vmem>> -> memref<64xi32, #tpu.memory_space<vmem>>
        %dma_start3A_69 = arith.constant 0 : i32
        %dma_start3A_70 = arith.constant 0 : i32
        %dma_start3A_71 = tpu.memref_slice %arg2[%dma_start3A_69, %dma_start3A_70] : memref<2048x768xi32, #tpu.memory_space<hbm>> -> memref<2048x768xi32, #tpu.memory_space<hbm>>
        tpu.enqueue_indirect_dma source(%dma_start3A_71 : memref<2048x768xi32, #tpu.memory_space<hbm>>) target(%arg6 : memref<64x768xi32, #tpu.memory_space<vmem>>) offsets(%dma_start3A_68 : memref<64xi32, #tpu.memory_space<vmem>>) semaphore(%arg8 : memref<!tpu.dma_semaphore, #tpu.memory_space<semaphore_mem>>)
      } else {
      }
      %mul3A_57 = arith.constant 64 : i32
      %mul3A_58 = arith.muli %add3A_19, %mul3A_57 : i32
      %add3A_59 = arith.addi %mul3A_2, %mul3A_58 : i32
      %dma_start3A_60 = arith.constant 0 : i32
      %dma_start3A_61 = tpu.memref_slice %arg4[%add3A_59, %dma_start3A_60] : memref<16384x768xi32, #tpu.memory_space<hbm>> -> memref<64x768xi32, #tpu.memory_space<hbm>>
      %dma_start3A_62 = arith.constant 0 : i32
      %dma_start3A_63 = tpu.memref_slice %arg4[%add3A_59, %dma_start3A_62] : memref<16384x768xi32, #tpu.memory_space<hbm>> -> memref<64x768xi32, #tpu.memory_space<hbm>>
      tpu.enqueue_dma source(%arg7 : memref<64x768xi32, #tpu.memory_space<vmem>>) target(%dma_start3A_63 : memref<64x768xi32, #tpu.memory_space<hbm>>) target_semaphore(%arg11 : memref<!tpu.dma_semaphore, #tpu.memory_space<semaphore_mem>>)
    }
    %scan3A_11 = arith.constant 4 : i32
    %dma_wait3A = arith.constant 0 : i32
    %dma_wait3A_12 = tpu.memref_slice %arg4[%mul3A_2, %dma_wait3A] : memref<16384x768xi32, #tpu.memory_space<hbm>> -> memref<64x768xi32, #tpu.memory_space<hbm>>
    %dma_wait3A_13 = arith.constant 0 : i32
    %dma_wait3A_14 = tpu.memref_slice %arg4[%mul3A_2, %dma_wait3A_13] : memref<16384x768xi32, #tpu.memory_space<hbm>> -> memref<64x768xi32, #tpu.memory_space<hbm>>
    tpu.wait_dma2 semaphore(%arg11 : memref<!tpu.dma_semaphore, #tpu.memory_space<semaphore_mem>>) src(%arg7 : memref<64x768xi32, #tpu.memory_space<vmem>>) dst(%dma_wait3A_14 : memref<64x768xi32, #tpu.memory_space<hbm>>)
    return
  }
}

#map = affine_map<(d0, d1) -> (0, 0)>
#map1 = affine_map<(d0, d1) -> (0)>
module attributes {stable_mosaic.version = 14 : i64} {
  func.func @k(%arg0: i32, %arg1: i32, %arg2: memref<2048x768xi32, #tpu.memory_space<hbm>>, %arg3: memref<16384xi32, #tpu.memory_space<hbm>>, %arg4: memref<16384x768xi32, #tpu.memory_space<hbm>>, %arg5: memref<512xi32, #tpu.memory_space<vmem>>, %arg6: memref<64x768xi32, #tpu.memory_space<vmem>>, %arg7: memref<64x768xi32, #tpu.memory_space<vmem>>, %arg8: memref<!tpu.dma_semaphore, #tpu.memory_space<semaphore_mem>>, %arg9: memref<!tpu.dma_semaphore, #tpu.memory_space<semaphore_mem>>, %arg10: memref<!tpu.dma_semaphore, #tpu.memory_space<semaphore_mem>>, %arg11: memref<!tpu.dma_semaphore, #tpu.memory_space<semaphore_mem>>) attributes {dimension_semantics = [#tpu.dimension_semantics<core_parallel>, #tpu.dimension_semantics<subcore_parallel>], iteration_bounds = array<i64: 2, 16>, scalar_prefetch = 0 : i64, scratch_operands = 7 : i64, tpu.core_type = #tpu.core_type<sc_vector_subcore>, window_params = [{transform_indices = #map}, {transform_indices = #map1}, {transform_indices = #map}]} {
    %mul3A = arith.constant 2 : i32
    %mul3A_0 = arith.muli %arg1, %mul3A : i32
    %add3A = arith.addi %mul3A_0, %arg0 : i32
    %mul3A_1 = arith.constant 512 : i32
    %mul3A_2 = arith.muli %add3A, %mul3A_1 : i32
    "tpu.region"() ({
      %run_scoped3A = tpu.sem_alloc : memref<!tpu.dma_semaphore, #tpu.memory_space<semaphore_mem>>
      %dma_start3A_15 = tpu.memref_slice %arg3[%mul3A_2] : memref<16384xi32, #tpu.memory_space<hbm>> -> memref<512xi32, #tpu.memory_space<hbm>>
      %dma_start3A_16 = tpu.memref_slice %arg3[%mul3A_2] : memref<16384xi32, #tpu.memory_space<hbm>> -> memref<512xi32, #tpu.memory_space<hbm>>
      tpu.enqueue_dma source(%dma_start3A_16 : memref<512xi32, #tpu.memory_space<hbm>>) target(%arg5 : memref<512xi32, #tpu.memory_space<vmem>>) target_semaphore(%run_scoped3A : memref<!tpu.dma_semaphore, #tpu.memory_space<semaphore_mem>>)
      %dma_wait3A_17 = tpu.memref_slice %arg3[%mul3A_2] : memref<16384xi32, #tpu.memory_space<hbm>> -> memref<512xi32, #tpu.memory_space<hbm>>
      %dma_wait3A_18 = tpu.memref_slice %arg3[%mul3A_2] : memref<16384xi32, #tpu.memory_space<hbm>> -> memref<512xi32, #tpu.memory_space<hbm>>
      tpu.wait_dma2 semaphore(%run_scoped3A : memref<!tpu.dma_semaphore, #tpu.memory_space<semaphore_mem>>) src(%dma_wait3A_18 : memref<512xi32, #tpu.memory_space<hbm>>) dst(%arg5 : memref<512xi32, #tpu.memory_space<vmem>>)
      tpu.yield
    }) : () -> ()
    %dma_start3A = arith.constant 0 : i32
    %dma_start3A_3 = tpu.memref_slice %arg5[%dma_start3A] : memref<512xi32, #tpu.memory_space<vmem>> -> memref<64xi32, #tpu.memory_space<vmem>>
    %dma_start3A_4 = arith.constant 0 : i32
    %dma_start3A_5 = arith.constant 0 : i32
    %dma_start3A_6 = tpu.memref_slice %arg2[%dma_start3A_4, %dma_start3A_5] : memref<2048x768xi32, #tpu.memory_space<hbm>> -> memref<2048x768xi32, #tpu.memory_space<hbm>>
    tpu.enqueue_indirect_dma source(%dma_start3A_6 : memref<2048x768xi32, #tpu.memory_space<hbm>>) target(%arg6 : memref<64x768xi32, #tpu.memory_space<vmem>>) offsets(%dma_start3A_3 : memref<64xi32, #tpu.memory_space<vmem>>) semaphore(%arg8 : memref<!tpu.dma_semaphore, #tpu.memory_space<semaphore_mem>>)
    %scan3A = arith.constant 0 : i32
    %scan3A_7 = arith.constant 0 : i32
    %scan3A_8 = arith.constant 4 : i32
    %scan3A_9 = arith.addi %scan3A_7, %scan3A_8 : i32
    %scan3A_10 = arith.constant 1 : i32
    scf.for %scan3A_15 = %scan3A_7 to %scan3A_9 step %scan3A_10  : i32 {
      %mul3A_16 = arith.constant 2 : i32
      %mul3A_17 = arith.muli %mul3A_16, %scan3A_15 : i32
      %add3A_18 = arith.constant 1 : i32
      %add3A_19 = arith.addi %mul3A_17, %add3A_18 : i32
      %dma_wait3A_20 = arith.constant 0 : i32
      %dma_wait3A_21 = arith.constant 0 : i32
      %dma_wait3A_22 = tpu.memref_slice %arg2[%dma_wait3A_20, %dma_wait3A_21] : memref<2048x768xi32, #tpu.memory_space<hbm>> -> memref<64x768xi32, #tpu.memory_space<hbm>>
      %dma_wait3A_23 = arith.constant 0 : i32
      %dma_wait3A_24 = arith.constant 0 : i32
      %dma_wait3A_25 = tpu.memref_slice %arg2[%dma_wait3A_23, %dma_wait3A_24] : memref<2048x768xi32, #tpu.memory_space<hbm>> -> memref<64x768xi32, #tpu.memory_space<hbm>>
      tpu.wait_dma2 semaphore(%arg8 : memref<!tpu.dma_semaphore, #tpu.memory_space<semaphore_mem>>) src(%dma_wait3A_25 : memref<64x768xi32, #tpu.memory_space<hbm>>) dst(%arg6 : memref<64x768xi32, #tpu.memory_space<vmem>>)
      %gt3A = arith.constant 0 : i32
      %gt3A_26 = arith.cmpi sgt, %scan3A_15, %gt3A : i32
      %convert_element_type3A = arith.extui %gt3A_26 : i1 to i32
      %cond3A = arith.constant 0 : i32
      %cond3A_27 = arith.cmpi ne, %convert_element_type3A, %cond3A : i32
      scf.if %cond3A_27 {
        %dma_wait3A_64 = arith.constant 0 : i32
        %dma_wait3A_65 = tpu.memref_slice %arg4[%mul3A_2, %dma_wait3A_64] : memref<16384x768xi32, #tpu.memory_space<hbm>> -> memref<64x768xi32, #tpu.memory_space<hbm>>
        %dma_wait3A_66 = arith.constant 0 : i32
        %dma_wait3A_67 = tpu.memref_slice %arg4[%mul3A_2, %dma_wait3A_66] : memref<16384x768xi32, #tpu.memory_space<hbm>> -> memref<64x768xi32, #tpu.memory_space<hbm>>
        tpu.wait_dma2 semaphore(%arg11 : memref<!tpu.dma_semaphore, #tpu.memory_space<semaphore_mem>>) src(%arg7 : memref<64x768xi32, #tpu.memory_space<vmem>>) dst(%dma_wait3A_67 : memref<64x768xi32, #tpu.memory_space<hbm>>)
      } else {
      }
      %mul3A_28 = arith.constant 64 : i32
      %mul3A_29 = arith.muli %add3A_19, %mul3A_28 : i32
      %dma_start3A_30 = tpu.memref_slice %arg5[%mul3A_29] : memref<512xi32, #tpu.memory_space<vmem>> -> memref<64xi32, #tpu.memory_space<vmem>>
      %dma_start3A_31 = arith.constant 0 : i32
      %dma_start3A_32 = arith.constant 0 : i32
      %dma_start3A_33 = tpu.memref_slice %arg2[%dma_start3A_31, %dma_start3A_32] : memref<2048x768xi32, #tpu.memory_space<hbm>> -> memref<2048x768xi32, #tpu.memory_space<hbm>>
      tpu.enqueue_indirect_dma source(%dma_start3A_33 : memref<2048x768xi32, #tpu.memory_space<hbm>>) target(%arg7 : memref<64x768xi32, #tpu.memory_space<vmem>>) offsets(%dma_start3A_30 : memref<64xi32, #tpu.memory_space<vmem>>) semaphore(%arg9 : memref<!tpu.dma_semaphore, #tpu.memory_space<semaphore_mem>>)
      %mul3A_34 = arith.constant 64 : i32
      %mul3A_35 = arith.muli %mul3A_17, %mul3A_34 : i32
      %add3A_36 = arith.addi %mul3A_2, %mul3A_35 : i32
      %dma_start3A_37 = arith.constant 0 : i32
      %dma_start3A_38 = tpu.memref_slice %arg4[%add3A_36, %dma_start3A_37] : memref<16384x768xi32, #tpu.memory_space<hbm>> -> memref<64x768xi32, #tpu.memory_space<hbm>>
      %dma_start3A_39 = arith.constant 0 : i32
      %dma_start3A_40 = tpu.memref_slice %arg4[%add3A_36, %dma_start3A_39] : memref<16384x768xi32, #tpu.memory_space<hbm>> -> memref<64x768xi32, #tpu.memory_space<hbm>>
      tpu.enqueue_dma source(%arg6 : memref<64x768xi32, #tpu.memory_space<vmem>>) target(%dma_start3A_40 : memref<64x768xi32, #tpu.memory_space<hbm>>) target_semaphore(%arg10 : memref<!tpu.dma_semaphore, #tpu.memory_space<semaphore_mem>>)
      %dma_wait3A_41 = arith.constant 0 : i32
      %dma_wait3A_42 = arith.constant 0 : i32
      %dma_wait3A_43 = tpu.memref_slice %arg2[%dma_wait3A_41, %dma_wait3A_42] : memref<2048x768xi32, #tpu.memory_space<hbm>> -> memref<64x768xi32, #tpu.memory_space<hbm>>
      %dma_wait3A_44 = arith.constant 0 : i32
      %dma_wait3A_45 = arith.constant 0 : i32
      %dma_wait3A_46 = tpu.memref_slice %arg2[%dma_wait3A_44, %dma_wait3A_45] : memref<2048x768xi32, #tpu.memory_space<hbm>> -> memref<64x768xi32, #tpu.memory_space<hbm>>
      tpu.wait_dma2 semaphore(%arg9 : memref<!tpu.dma_semaphore, #tpu.memory_space<semaphore_mem>>) src(%dma_wait3A_46 : memref<64x768xi32, #tpu.memory_space<hbm>>) dst(%arg7 : memref<64x768xi32, #tpu.memory_space<vmem>>)
      %dma_wait3A_47 = arith.constant 0 : i32
      %dma_wait3A_48 = tpu.memref_slice %arg4[%mul3A_2, %dma_wait3A_47] : memref<16384x768xi32, #tpu.memory_space<hbm>> -> memref<64x768xi32, #tpu.memory_space<hbm>>
      %dma_wait3A_49 = arith.constant 0 : i32
      %dma_wait3A_50 = tpu.memref_slice %arg4[%mul3A_2, %dma_wait3A_49] : memref<16384x768xi32, #tpu.memory_space<hbm>> -> memref<64x768xi32, #tpu.memory_space<hbm>>
      tpu.wait_dma2 semaphore(%arg10 : memref<!tpu.dma_semaphore, #tpu.memory_space<semaphore_mem>>) src(%arg6 : memref<64x768xi32, #tpu.memory_space<vmem>>) dst(%dma_wait3A_50 : memref<64x768xi32, #tpu.memory_space<hbm>>)
      %add3A_51 = arith.constant 1 : i32
      %add3A_52 = arith.addi %add3A_19, %add3A_51 : i32
      %lt3A = arith.constant 8 : i32
      %lt3A_53 = arith.cmpi slt, %add3A_52, %lt3A : i32
      %convert_element_type3A_54 = arith.extui %lt3A_53 : i1 to i32
      %cond3A_55 = arith.constant 0 : i32
      %cond3A_56 = arith.cmpi ne, %convert_element_type3A_54, %cond3A_55 : i32
      scf.if %cond3A_56 {
        %add3A_64 = arith.constant 1 : i32
        %add3A_65 = arith.addi %add3A_19, %add3A_64 : i32
        %mul3A_66 = arith.constant 64 : i32
        %mul3A_67 = arith.muli %add3A_65, %mul3A_66 : i32
        %dma_start3A_68 = tpu.memref_slice %arg5[%mul3A_67] : memref<512xi32, #tpu.memory_space<vmem>> -> memref<64xi32, #tpu.memory_space<vmem>>
        %dma_start3A_69 = arith.constant 0 : i32
        %dma_start3A_70 = arith.constant 0 : i32
        %dma_start3A_71 = tpu.memref_slice %arg2[%dma_start3A_69, %dma_start3A_70] : memref<2048x768xi32, #tpu.memory_space<hbm>> -> memref<2048x768xi32, #tpu.memory_space<hbm>>
        tpu.enqueue_indirect_dma source(%dma_start3A_71 : memref<2048x768xi32, #tpu.memory_space<hbm>>) target(%arg6 : memref<64x768xi32, #tpu.memory_space<vmem>>) offsets(%dma_start3A_68 : memref<64xi32, #tpu.memory_space<vmem>>) semaphore(%arg8 : memref<!tpu.dma_semaphore, #tpu.memory_space<semaphore_mem>>)
      } else {
      }
      %mul3A_57 = arith.constant 64 : i32
      %mul3A_58 = arith.muli %add3A_19, %mul3A_57 : i32
      %add3A_59 = arith.addi %mul3A_2, %mul3A_58 : i32
      %dma_start3A_60 = arith.constant 0 : i32
      %dma_start3A_61 = tpu.memref_slice %arg4[%add3A_59, %dma_start3A_60] : memref<16384x768xi32, #tpu.memory_space<hbm>> -> memref<64x768xi32, #tpu.memory_space<hbm>>
      %dma_start3A_62 = arith.constant 0 : i32
      %dma_start3A_63 = tpu.memref_slice %arg4[%add3A_59, %dma_start3A_62] : memref<16384x768xi32, #tpu.memory_space<hbm>> -> memref<64x768xi32, #tpu.memory_space<hbm>>
      tpu.enqueue_dma source(%arg7 : memref<64x768xi32, #tpu.memory_space<vmem>>) target(%dma_start3A_63 : memref<64x768xi32, #tpu.memory_space<hbm>>) target_semaphore(%arg11 : memref<!tpu.dma_semaphore, #tpu.memory_space<semaphore_mem>>)
    }
    %scan3A_11 = arith.constant 4 : i32
    %dma_wait3A = arith.constant 0 : i32
    %dma_wait3A_12 = tpu.memref_slice %arg4[%mul3A_2, %dma_wait3A] : memref<16384x768xi32, #tpu.memory_space<hbm>> -> memref<64x768xi32, #tpu.memory_space<hbm>>
    %dma_wait3A_13 = arith.constant 0 : i32
    %dma_wait3A_14 = tpu.memref_slice %arg4[%mul3A_2, %dma_wait3A_13] : memref<16384x768xi32, #tpu.memory_space<hbm>> -> memref<64x768xi32, #tpu.memory_space<hbm>>
    tpu.wait_dma2 semaphore(%arg11 : memref<!tpu.dma_semaphore, #tpu.memory_space<semaphore_mem>>) src(%arg7 : memref<64x768xi32, #tpu.memory_space<vmem>>) dst(%dma_wait3A_14 : memref<64x768xi32, #tpu.memory_space<hbm>>)
    return
  }
}

#map = affine_map<(d0, d1) -> (0, 0)>
#map1 = affine_map<(d0, d1) -> (0)>
module attributes {stable_mosaic.version = 14 : i64} {
  func.func @k(%arg0: i32, %arg1: i32, %arg2: memref<2048x768xi32, #tpu.memory_space<hbm>>, %arg3: memref<16384xi32, #tpu.memory_space<hbm>>, %arg4: memref<16384x768xi32, #tpu.memory_space<hbm>>, %arg5: memref<512xi32, #tpu.memory_space<vmem>>, %arg6: memref<64x768xi32, #tpu.memory_space<vmem>>, %arg7: memref<64x768xi32, #tpu.memory_space<vmem>>, %arg8: memref<!tpu.dma_semaphore, #tpu.memory_space<semaphore_mem>>, %arg9: memref<!tpu.dma_semaphore, #tpu.memory_space<semaphore_mem>>, %arg10: memref<!tpu.dma_semaphore, #tpu.memory_space<semaphore_mem>>, %arg11: memref<!tpu.dma_semaphore, #tpu.memory_space<semaphore_mem>>) attributes {dimension_semantics = [#tpu.dimension_semantics<core_parallel>, #tpu.dimension_semantics<subcore_parallel>], iteration_bounds = array<i64: 2, 16>, scalar_prefetch = 0 : i64, scratch_operands = 7 : i64, tpu.core_type = #tpu.core_type<sc_vector_subcore>, window_params = [{transform_indices = #map}, {transform_indices = #map1}, {transform_indices = #map}]} {
    %mul3A = arith.constant 2 : i32
    %mul3A_0 = arith.muli %arg1, %mul3A : i32
    %add3A = arith.addi %mul3A_0, %arg0 : i32
    %mul3A_1 = arith.constant 512 : i32
    %mul3A_2 = arith.muli %add3A, %mul3A_1 : i32
    "tpu.region"() ({
      %run_scoped3A = tpu.sem_alloc : memref<!tpu.dma_semaphore, #tpu.memory_space<semaphore_mem>>
      %dma_start3A_15 = tpu.memref_slice %arg3[%mul3A_2] : memref<16384xi32, #tpu.memory_space<hbm>> -> memref<512xi32, #tpu.memory_space<hbm>>
      %dma_start3A_16 = tpu.memref_slice %arg3[%mul3A_2] : memref<16384xi32, #tpu.memory_space<hbm>> -> memref<512xi32, #tpu.memory_space<hbm>>
      tpu.enqueue_dma source(%dma_start3A_16 : memref<512xi32, #tpu.memory_space<hbm>>) target(%arg5 : memref<512xi32, #tpu.memory_space<vmem>>) target_semaphore(%run_scoped3A : memref<!tpu.dma_semaphore, #tpu.memory_space<semaphore_mem>>)
      %dma_wait3A_17 = tpu.memref_slice %arg3[%mul3A_2] : memref<16384xi32, #tpu.memory_space<hbm>> -> memref<512xi32, #tpu.memory_space<hbm>>
      %dma_wait3A_18 = tpu.memref_slice %arg3[%mul3A_2] : memref<16384xi32, #tpu.memory_space<hbm>> -> memref<512xi32, #tpu.memory_space<hbm>>
      tpu.wait_dma2 semaphore(%run_scoped3A : memref<!tpu.dma_semaphore, #tpu.memory_space<semaphore_mem>>) src(%dma_wait3A_18 : memref<512xi32, #tpu.memory_space<hbm>>) dst(%arg5 : memref<512xi32, #tpu.memory_space<vmem>>)
      tpu.yield
    }) : () -> ()
    %dma_start3A = arith.constant 0 : i32
    %dma_start3A_3 = tpu.memref_slice %arg5[%dma_start3A] : memref<512xi32, #tpu.memory_space<vmem>> -> memref<64xi32, #tpu.memory_space<vmem>>
    %dma_start3A_4 = arith.constant 0 : i32
    %dma_start3A_5 = arith.constant 0 : i32
    %dma_start3A_6 = tpu.memref_slice %arg2[%dma_start3A_4, %dma_start3A_5] : memref<2048x768xi32, #tpu.memory_space<hbm>> -> memref<2048x768xi32, #tpu.memory_space<hbm>>
    tpu.enqueue_indirect_dma source(%dma_start3A_6 : memref<2048x768xi32, #tpu.memory_space<hbm>>) target(%arg6 : memref<64x768xi32, #tpu.memory_space<vmem>>) offsets(%dma_start3A_3 : memref<64xi32, #tpu.memory_space<vmem>>) semaphore(%arg8 : memref<!tpu.dma_semaphore, #tpu.memory_space<semaphore_mem>>)
    %scan3A = arith.constant 0 : i32
    %scan3A_7 = arith.constant 0 : i32
    %scan3A_8 = arith.constant 4 : i32
    %scan3A_9 = arith.addi %scan3A_7, %scan3A_8 : i32
    %scan3A_10 = arith.constant 1 : i32
    scf.for %scan3A_15 = %scan3A_7 to %scan3A_9 step %scan3A_10  : i32 {
      %mul3A_16 = arith.constant 2 : i32
      %mul3A_17 = arith.muli %mul3A_16, %scan3A_15 : i32
      %add3A_18 = arith.constant 1 : i32
      %add3A_19 = arith.addi %mul3A_17, %add3A_18 : i32
      %dma_wait3A_20 = arith.constant 0 : i32
      %dma_wait3A_21 = arith.constant 0 : i32
      %dma_wait3A_22 = tpu.memref_slice %arg2[%dma_wait3A_20, %dma_wait3A_21] : memref<2048x768xi32, #tpu.memory_space<hbm>> -> memref<64x768xi32, #tpu.memory_space<hbm>>
      %dma_wait3A_23 = arith.constant 0 : i32
      %dma_wait3A_24 = arith.constant 0 : i32
      %dma_wait3A_25 = tpu.memref_slice %arg2[%dma_wait3A_23, %dma_wait3A_24] : memref<2048x768xi32, #tpu.memory_space<hbm>> -> memref<64x768xi32, #tpu.memory_space<hbm>>
      tpu.wait_dma2 semaphore(%arg8 : memref<!tpu.dma_semaphore, #tpu.memory_space<semaphore_mem>>) src(%dma_wait3A_25 : memref<64x768xi32, #tpu.memory_space<hbm>>) dst(%arg6 : memref<64x768xi32, #tpu.memory_space<vmem>>)
      %gt3A = arith.constant 0 : i32
      %gt3A_26 = arith.cmpi sgt, %scan3A_15, %gt3A : i32
      %convert_element_type3A = arith.extui %gt3A_26 : i1 to i32
      %cond3A = arith.constant 0 : i32
      %cond3A_27 = arith.cmpi ne, %convert_element_type3A, %cond3A : i32
      scf.if %cond3A_27 {
        %dma_wait3A_64 = arith.constant 0 : i32
        %dma_wait3A_65 = tpu.memref_slice %arg4[%mul3A_2, %dma_wait3A_64] : memref<16384x768xi32, #tpu.memory_space<hbm>> -> memref<64x768xi32, #tpu.memory_space<hbm>>
        %dma_wait3A_66 = arith.constant 0 : i32
        %dma_wait3A_67 = tpu.memref_slice %arg4[%mul3A_2, %dma_wait3A_66] : memref<16384x768xi32, #tpu.memory_space<hbm>> -> memref<64x768xi32, #tpu.memory_space<hbm>>
        tpu.wait_dma2 semaphore(%arg11 : memref<!tpu.dma_semaphore, #tpu.memory_space<semaphore_mem>>) src(%arg7 : memref<64x768xi32, #tpu.memory_space<vmem>>) dst(%dma_wait3A_67 : memref<64x768xi32, #tpu.memory_space<hbm>>)
      } else {
      }
      %mul3A_28 = arith.constant 64 : i32
      %mul3A_29 = arith.muli %add3A_19, %mul3A_28 : i32
      %dma_start3A_30 = tpu.memref_slice %arg5[%mul3A_29] : memref<512xi32, #tpu.memory_space<vmem>> -> memref<64xi32, #tpu.memory_space<vmem>>
      %dma_start3A_31 = arith.constant 0 : i32
      %dma_start3A_32 = arith.constant 0 : i32
      %dma_start3A_33 = tpu.memref_slice %arg2[%dma_start3A_31, %dma_start3A_32] : memref<2048x768xi32, #tpu.memory_space<hbm>> -> memref<2048x768xi32, #tpu.memory_space<hbm>>
      tpu.enqueue_indirect_dma source(%dma_start3A_33 : memref<2048x768xi32, #tpu.memory_space<hbm>>) target(%arg7 : memref<64x768xi32, #tpu.memory_space<vmem>>) offsets(%dma_start3A_30 : memref<64xi32, #tpu.memory_space<vmem>>) semaphore(%arg9 : memref<!tpu.dma_semaphore, #tpu.memory_space<semaphore_mem>>)
      %mul3A_34 = arith.constant 64 : i32
      %mul3A_35 = arith.muli %mul3A_17, %mul3A_34 : i32
      %add3A_36 = arith.addi %mul3A_2, %mul3A_35 : i32
      %dma_start3A_37 = arith.constant 0 : i32
      %dma_start3A_38 = tpu.memref_slice %arg4[%add3A_36, %dma_start3A_37] : memref<16384x768xi32, #tpu.memory_space<hbm>> -> memref<64x768xi32, #tpu.memory_space<hbm>>
      %dma_start3A_39 = arith.constant 0 : i32
      %dma_start3A_40 = tpu.memref_slice %arg4[%add3A_36, %dma_start3A_39] : memref<16384x768xi32, #tpu.memory_space<hbm>> -> memref<64x768xi32, #tpu.memory_space<hbm>>
      tpu.enqueue_dma source(%arg6 : memref<64x768xi32, #tpu.memory_space<vmem>>) target(%dma_start3A_40 : memref<64x768xi32, #tpu.memory_space<hbm>>) target_semaphore(%arg10 : memref<!tpu.dma_semaphore, #tpu.memory_space<semaphore_mem>>)
      %dma_wait3A_41 = arith.constant 0 : i32
      %dma_wait3A_42 = arith.constant 0 : i32
      %dma_wait3A_43 = tpu.memref_slice %arg2[%dma_wait3A_41, %dma_wait3A_42] : memref<2048x768xi32, #tpu.memory_space<hbm>> -> memref<64x768xi32, #tpu.memory_space<hbm>>
      %dma_wait3A_44 = arith.constant 0 : i32
      %dma_wait3A_45 = arith.constant 0 : i32
      %dma_wait3A_46 = tpu.memref_slice %arg2[%dma_wait3A_44, %dma_wait3A_45] : memref<2048x768xi32, #tpu.memory_space<hbm>> -> memref<64x768xi32, #tpu.memory_space<hbm>>
      tpu.wait_dma2 semaphore(%arg9 : memref<!tpu.dma_semaphore, #tpu.memory_space<semaphore_mem>>) src(%dma_wait3A_46 : memref<64x768xi32, #tpu.memory_space<hbm>>) dst(%arg7 : memref<64x768xi32, #tpu.memory_space<vmem>>)
      %dma_wait3A_47 = arith.constant 0 : i32
      %dma_wait3A_48 = tpu.memref_slice %arg4[%mul3A_2, %dma_wait3A_47] : memref<16384x768xi32, #tpu.memory_space<hbm>> -> memref<64x768xi32, #tpu.memory_space<hbm>>
      %dma_wait3A_49 = arith.constant 0 : i32
      %dma_wait3A_50 = tpu.memref_slice %arg4[%mul3A_2, %dma_wait3A_49] : memref<16384x768xi32, #tpu.memory_space<hbm>> -> memref<64x768xi32, #tpu.memory_space<hbm>>
      tpu.wait_dma2 semaphore(%arg10 : memref<!tpu.dma_semaphore, #tpu.memory_space<semaphore_mem>>) src(%arg6 : memref<64x768xi32, #tpu.memory_space<vmem>>) dst(%dma_wait3A_50 : memref<64x768xi32, #tpu.memory_space<hbm>>)
      %add3A_51 = arith.constant 1 : i32
      %add3A_52 = arith.addi %add3A_19, %add3A_51 : i32
      %lt3A = arith.constant 8 : i32
      %lt3A_53 = arith.cmpi slt, %add3A_52, %lt3A : i32
      %convert_element_type3A_54 = arith.extui %lt3A_53 : i1 to i32
      %cond3A_55 = arith.constant 0 : i32
      %cond3A_56 = arith.cmpi ne, %convert_element_type3A_54, %cond3A_55 : i32
      scf.if %cond3A_56 {
        %add3A_64 = arith.constant 1 : i32
        %add3A_65 = arith.addi %add3A_19, %add3A_64 : i32
        %mul3A_66 = arith.constant 64 : i32
        %mul3A_67 = arith.muli %add3A_65, %mul3A_66 : i32
        %dma_start3A_68 = tpu.memref_slice %arg5[%mul3A_67] : memref<512xi32, #tpu.memory_space<vmem>> -> memref<64xi32, #tpu.memory_space<vmem>>
        %dma_start3A_69 = arith.constant 0 : i32
        %dma_start3A_70 = arith.constant 0 : i32
        %dma_start3A_71 = tpu.memref_slice %arg2[%dma_start3A_69, %dma_start3A_70] : memref<2048x768xi32, #tpu.memory_space<hbm>> -> memref<2048x768xi32, #tpu.memory_space<hbm>>
        tpu.enqueue_indirect_dma source(%dma_start3A_71 : memref<2048x768xi32, #tpu.memory_space<hbm>>) target(%arg6 : memref<64x768xi32, #tpu.memory_space<vmem>>) offsets(%dma_start3A_68 : memref<64xi32, #tpu.memory_space<vmem>>) semaphore(%arg8 : memref<!tpu.dma_semaphore, #tpu.memory_space<semaphore_mem>>)
      } else {
      }
      %mul3A_57 = arith.constant 64 : i32
      %mul3A_58 = arith.muli %add3A_19, %mul3A_57 : i32
      %add3A_59 = arith.addi %mul3A_2, %mul3A_58 : i32
      %dma_start3A_60 = arith.constant 0 : i32
      %dma_start3A_61 = tpu.memref_slice %arg4[%add3A_59, %dma_start3A_60] : memref<16384x768xi32, #tpu.memory_space<hbm>> -> memref<64x768xi32, #tpu.memory_space<hbm>>
      %dma_start3A_62 = arith.constant 0 : i32
      %dma_start3A_63 = tpu.memref_slice %arg4[%add3A_59, %dma_start3A_62] : memref<16384x768xi32, #tpu.memory_space<hbm>> -> memref<64x768xi32, #tpu.memory_space<hbm>>
      tpu.enqueue_dma source(%arg7 : memref<64x768xi32, #tpu.memory_space<vmem>>) target(%dma_start3A_63 : memref<64x768xi32, #tpu.memory_space<hbm>>) target_semaphore(%arg11 : memref<!tpu.dma_semaphore, #tpu.memory_space<semaphore_mem>>)
    }
    %scan3A_11 = arith.constant 4 : i32
    %dma_wait3A = arith.constant 0 : i32
    %dma_wait3A_12 = tpu.memref_slice %arg4[%mul3A_2, %dma_wait3A] : memref<16384x768xi32, #tpu.memory_space<hbm>> -> memref<64x768xi32, #tpu.memory_space<hbm>>
    %dma_wait3A_13 = arith.constant 0 : i32
    %dma_wait3A_14 = tpu.memref_slice %arg4[%mul3A_2, %dma_wait3A_13] : memref<16384x768xi32, #tpu.memory_space<hbm>> -> memref<64x768xi32, #tpu.memory_space<hbm>>
    tpu.wait_dma2 semaphore(%arg11 : memref<!tpu.dma_semaphore, #tpu.memory_space<semaphore_mem>>) src(%arg7 : memref<64x768xi32, #tpu.memory_space<vmem>>) dst(%dma_wait3A_14 : memref<64x768xi32, #tpu.memory_space<hbm>>)
    return
  }
}

module attributes {stable_mosaic.version = 14 : i64} {
  func.func @body(%arg0: memref<2048x768xf32, #tpu.memory_space<vmem>>, %arg1: memref<768x768xf32, #tpu.memory_space<vmem>>, %arg2: memref<768x768xf32, #tpu.memory_space<vmem>>, %arg3: memref<2048x768xi32, #tpu.memory_space<vmem>>) attributes {dimension_semantics = [], scalar_prefetch = 0 : i64, scratch_operands = 0 : i64, tpu.core_type = #tpu.core_type<tc>} {
    %get3A = arith.constant 0 : index
    %get3A_0 = arith.constant 0 : index
    %get3A_1 = vector.load %arg0[%get3A, %get3A_0] : memref<2048x768xf32, #tpu.memory_space<vmem>>, vector<2048x768xf32>
    %get3A_2 = arith.constant 0 : index
    %get3A_3 = arith.constant 0 : index
    %get3A_4 = vector.load %arg1[%get3A_2, %get3A_3] : memref<768x768xf32, #tpu.memory_space<vmem>>, vector<768x768xf32>
    %dot_general3A = arith.constant dense<0.000000e+00> : vector<2048x768xf32>
    %dot_general3A_5 = tpu.matmul %get3A_1, %get3A_4, %dot_general3A {dimension_numbers = #tpu.dot_dimension_numbers<[1], [0], [0], [1], [0, 0, 1, 1], [], []>, transpose_lhs_hint = false} : vector<2048x768xf32>, vector<768x768xf32>, vector<2048x768xf32> -> vector<2048x768xf32>
    %get3A_6 = arith.constant 0 : index
    %get3A_7 = arith.constant 0 : index
    %get3A_8 = vector.load %arg2[%get3A_6, %get3A_7] : memref<768x768xf32, #tpu.memory_space<vmem>>, vector<768x768xf32>
    %dot_general3A_9 = arith.constant dense<0.000000e+00> : vector<2048x768xf32>
    %dot_general3A_10 = tpu.matmul %get3A_1, %get3A_8, %dot_general3A_9 {dimension_numbers = #tpu.dot_dimension_numbers<[1], [0], [0], [1], [0, 0, 1, 1], [], []>, transpose_lhs_hint = false} : vector<2048x768xf32>, vector<768x768xf32>, vector<2048x768xf32> -> vector<2048x768xf32>
    %convert_element_type3A = arith.truncf %dot_general3A_5 : vector<2048x768xf32> to vector<2048x768xbf16>
    %convert_element_type3A_11 = arith.extf %convert_element_type3A : vector<2048x768xbf16> to vector<2048x768xf32>
    %bitcast_convert_type3A = tpu.bitcast %convert_element_type3A_11 : vector<2048x768xf32> -> vector<2048x768xi32>
    %shift_right_logical3A = arith.constant 16 : i32
    %shift_right_logical3A_12 = vector.broadcast %shift_right_logical3A : i32 to vector<2048x768xi32>
    %shift_right_logical3A_13 = arith.shrui %bitcast_convert_type3A, %shift_right_logical3A_12 : vector<2048x768xi32>
    %convert_element_type3A_14 = arith.truncf %dot_general3A_10 : vector<2048x768xf32> to vector<2048x768xbf16>
    %convert_element_type3A_15 = arith.extf %convert_element_type3A_14 : vector<2048x768xbf16> to vector<2048x768xf32>
    %bitcast_convert_type3A_16 = tpu.bitcast %convert_element_type3A_15 : vector<2048x768xf32> -> vector<2048x768xi32>
    %and3A = arith.constant -65536 : i32
    %and3A_17 = vector.broadcast %and3A : i32 to vector<2048x768xi32>
    %and3A_18 = arith.andi %bitcast_convert_type3A_16, %and3A_17 : vector<2048x768xi32>
    %or3A = arith.ori %and3A_18, %shift_right_logical3A_13 : vector<2048x768xi32>
    %swap3A = arith.constant 0 : index
    %swap3A_19 = arith.constant 0 : index
    %swap3A_20 = vector.load %arg3[%swap3A, %swap3A_19] : memref<2048x768xi32, #tpu.memory_space<vmem>>, vector<2048x768xi32>
    tpu.vector_store %arg3[%swap3A, %swap3A_19], %or3A {strides = array<i32>} : memref<2048x768xi32, #tpu.memory_space<vmem>>, vector<2048x768xi32>,
    return
  }
}

module attributes {stable_mosaic.version = 14 : i64} {
  func.func @_attn_body(%arg0: i32, %arg1: memref<128x768xf32, #tpu.memory_space<vmem>>, %arg2: memref<4096x384xi32, #tpu.memory_space<vmem>>, %arg3: memref<4096x384xi32, #tpu.memory_space<vmem>>, %arg4: memref<128x12x32xf32, #tpu.memory_space<vmem>>, %arg5: memref<768x768xf32, #tpu.memory_space<vmem>>, %arg6: memref<384x128xf32, #tpu.memory_space<vmem>>, %arg7: memref<384x128xf32, #tpu.memory_space<vmem>>, %arg8: memref<128x384xf32, #tpu.memory_space<vmem>>, %arg9: memref<128x384xf32, #tpu.memory_space<vmem>>, %arg10: memref<384x768xf32, #tpu.memory_space<vmem>>, %arg11: memref<384x768xf32, #tpu.memory_space<vmem>>, %arg12: memref<8x768xf32, #tpu.memory_space<vmem>>, %arg13: memref<128x768xf32, #tpu.memory_space<vmem>>) attributes {dimension_semantics = [#tpu.dimension_semantics<arbitrary>], iteration_bounds = array<i64: 4>, scalar_prefetch = 0 : i64, scratch_operands = 0 : i64, tpu.core_type = #tpu.core_type<tc>, window_params = [{transform_indices = @transform_0, window_bounds = array<i64: 128, 768>}, {transform_indices = @transform_1, window_bounds = array<i64: 4096, 384>}, {transform_indices = @transform_2, window_bounds = array<i64: 4096, 384>}, {transform_indices = @transform_3, window_bounds = array<i64: 128, 12, 32>}, {pipeline_mode = #tpu.pipeline_mode<synchronous>, transform_indices = @transform_4, window_bounds = array<i64: 768, 768>}, {pipeline_mode = #tpu.pipeline_mode<synchronous>, transform_indices = @transform_5, window_bounds = array<i64: 384, 128>}, {pipeline_mode = #tpu.pipeline_mode<synchronous>, transform_indices = @transform_6, window_bounds = array<i64: 384, 128>}, {pipeline_mode = #tpu.pipeline_mode<synchronous>, transform_indices = @transform_7, window_bounds = array<i64: 128, 384>}, {pipeline_mode = #tpu.pipeline_mode<synchronous>, transform_indices = @transform_8, window_bounds = array<i64: 128, 384>}, {pipeline_mode = #tpu.pipeline_mode<synchronous>, transform_indices = @transform_9, window_bounds = array<i64: 384, 768>}, {pipeline_mode = #tpu.pipeline_mode<synchronous>, transform_indices = @transform_10, window_bounds = array<i64: 384, 768>}, {pipeline_mode = #tpu.pipeline_mode<synchronous>, transform_indices = @transform_11, window_bounds = array<i64: 8, 768>}, {transform_indices = @transform_12, window_bounds = array<i64: 128, 768>}]} {
    %get3A = arith.constant 0 : index
    %get3A_0 = arith.constant 0 : index
    %get3A_1 = vector.load %arg1[%get3A, %get3A_0] : memref<128x768xf32, #tpu.memory_space<vmem>>, vector<128x768xf32>
    %get3A_2 = arith.constant 0 : index
    %get3A_3 = arith.constant 0 : index
    %get3A_4 = vector.load %arg5[%get3A_2, %get3A_3] : memref<768x768xf32, #tpu.memory_space<vmem>>, vector<768x768xf32>
    %dot_general3A = arith.constant dense<0.000000e+00> : vector<128x768xf32>
    %dot_general3A_5 = tpu.matmul %get3A_1, %get3A_4, %dot_general3A {dimension_numbers = #tpu.dot_dimension_numbers<[1], [0], [0], [1], [0, 0, 1, 1], [], []>, transpose_lhs_hint = false} : vector<128x768xf32>, vector<768x768xf32>, vector<128x768xf32> -> vector<128x768xf32>
    %reshape3A = vector.shape_cast %dot_general3A_5 : vector<128x768xf32> to vector<128x1x768xf32>
    %broadcast_in_dim3A = vector.shape_cast %reshape3A : vector<128x1x768xf32> to vector<128x1x768xf32>
    %broadcast_in_dim3A_6 = vector.broadcast %broadcast_in_dim3A : vector<128x1x768xf32> to vector<128x32x768xf32>
    %reshape3A_7 = vector.shape_cast %broadcast_in_dim3A_6 : vector<128x32x768xf32> to vector<4096x768xf32>
    %get3A_8 = arith.constant 0 : index
    %get3A_9 = arith.constant 0 : index
    %get3A_10 = vector.load %arg2[%get3A_8, %get3A_9] : memref<4096x384xi32, #tpu.memory_space<vmem>>, vector<4096x384xi32>
    %get3A_11 = arith.constant 0 : index
    %get3A_12 = arith.constant 0 : index
    %get3A_13 = vector.load %arg3[%get3A_11, %get3A_12] : memref<4096x384xi32, #tpu.memory_space<vmem>>, vector<4096x384xi32>
    %slice3A = vector.extract_strided_slice %reshape3A_7 {offsets = [0, 0], sizes = [4096, 384], strides = [1, 1]} : vector<4096x768xf32> to vector<4096x384xf32>
    %shift_left3A = arith.constant 16 : i32
    %shift_left3A_14 = vector.broadcast %shift_left3A : i32 to vector<4096x384xi32>
    %shift_left3A_15 = arith.shli %get3A_10, %shift_left3A_14 : vector<4096x384xi32>
    %bitcast_convert_type3A = tpu.bitcast %shift_left3A_15 : vector<4096x384xi32> -> vector<4096x384xf32>
    %mul3A = arith.mulf %slice3A, %bitcast_convert_type3A : vector<4096x384xf32>
    %get3A_16 = arith.constant 0 : index
    %get3A_17 = arith.constant 0 : index
    %get3A_18 = vector.load %arg6[%get3A_16, %get3A_17] : memref<384x128xf32, #tpu.memory_space<vmem>>, vector<384x128xf32>
    %dot_general3A_19 = arith.constant dense<0.000000e+00> : vector<4096x128xf32>
    %dot_general3A_20 = tpu.matmul %mul3A, %get3A_18, %dot_general3A_19 {dimension_numbers = #tpu.dot_dimension_numbers<[1], [0], [0], [1], [0, 0, 1, 1], [], []>, transpose_lhs_hint = false} : vector<4096x384xf32>, vector<384x128xf32>, vector<4096x128xf32> -> vector<4096x128xf32>
    %slice3A_21 = vector.extract_strided_slice %reshape3A_7 {offsets = [0, 384], sizes = [4096, 384], strides = [1, 1]} : vector<4096x768xf32> to vector<4096x384xf32>
    %and3A = arith.constant -65536 : i32
    %and3A_22 = vector.broadcast %and3A : i32 to vector<4096x384xi32>
    %and3A_23 = arith.andi %get3A_10, %and3A_22 : vector<4096x384xi32>
    %bitcast_convert_type3A_24 = tpu.bitcast %and3A_23 : vector<4096x384xi32> -> vector<4096x384xf32>
    %mul3A_25 = arith.mulf %slice3A_21, %bitcast_convert_type3A_24 : vector<4096x384xf32>
    %get3A_26 = arith.constant 0 : index
    %get3A_27 = arith.constant 0 : index
    %get3A_28 = vector.load %arg7[%get3A_26, %get3A_27] : memref<384x128xf32, #tpu.memory_space<vmem>>, vector<384x128xf32>
    %dot_general3A_29 = arith.constant dense<0.000000e+00> : vector<4096x128xf32>
    %dot_general3A_30 = tpu.matmul %mul3A_25, %get3A_28, %dot_general3A_29 {dimension_numbers = #tpu.dot_dimension_numbers<[1], [0], [0], [1], [0, 0, 1, 1], [], []>, transpose_lhs_hint = false} : vector<4096x384xf32>, vector<384x128xf32>, vector<4096x128xf32> -> vector<4096x128xf32>
    %add3A = arith.addf %dot_general3A_20, %dot_general3A_30 : vector<4096x128xf32>
    %get3A_31 = arith.constant 0 : index
    %get3A_32 = arith.constant 0 : index
    %get3A_33 = arith.constant 0 : index
    %get3A_34 = vector.load %arg4[%get3A_31, %get3A_32, %get3A_33] : memref<128x12x32xf32, #tpu.memory_space<vmem>>, vector<128x12x32xf32>
    %transpose3A = tpu.transpose %get3A_34, [0, 2, 1] : vector<128x12x32xf32> -> vector<128x32x12xf32>
    %reshape3A_35 = vector.shape_cast %transpose3A : vector<128x32x12xf32> to vector<4096x12xf32>
    %broadcast_in_dim3A_36 = arith.constant 0.000000e+00 : f32
    %broadcast_in_dim3A_37 = vector.broadcast %broadcast_in_dim3A_36 : f32 to vector<4096x116xf32>
    %concatenate3A = tpu.concatenate %reshape3A_35, %broadcast_in_dim3A_37 in 1 : vector<4096x12xf32>, vector<4096x116xf32> -> vector<4096x128xf32>
    %add3A_38 = arith.addf %add3A, %concatenate3A : vector<4096x128xf32>
    %mul3A_39 = arith.constant 1.250000e-01 : f32
    %mul3A_40 = vector.broadcast %mul3A_39 : f32 to vector<4096x128xf32>
    %mul3A_41 = arith.mulf %add3A_38, %mul3A_40 : vector<4096x128xf32>
    %exp3A = math.exp %mul3A_41 : vector<4096x128xf32>
    %reshape3A_42 = vector.shape_cast %exp3A : vector<4096x128xf32> to vector<128x32x128xf32>
    %reduce_sum3A = arith.constant dense<0.000000e+00> : vector<128x128xf32>
    %reduce_sum3A_43 = vector.multi_reduction <add>, %reshape3A_42, %reduce_sum3A [1] : vector<128x32x128xf32> to vector<128x128xf32>
    %broadcast_in_dim3A_44 = vector.shape_cast %reduce_sum3A_43 : vector<128x128xf32> to vector<128x1x128xf32>
    %reshape3A_45 = vector.shape_cast %exp3A : vector<4096x128xf32> to vector<128x32x128xf32>
    %div3A = vector.broadcast %broadcast_in_dim3A_44 : vector<128x1x128xf32> to vector<128x32x128xf32>
    %div3A_46 = arith.divf %reshape3A_45, %div3A : vector<128x32x128xf32>
    %reshape3A_47 = vector.shape_cast %div3A_46 : vector<128x32x128xf32> to vector<4096x128xf32>
    %get3A_48 = arith.constant 0 : index
    %get3A_49 = arith.constant 0 : index
    %get3A_50 = vector.load %arg8[%get3A_48, %get3A_49] : memref<128x384xf32, #tpu.memory_space<vmem>>, vector<128x384xf32>
    %dot_general3A_51 = arith.constant dense<0.000000e+00> : vector<4096x384xf32>
    %dot_general3A_52 = tpu.matmul %reshape3A_47, %get3A_50, %dot_general3A_51 {dimension_numbers = #tpu.dot_dimension_numbers<[1], [0], [0], [1], [0, 0, 1, 1], [], []>, transpose_lhs_hint = false} : vector<4096x128xf32>, vector<128x384xf32>, vector<4096x384xf32> -> vector<4096x384xf32>
    %get3A_53 = arith.constant 0 : index
    %get3A_54 = arith.constant 0 : index
    %get3A_55 = vector.load %arg9[%get3A_53, %get3A_54] : memref<128x384xf32, #tpu.memory_space<vmem>>, vector<128x384xf32>
    %dot_general3A_56 = arith.constant dense<0.000000e+00> : vector<4096x384xf32>
    %dot_general3A_57 = tpu.matmul %reshape3A_47, %get3A_55, %dot_general3A_56 {dimension_numbers = #tpu.dot_dimension_numbers<[1], [0], [0], [1], [0, 0, 1, 1], [], []>, transpose_lhs_hint = false} : vector<4096x128xf32>, vector<128x384xf32>, vector<4096x384xf32> -> vector<4096x384xf32>
    %shift_left3A_58 = arith.constant 16 : i32
    %shift_left3A_59 = vector.broadcast %shift_left3A_58 : i32 to vector<4096x384xi32>
    %shift_left3A_60 = arith.shli %get3A_13, %shift_left3A_59 : vector<4096x384xi32>
    %bitcast_convert_type3A_61 = tpu.bitcast %shift_left3A_60 : vector<4096x384xi32> -> vector<4096x384xf32>
    %mul3A_62 = arith.mulf %dot_general3A_52, %bitcast_convert_type3A_61 : vector<4096x384xf32>
    %reshape3A_63 = vector.shape_cast %mul3A_62 : vector<4096x384xf32> to vector<128x32x384xf32>
    %reduce_sum3A_64 = arith.constant dense<0.000000e+00> : vector<128x384xf32>
    %reduce_sum3A_65 = vector.multi_reduction <add>, %reshape3A_63, %reduce_sum3A_64 [1] : vector<128x32x384xf32> to vector<128x384xf32>
    %and3A_66 = arith.constant -65536 : i32
    %and3A_67 = vector.broadcast %and3A_66 : i32 to vector<4096x384xi32>
    %and3A_68 = arith.andi %get3A_13, %and3A_67 : vector<4096x384xi32>
    %bitcast_convert_type3A_69 = tpu.bitcast %and3A_68 : vector<4096x384xi32> -> vector<4096x384xf32>
    %mul3A_70 = arith.mulf %dot_general3A_57, %bitcast_convert_type3A_69 : vector<4096x384xf32>
    %reshape3A_71 = vector.shape_cast %mul3A_70 : vector<4096x384xf32> to vector<128x32x384xf32>
    %reduce_sum3A_72 = arith.constant dense<0.000000e+00> : vector<128x384xf32>
    %reduce_sum3A_73 = vector.multi_reduction <add>, %reshape3A_71, %reduce_sum3A_72 [1] : vector<128x32x384xf32> to vector<128x384xf32>
    %get3A_74 = arith.constant 0 : index
    %get3A_75 = arith.constant 0 : index
    %get3A_76 = vector.load %arg10[%get3A_74, %get3A_75] : memref<384x768xf32, #tpu.memory_space<vmem>>, vector<384x768xf32>
    %dot_general3A_77 = arith.constant dense<0.000000e+00> : vector<128x768xf32>
    %dot_general3A_78 = tpu.matmul %reduce_sum3A_65, %get3A_76, %dot_general3A_77 {dimension_numbers = #tpu.dot_dimension_numbers<[1], [0], [0], [1], [0, 0, 1, 1], [], []>, transpose_lhs_hint = false} : vector<128x384xf32>, vector<384x768xf32>, vector<128x768xf32> -> vector<128x768xf32>
    %get3A_79 = arith.constant 0 : index
    %get3A_80 = arith.constant 0 : index
    %get3A_81 = vector.load %arg11[%get3A_79, %get3A_80] : memref<384x768xf32, #tpu.memory_space<vmem>>, vector<384x768xf32>
    %dot_general3A_82 = arith.constant dense<0.000000e+00> : vector<128x768xf32>
    %dot_general3A_83 = tpu.matmul %reduce_sum3A_73, %get3A_81, %dot_general3A_82 {dimension_numbers = #tpu.dot_dimension_numbers<[1], [0], [0], [1], [0, 0, 1, 1], [], []>, transpose_lhs_hint = false} : vector<128x384xf32>, vector<384x768xf32>, vector<128x768xf32> -> vector<128x768xf32>
    %add3A_84 = arith.addf %dot_general3A_78, %dot_general3A_83 : vector<128x768xf32>
    %get3A_85 = arith.constant 0 : index
    %get3A_86 = arith.constant 0 : index
    %get3A_87 = vector.load %arg12[%get3A_85, %get3A_86] : memref<8x768xf32, #tpu.memory_space<vmem>>, vector<1x768xf32>
    %add3A_88 = vector.broadcast %get3A_87 : vector<1x768xf32> to vector<128x768xf32>
    %add3A_89 = arith.addf %add3A_84, %add3A_88 : vector<128x768xf32>
    %add3A_90 = arith.addf %add3A_89, %get3A_1 : vector<128x768xf32>
    %reduce_sum3A_91 = arith.constant dense<0.000000e+00> : vector<128xf32>
    %reduce_sum3A_92 = vector.multi_reduction <add>, %add3A_90, %reduce_sum3A_91 [1] : vector<128x768xf32> to vector<128xf32>
    %broadcast_in_dim3A_93 = vector.shape_cast %reduce_sum3A_92 : vector<128xf32> to vector<128x1xf32>
    %div3A_94 = arith.constant 7.680000e+02 : f32
    %div3A_95 = vector.broadcast %div3A_94 : f32 to vector<128x1xf32>
    %div3A_96 = arith.divf %broadcast_in_dim3A_93, %div3A_95 : vector<128x1xf32>
    %sub3A = vector.broadcast %div3A_96 : vector<128x1xf32> to vector<128x768xf32>
    %sub3A_97 = arith.subf %add3A_90, %sub3A : vector<128x768xf32>
    %mul3A_98 = arith.mulf %sub3A_97, %sub3A_97 : vector<128x768xf32>
    %reduce_sum3A_99 = arith.constant dense<0.000000e+00> : vector<128xf32>
    %reduce_sum3A_100 = vector.multi_reduction <add>, %mul3A_98, %reduce_sum3A_99 [1] : vector<128x768xf32> to vector<128xf32>
    %broadcast_in_dim3A_101 = vector.shape_cast %reduce_sum3A_100 : vector<128xf32> to vector<128x1xf32>
    %div3A_102 = arith.constant 7.680000e+02 : f32
    %div3A_103 = vector.broadcast %div3A_102 : f32 to vector<128x1xf32>
    %div3A_104 = arith.divf %broadcast_in_dim3A_101, %div3A_103 : vector<128x1xf32>
    %add3A_105 = arith.constant 9.99999997E-7 : f32
    %add3A_106 = vector.broadcast %add3A_105 : f32 to vector<128x1xf32>
    %add3A_107 = arith.addf %div3A_104, %add3A_106 : vector<128x1xf32>
    %rsqrt3A = math.rsqrt %add3A_107 : vector<128x1xf32>
    %mul3A_108 = vector.broadcast %rsqrt3A : vector<128x1xf32> to vector<128x768xf32>
    %mul3A_109 = arith.mulf %sub3A_97, %mul3A_108 : vector<128x768xf32>
    %get3A_110 = arith.constant 1 : index
    %get3A_111 = arith.constant 0 : index
    %get3A_112 = vector.load %arg12[%get3A_110, %get3A_111] : memref<8x768xf32, #tpu.memory_space<vmem>>, vector<1x768xf32>
    %mul3A_113 = vector.broadcast %get3A_112 : vector<1x768xf32> to vector<128x768xf32>
    %mul3A_114 = arith.mulf %mul3A_109, %mul3A_113 : vector<128x768xf32>
    %get3A_115 = arith.constant 2 : index
    %get3A_116 = arith.constant 0 : index
    %get3A_117 = vector.load %arg12[%get3A_115, %get3A_116] : memref<8x768xf32, #tpu.memory_space<vmem>>, vector<1x768xf32>
    %add3A_118 = vector.broadcast %get3A_117 : vector<1x768xf32> to vector<128x768xf32>
    %add3A_119 = arith.addf %mul3A_114, %add3A_118 : vector<128x768xf32>
    %swap3A = arith.constant 0 : index
    %swap3A_120 = arith.constant 0 : index
    %swap3A_121 = vector.load %arg13[%swap3A, %swap3A_120] : memref<128x768xf32, #tpu.memory_space<vmem>>, vector<128x768xf32>
    tpu.vector_store %arg13[%swap3A, %swap3A_120], %add3A_119 {strides = array<i32>} : memref<128x768xf32, #tpu.memory_space<vmem>>, vector<128x768xf32>,
    return
  }
  func.func @transform_0(%arg0: i32) -> (i32, i32) {
    %add3A = arith.constant 12 : i32
    %add3A_0 = arith.addi %add3A, %arg0 : i32
    %c0_i32 = arith.constant 0 : i32
    %c0_i32_1 = arith.constant 0 : i32
    return %add3A_0, %c0_i32 : i32, i32
  }
  func.func @transform_1(%arg0: i32) -> (i32, i32) {
    %c0_i32 = arith.constant 0 : i32
    %c0_i32_0 = arith.constant 0 : i32
    return %arg0, %c0_i32 : i32, i32
  }
  func.func @transform_2(%arg0: i32) -> (i32, i32) {
    %c1_i32 = arith.constant 1 : i32
    %c0_i32 = arith.constant 0 : i32
    return %arg0, %c1_i32 : i32, i32
  }
  func.func @transform_3(%arg0: i32) -> (i32, i32, i32) {
    %add3A = arith.constant 12 : i32
    %add3A_0 = arith.addi %add3A, %arg0 : i32
    %c0_i32 = arith.constant 0 : i32
    %c0_i32_1 = arith.constant 0 : i32
    %c0_i32_2 = arith.constant 0 : i32
    return %add3A_0, %c0_i32, %c0_i32_1 : i32, i32, i32
  }
  func.func @transform_4(%arg0: i32) -> (i32, i32) {
    %c0_i32 = arith.constant 0 : i32
    %c0_i32_0 = arith.constant 0 : i32
    %c0_i32_1 = arith.constant 0 : i32
    return %c0_i32, %c0_i32_0 : i32, i32
  }
  func.func @transform_5(%arg0: i32) -> (i32, i32) {
    %c0_i32 = arith.constant 0 : i32
    %c0_i32_0 = arith.constant 0 : i32
    %c0_i32_1 = arith.constant 0 : i32
    return %c0_i32, %c0_i32_0 : i32, i32
  }
  func.func @transform_6(%arg0: i32) -> (i32, i32) {
    %c0_i32 = arith.constant 0 : i32
    %c0_i32_0 = arith.constant 0 : i32
    %c0_i32_1 = arith.constant 0 : i32
    return %c0_i32, %c0_i32_0 : i32, i32
  }
  func.func @transform_7(%arg0: i32) -> (i32, i32) {
    %c0_i32 = arith.constant 0 : i32
    %c0_i32_0 = arith.constant 0 : i32
    %c0_i32_1 = arith.constant 0 : i32
    return %c0_i32, %c0_i32_0 : i32, i32
  }
  func.func @transform_8(%arg0: i32) -> (i32, i32) {
    %c0_i32 = arith.constant 0 : i32
    %c0_i32_0 = arith.constant 0 : i32
    %c0_i32_1 = arith.constant 0 : i32
    return %c0_i32, %c0_i32_0 : i32, i32
  }
  func.func @transform_9(%arg0: i32) -> (i32, i32) {
    %c0_i32 = arith.constant 0 : i32
    %c0_i32_0 = arith.constant 0 : i32
    %c0_i32_1 = arith.constant 0 : i32
    return %c0_i32, %c0_i32_0 : i32, i32
  }
  func.func @transform_10(%arg0: i32) -> (i32, i32) {
    %c0_i32 = arith.constant 0 : i32
    %c0_i32_0 = arith.constant 0 : i32
    %c0_i32_1 = arith.constant 0 : i32
    return %c0_i32, %c0_i32_0 : i32, i32
  }
  func.func @transform_11(%arg0: i32) -> (i32, i32) {
    %c0_i32 = arith.constant 0 : i32
    %c0_i32_0 = arith.constant 0 : i32
    %c0_i32_1 = arith.constant 0 : i32
    return %c0_i32, %c0_i32_0 : i32, i32
  }
  func.func @transform_12(%arg0: i32) -> (i32, i32) {
    %c0_i32 = arith.constant 0 : i32
    %c0_i32_0 = arith.constant 0 : i32
    return %arg0, %c0_i32 : i32, i32
  }
}

module attributes {stable_mosaic.version = 14 : i64} {
  func.func @_attn_body(%arg0: i32, %arg1: memref<128x768xf32, #tpu.memory_space<vmem>>, %arg2: memref<4096x384xi32, #tpu.memory_space<vmem>>, %arg3: memref<4096x384xi32, #tpu.memory_space<vmem>>, %arg4: memref<128x12x32xf32, #tpu.memory_space<vmem>>, %arg5: memref<768x768xf32, #tpu.memory_space<vmem>>, %arg6: memref<384x128xf32, #tpu.memory_space<vmem>>, %arg7: memref<384x128xf32, #tpu.memory_space<vmem>>, %arg8: memref<128x384xf32, #tpu.memory_space<vmem>>, %arg9: memref<128x384xf32, #tpu.memory_space<vmem>>, %arg10: memref<384x768xf32, #tpu.memory_space<vmem>>, %arg11: memref<384x768xf32, #tpu.memory_space<vmem>>, %arg12: memref<8x768xf32, #tpu.memory_space<vmem>>, %arg13: memref<128x768xf32, #tpu.memory_space<vmem>>) attributes {dimension_semantics = [#tpu.dimension_semantics<arbitrary>], iteration_bounds = array<i64: 4>, scalar_prefetch = 0 : i64, scratch_operands = 0 : i64, tpu.core_type = #tpu.core_type<tc>, window_params = [{transform_indices = @transform_0, window_bounds = array<i64: 128, 768>}, {transform_indices = @transform_1, window_bounds = array<i64: 4096, 384>}, {transform_indices = @transform_2, window_bounds = array<i64: 4096, 384>}, {transform_indices = @transform_3, window_bounds = array<i64: 128, 12, 32>}, {pipeline_mode = #tpu.pipeline_mode<synchronous>, transform_indices = @transform_4, window_bounds = array<i64: 768, 768>}, {pipeline_mode = #tpu.pipeline_mode<synchronous>, transform_indices = @transform_5, window_bounds = array<i64: 384, 128>}, {pipeline_mode = #tpu.pipeline_mode<synchronous>, transform_indices = @transform_6, window_bounds = array<i64: 384, 128>}, {pipeline_mode = #tpu.pipeline_mode<synchronous>, transform_indices = @transform_7, window_bounds = array<i64: 128, 384>}, {pipeline_mode = #tpu.pipeline_mode<synchronous>, transform_indices = @transform_8, window_bounds = array<i64: 128, 384>}, {pipeline_mode = #tpu.pipeline_mode<synchronous>, transform_indices = @transform_9, window_bounds = array<i64: 384, 768>}, {pipeline_mode = #tpu.pipeline_mode<synchronous>, transform_indices = @transform_10, window_bounds = array<i64: 384, 768>}, {pipeline_mode = #tpu.pipeline_mode<synchronous>, transform_indices = @transform_11, window_bounds = array<i64: 8, 768>}, {transform_indices = @transform_12, window_bounds = array<i64: 128, 768>}]} {
    %get3A = arith.constant 0 : index
    %get3A_0 = arith.constant 0 : index
    %get3A_1 = vector.load %arg1[%get3A, %get3A_0] : memref<128x768xf32, #tpu.memory_space<vmem>>, vector<128x768xf32>
    %get3A_2 = arith.constant 0 : index
    %get3A_3 = arith.constant 0 : index
    %get3A_4 = vector.load %arg5[%get3A_2, %get3A_3] : memref<768x768xf32, #tpu.memory_space<vmem>>, vector<768x768xf32>
    %dot_general3A = arith.constant dense<0.000000e+00> : vector<128x768xf32>
    %dot_general3A_5 = tpu.matmul %get3A_1, %get3A_4, %dot_general3A {dimension_numbers = #tpu.dot_dimension_numbers<[1], [0], [0], [1], [0, 0, 1, 1], [], []>, transpose_lhs_hint = false} : vector<128x768xf32>, vector<768x768xf32>, vector<128x768xf32> -> vector<128x768xf32>
    %reshape3A = vector.shape_cast %dot_general3A_5 : vector<128x768xf32> to vector<128x1x768xf32>
    %broadcast_in_dim3A = vector.shape_cast %reshape3A : vector<128x1x768xf32> to vector<128x1x768xf32>
    %broadcast_in_dim3A_6 = vector.broadcast %broadcast_in_dim3A : vector<128x1x768xf32> to vector<128x32x768xf32>
    %reshape3A_7 = vector.shape_cast %broadcast_in_dim3A_6 : vector<128x32x768xf32> to vector<4096x768xf32>
    %get3A_8 = arith.constant 0 : index
    %get3A_9 = arith.constant 0 : index
    %get3A_10 = vector.load %arg2[%get3A_8, %get3A_9] : memref<4096x384xi32, #tpu.memory_space<vmem>>, vector<4096x384xi32>
    %get3A_11 = arith.constant 0 : index
    %get3A_12 = arith.constant 0 : index
    %get3A_13 = vector.load %arg3[%get3A_11, %get3A_12] : memref<4096x384xi32, #tpu.memory_space<vmem>>, vector<4096x384xi32>
    %slice3A = vector.extract_strided_slice %reshape3A_7 {offsets = [0, 0], sizes = [4096, 384], strides = [1, 1]} : vector<4096x768xf32> to vector<4096x384xf32>
    %shift_left3A = arith.constant 16 : i32
    %shift_left3A_14 = vector.broadcast %shift_left3A : i32 to vector<4096x384xi32>
    %shift_left3A_15 = arith.shli %get3A_10, %shift_left3A_14 : vector<4096x384xi32>
    %bitcast_convert_type3A = tpu.bitcast %shift_left3A_15 : vector<4096x384xi32> -> vector<4096x384xf32>
    %mul3A = arith.mulf %slice3A, %bitcast_convert_type3A : vector<4096x384xf32>
    %get3A_16 = arith.constant 0 : index
    %get3A_17 = arith.constant 0 : index
    %get3A_18 = vector.load %arg6[%get3A_16, %get3A_17] : memref<384x128xf32, #tpu.memory_space<vmem>>, vector<384x128xf32>
    %dot_general3A_19 = arith.constant dense<0.000000e+00> : vector<4096x128xf32>
    %dot_general3A_20 = tpu.matmul %mul3A, %get3A_18, %dot_general3A_19 {dimension_numbers = #tpu.dot_dimension_numbers<[1], [0], [0], [1], [0, 0, 1, 1], [], []>, transpose_lhs_hint = false} : vector<4096x384xf32>, vector<384x128xf32>, vector<4096x128xf32> -> vector<4096x128xf32>
    %slice3A_21 = vector.extract_strided_slice %reshape3A_7 {offsets = [0, 384], sizes = [4096, 384], strides = [1, 1]} : vector<4096x768xf32> to vector<4096x384xf32>
    %and3A = arith.constant -65536 : i32
    %and3A_22 = vector.broadcast %and3A : i32 to vector<4096x384xi32>
    %and3A_23 = arith.andi %get3A_10, %and3A_22 : vector<4096x384xi32>
    %bitcast_convert_type3A_24 = tpu.bitcast %and3A_23 : vector<4096x384xi32> -> vector<4096x384xf32>
    %mul3A_25 = arith.mulf %slice3A_21, %bitcast_convert_type3A_24 : vector<4096x384xf32>
    %get3A_26 = arith.constant 0 : index
    %get3A_27 = arith.constant 0 : index
    %get3A_28 = vector.load %arg7[%get3A_26, %get3A_27] : memref<384x128xf32, #tpu.memory_space<vmem>>, vector<384x128xf32>
    %dot_general3A_29 = arith.constant dense<0.000000e+00> : vector<4096x128xf32>
    %dot_general3A_30 = tpu.matmul %mul3A_25, %get3A_28, %dot_general3A_29 {dimension_numbers = #tpu.dot_dimension_numbers<[1], [0], [0], [1], [0, 0, 1, 1], [], []>, transpose_lhs_hint = false} : vector<4096x384xf32>, vector<384x128xf32>, vector<4096x128xf32> -> vector<4096x128xf32>
    %add3A = arith.addf %dot_general3A_20, %dot_general3A_30 : vector<4096x128xf32>
    %get3A_31 = arith.constant 0 : index
    %get3A_32 = arith.constant 0 : index
    %get3A_33 = arith.constant 0 : index
    %get3A_34 = vector.load %arg4[%get3A_31, %get3A_32, %get3A_33] : memref<128x12x32xf32, #tpu.memory_space<vmem>>, vector<128x12x32xf32>
    %transpose3A = tpu.transpose %get3A_34, [0, 2, 1] : vector<128x12x32xf32> -> vector<128x32x12xf32>
    %reshape3A_35 = vector.shape_cast %transpose3A : vector<128x32x12xf32> to vector<4096x12xf32>
    %broadcast_in_dim3A_36 = arith.constant 0.000000e+00 : f32
    %broadcast_in_dim3A_37 = vector.broadcast %broadcast_in_dim3A_36 : f32 to vector<4096x116xf32>
    %concatenate3A = tpu.concatenate %reshape3A_35, %broadcast_in_dim3A_37 in 1 : vector<4096x12xf32>, vector<4096x116xf32> -> vector<4096x128xf32>
    %add3A_38 = arith.addf %add3A, %concatenate3A : vector<4096x128xf32>
    %mul3A_39 = arith.constant 1.250000e-01 : f32
    %mul3A_40 = vector.broadcast %mul3A_39 : f32 to vector<4096x128xf32>
    %mul3A_41 = arith.mulf %add3A_38, %mul3A_40 : vector<4096x128xf32>
    %exp3A = math.exp %mul3A_41 : vector<4096x128xf32>
    %reshape3A_42 = vector.shape_cast %exp3A : vector<4096x128xf32> to vector<128x32x128xf32>
    %reduce_sum3A = arith.constant dense<0.000000e+00> : vector<128x128xf32>
    %reduce_sum3A_43 = vector.multi_reduction <add>, %reshape3A_42, %reduce_sum3A [1] : vector<128x32x128xf32> to vector<128x128xf32>
    %broadcast_in_dim3A_44 = vector.shape_cast %reduce_sum3A_43 : vector<128x128xf32> to vector<128x1x128xf32>
    %reshape3A_45 = vector.shape_cast %exp3A : vector<4096x128xf32> to vector<128x32x128xf32>
    %div3A = vector.broadcast %broadcast_in_dim3A_44 : vector<128x1x128xf32> to vector<128x32x128xf32>
    %div3A_46 = arith.divf %reshape3A_45, %div3A : vector<128x32x128xf32>
    %reshape3A_47 = vector.shape_cast %div3A_46 : vector<128x32x128xf32> to vector<4096x128xf32>
    %get3A_48 = arith.constant 0 : index
    %get3A_49 = arith.constant 0 : index
    %get3A_50 = vector.load %arg8[%get3A_48, %get3A_49] : memref<128x384xf32, #tpu.memory_space<vmem>>, vector<128x384xf32>
    %dot_general3A_51 = arith.constant dense<0.000000e+00> : vector<4096x384xf32>
    %dot_general3A_52 = tpu.matmul %reshape3A_47, %get3A_50, %dot_general3A_51 {dimension_numbers = #tpu.dot_dimension_numbers<[1], [0], [0], [1], [0, 0, 1, 1], [], []>, transpose_lhs_hint = false} : vector<4096x128xf32>, vector<128x384xf32>, vector<4096x384xf32> -> vector<4096x384xf32>
    %get3A_53 = arith.constant 0 : index
    %get3A_54 = arith.constant 0 : index
    %get3A_55 = vector.load %arg9[%get3A_53, %get3A_54] : memref<128x384xf32, #tpu.memory_space<vmem>>, vector<128x384xf32>
    %dot_general3A_56 = arith.constant dense<0.000000e+00> : vector<4096x384xf32>
    %dot_general3A_57 = tpu.matmul %reshape3A_47, %get3A_55, %dot_general3A_56 {dimension_numbers = #tpu.dot_dimension_numbers<[1], [0], [0], [1], [0, 0, 1, 1], [], []>, transpose_lhs_hint = false} : vector<4096x128xf32>, vector<128x384xf32>, vector<4096x384xf32> -> vector<4096x384xf32>
    %shift_left3A_58 = arith.constant 16 : i32
    %shift_left3A_59 = vector.broadcast %shift_left3A_58 : i32 to vector<4096x384xi32>
    %shift_left3A_60 = arith.shli %get3A_13, %shift_left3A_59 : vector<4096x384xi32>
    %bitcast_convert_type3A_61 = tpu.bitcast %shift_left3A_60 : vector<4096x384xi32> -> vector<4096x384xf32>
    %mul3A_62 = arith.mulf %dot_general3A_52, %bitcast_convert_type3A_61 : vector<4096x384xf32>
    %reshape3A_63 = vector.shape_cast %mul3A_62 : vector<4096x384xf32> to vector<128x32x384xf32>
    %reduce_sum3A_64 = arith.constant dense<0.000000e+00> : vector<128x384xf32>
    %reduce_sum3A_65 = vector.multi_reduction <add>, %reshape3A_63, %reduce_sum3A_64 [1] : vector<128x32x384xf32> to vector<128x384xf32>
    %and3A_66 = arith.constant -65536 : i32
    %and3A_67 = vector.broadcast %and3A_66 : i32 to vector<4096x384xi32>
    %and3A_68 = arith.andi %get3A_13, %and3A_67 : vector<4096x384xi32>
    %bitcast_convert_type3A_69 = tpu.bitcast %and3A_68 : vector<4096x384xi32> -> vector<4096x384xf32>
    %mul3A_70 = arith.mulf %dot_general3A_57, %bitcast_convert_type3A_69 : vector<4096x384xf32>
    %reshape3A_71 = vector.shape_cast %mul3A_70 : vector<4096x384xf32> to vector<128x32x384xf32>
    %reduce_sum3A_72 = arith.constant dense<0.000000e+00> : vector<128x384xf32>
    %reduce_sum3A_73 = vector.multi_reduction <add>, %reshape3A_71, %reduce_sum3A_72 [1] : vector<128x32x384xf32> to vector<128x384xf32>
    %get3A_74 = arith.constant 0 : index
    %get3A_75 = arith.constant 0 : index
    %get3A_76 = vector.load %arg10[%get3A_74, %get3A_75] : memref<384x768xf32, #tpu.memory_space<vmem>>, vector<384x768xf32>
    %dot_general3A_77 = arith.constant dense<0.000000e+00> : vector<128x768xf32>
    %dot_general3A_78 = tpu.matmul %reduce_sum3A_65, %get3A_76, %dot_general3A_77 {dimension_numbers = #tpu.dot_dimension_numbers<[1], [0], [0], [1], [0, 0, 1, 1], [], []>, transpose_lhs_hint = false} : vector<128x384xf32>, vector<384x768xf32>, vector<128x768xf32> -> vector<128x768xf32>
    %get3A_79 = arith.constant 0 : index
    %get3A_80 = arith.constant 0 : index
    %get3A_81 = vector.load %arg11[%get3A_79, %get3A_80] : memref<384x768xf32, #tpu.memory_space<vmem>>, vector<384x768xf32>
    %dot_general3A_82 = arith.constant dense<0.000000e+00> : vector<128x768xf32>
    %dot_general3A_83 = tpu.matmul %reduce_sum3A_73, %get3A_81, %dot_general3A_82 {dimension_numbers = #tpu.dot_dimension_numbers<[1], [0], [0], [1], [0, 0, 1, 1], [], []>, transpose_lhs_hint = false} : vector<128x384xf32>, vector<384x768xf32>, vector<128x768xf32> -> vector<128x768xf32>
    %add3A_84 = arith.addf %dot_general3A_78, %dot_general3A_83 : vector<128x768xf32>
    %get3A_85 = arith.constant 0 : index
    %get3A_86 = arith.constant 0 : index
    %get3A_87 = vector.load %arg12[%get3A_85, %get3A_86] : memref<8x768xf32, #tpu.memory_space<vmem>>, vector<1x768xf32>
    %add3A_88 = vector.broadcast %get3A_87 : vector<1x768xf32> to vector<128x768xf32>
    %add3A_89 = arith.addf %add3A_84, %add3A_88 : vector<128x768xf32>
    %add3A_90 = arith.addf %add3A_89, %get3A_1 : vector<128x768xf32>
    %reduce_sum3A_91 = arith.constant dense<0.000000e+00> : vector<128xf32>
    %reduce_sum3A_92 = vector.multi_reduction <add>, %add3A_90, %reduce_sum3A_91 [1] : vector<128x768xf32> to vector<128xf32>
    %broadcast_in_dim3A_93 = vector.shape_cast %reduce_sum3A_92 : vector<128xf32> to vector<128x1xf32>
    %div3A_94 = arith.constant 7.680000e+02 : f32
    %div3A_95 = vector.broadcast %div3A_94 : f32 to vector<128x1xf32>
    %div3A_96 = arith.divf %broadcast_in_dim3A_93, %div3A_95 : vector<128x1xf32>
    %sub3A = vector.broadcast %div3A_96 : vector<128x1xf32> to vector<128x768xf32>
    %sub3A_97 = arith.subf %add3A_90, %sub3A : vector<128x768xf32>
    %mul3A_98 = arith.mulf %sub3A_97, %sub3A_97 : vector<128x768xf32>
    %reduce_sum3A_99 = arith.constant dense<0.000000e+00> : vector<128xf32>
    %reduce_sum3A_100 = vector.multi_reduction <add>, %mul3A_98, %reduce_sum3A_99 [1] : vector<128x768xf32> to vector<128xf32>
    %broadcast_in_dim3A_101 = vector.shape_cast %reduce_sum3A_100 : vector<128xf32> to vector<128x1xf32>
    %div3A_102 = arith.constant 7.680000e+02 : f32
    %div3A_103 = vector.broadcast %div3A_102 : f32 to vector<128x1xf32>
    %div3A_104 = arith.divf %broadcast_in_dim3A_101, %div3A_103 : vector<128x1xf32>
    %add3A_105 = arith.constant 9.99999997E-7 : f32
    %add3A_106 = vector.broadcast %add3A_105 : f32 to vector<128x1xf32>
    %add3A_107 = arith.addf %div3A_104, %add3A_106 : vector<128x1xf32>
    %rsqrt3A = math.rsqrt %add3A_107 : vector<128x1xf32>
    %mul3A_108 = vector.broadcast %rsqrt3A : vector<128x1xf32> to vector<128x768xf32>
    %mul3A_109 = arith.mulf %sub3A_97, %mul3A_108 : vector<128x768xf32>
    %get3A_110 = arith.constant 1 : index
    %get3A_111 = arith.constant 0 : index
    %get3A_112 = vector.load %arg12[%get3A_110, %get3A_111] : memref<8x768xf32, #tpu.memory_space<vmem>>, vector<1x768xf32>
    %mul3A_113 = vector.broadcast %get3A_112 : vector<1x768xf32> to vector<128x768xf32>
    %mul3A_114 = arith.mulf %mul3A_109, %mul3A_113 : vector<128x768xf32>
    %get3A_115 = arith.constant 2 : index
    %get3A_116 = arith.constant 0 : index
    %get3A_117 = vector.load %arg12[%get3A_115, %get3A_116] : memref<8x768xf32, #tpu.memory_space<vmem>>, vector<1x768xf32>
    %add3A_118 = vector.broadcast %get3A_117 : vector<1x768xf32> to vector<128x768xf32>
    %add3A_119 = arith.addf %mul3A_114, %add3A_118 : vector<128x768xf32>
    %swap3A = arith.constant 0 : index
    %swap3A_120 = arith.constant 0 : index
    %swap3A_121 = vector.load %arg13[%swap3A, %swap3A_120] : memref<128x768xf32, #tpu.memory_space<vmem>>, vector<128x768xf32>
    tpu.vector_store %arg13[%swap3A, %swap3A_120], %add3A_119 {strides = array<i32>} : memref<128x768xf32, #tpu.memory_space<vmem>>, vector<128x768xf32>,
    return
  }
  func.func @transform_0(%arg0: i32) -> (i32, i32) {
    %add3A = arith.constant 8 : i32
    %add3A_0 = arith.addi %add3A, %arg0 : i32
    %c0_i32 = arith.constant 0 : i32
    %c0_i32_1 = arith.constant 0 : i32
    return %add3A_0, %c0_i32 : i32, i32
  }
  func.func @transform_1(%arg0: i32) -> (i32, i32) {
    %c0_i32 = arith.constant 0 : i32
    %c0_i32_0 = arith.constant 0 : i32
    return %arg0, %c0_i32 : i32, i32
  }
  func.func @transform_2(%arg0: i32) -> (i32, i32) {
    %c1_i32 = arith.constant 1 : i32
    %c0_i32 = arith.constant 0 : i32
    return %arg0, %c1_i32 : i32, i32
  }
  func.func @transform_3(%arg0: i32) -> (i32, i32, i32) {
    %add3A = arith.constant 8 : i32
    %add3A_0 = arith.addi %add3A, %arg0 : i32
    %c0_i32 = arith.constant 0 : i32
    %c0_i32_1 = arith.constant 0 : i32
    %c0_i32_2 = arith.constant 0 : i32
    return %add3A_0, %c0_i32, %c0_i32_1 : i32, i32, i32
  }
  func.func @transform_4(%arg0: i32) -> (i32, i32) {
    %c0_i32 = arith.constant 0 : i32
    %c0_i32_0 = arith.constant 0 : i32
    %c0_i32_1 = arith.constant 0 : i32
    return %c0_i32, %c0_i32_0 : i32, i32
  }
  func.func @transform_5(%arg0: i32) -> (i32, i32) {
    %c0_i32 = arith.constant 0 : i32
    %c0_i32_0 = arith.constant 0 : i32
    %c0_i32_1 = arith.constant 0 : i32
    return %c0_i32, %c0_i32_0 : i32, i32
  }
  func.func @transform_6(%arg0: i32) -> (i32, i32) {
    %c0_i32 = arith.constant 0 : i32
    %c0_i32_0 = arith.constant 0 : i32
    %c0_i32_1 = arith.constant 0 : i32
    return %c0_i32, %c0_i32_0 : i32, i32
  }
  func.func @transform_7(%arg0: i32) -> (i32, i32) {
    %c0_i32 = arith.constant 0 : i32
    %c0_i32_0 = arith.constant 0 : i32
    %c0_i32_1 = arith.constant 0 : i32
    return %c0_i32, %c0_i32_0 : i32, i32
  }
  func.func @transform_8(%arg0: i32) -> (i32, i32) {
    %c0_i32 = arith.constant 0 : i32
    %c0_i32_0 = arith.constant 0 : i32
    %c0_i32_1 = arith.constant 0 : i32
    return %c0_i32, %c0_i32_0 : i32, i32
  }
  func.func @transform_9(%arg0: i32) -> (i32, i32) {
    %c0_i32 = arith.constant 0 : i32
    %c0_i32_0 = arith.constant 0 : i32
    %c0_i32_1 = arith.constant 0 : i32
    return %c0_i32, %c0_i32_0 : i32, i32
  }
  func.func @transform_10(%arg0: i32) -> (i32, i32) {
    %c0_i32 = arith.constant 0 : i32
    %c0_i32_0 = arith.constant 0 : i32
    %c0_i32_1 = arith.constant 0 : i32
    return %c0_i32, %c0_i32_0 : i32, i32
  }
  func.func @transform_11(%arg0: i32) -> (i32, i32) {
    %c0_i32 = arith.constant 0 : i32
    %c0_i32_0 = arith.constant 0 : i32
    %c0_i32_1 = arith.constant 0 : i32
    return %c0_i32, %c0_i32_0 : i32, i32
  }
  func.func @transform_12(%arg0: i32) -> (i32, i32) {
    %c0_i32 = arith.constant 0 : i32
    %c0_i32_0 = arith.constant 0 : i32
    return %arg0, %c0_i32 : i32, i32
  }
}

module attributes {stable_mosaic.version = 14 : i64} {
  func.func @_attn_body(%arg0: i32, %arg1: memref<128x768xf32, #tpu.memory_space<vmem>>, %arg2: memref<4096x384xi32, #tpu.memory_space<vmem>>, %arg3: memref<4096x384xi32, #tpu.memory_space<vmem>>, %arg4: memref<128x12x32xf32, #tpu.memory_space<vmem>>, %arg5: memref<768x768xf32, #tpu.memory_space<vmem>>, %arg6: memref<384x128xf32, #tpu.memory_space<vmem>>, %arg7: memref<384x128xf32, #tpu.memory_space<vmem>>, %arg8: memref<128x384xf32, #tpu.memory_space<vmem>>, %arg9: memref<128x384xf32, #tpu.memory_space<vmem>>, %arg10: memref<384x768xf32, #tpu.memory_space<vmem>>, %arg11: memref<384x768xf32, #tpu.memory_space<vmem>>, %arg12: memref<8x768xf32, #tpu.memory_space<vmem>>, %arg13: memref<128x768xf32, #tpu.memory_space<vmem>>) attributes {dimension_semantics = [#tpu.dimension_semantics<arbitrary>], iteration_bounds = array<i64: 4>, scalar_prefetch = 0 : i64, scratch_operands = 0 : i64, tpu.core_type = #tpu.core_type<tc>, window_params = [{transform_indices = @transform_0, window_bounds = array<i64: 128, 768>}, {transform_indices = @transform_1, window_bounds = array<i64: 4096, 384>}, {transform_indices = @transform_2, window_bounds = array<i64: 4096, 384>}, {transform_indices = @transform_3, window_bounds = array<i64: 128, 12, 32>}, {pipeline_mode = #tpu.pipeline_mode<synchronous>, transform_indices = @transform_4, window_bounds = array<i64: 768, 768>}, {pipeline_mode = #tpu.pipeline_mode<synchronous>, transform_indices = @transform_5, window_bounds = array<i64: 384, 128>}, {pipeline_mode = #tpu.pipeline_mode<synchronous>, transform_indices = @transform_6, window_bounds = array<i64: 384, 128>}, {pipeline_mode = #tpu.pipeline_mode<synchronous>, transform_indices = @transform_7, window_bounds = array<i64: 128, 384>}, {pipeline_mode = #tpu.pipeline_mode<synchronous>, transform_indices = @transform_8, window_bounds = array<i64: 128, 384>}, {pipeline_mode = #tpu.pipeline_mode<synchronous>, transform_indices = @transform_9, window_bounds = array<i64: 384, 768>}, {pipeline_mode = #tpu.pipeline_mode<synchronous>, transform_indices = @transform_10, window_bounds = array<i64: 384, 768>}, {pipeline_mode = #tpu.pipeline_mode<synchronous>, transform_indices = @transform_11, window_bounds = array<i64: 8, 768>}, {transform_indices = @transform_12, window_bounds = array<i64: 128, 768>}]} {
    %get3A = arith.constant 0 : index
    %get3A_0 = arith.constant 0 : index
    %get3A_1 = vector.load %arg1[%get3A, %get3A_0] : memref<128x768xf32, #tpu.memory_space<vmem>>, vector<128x768xf32>
    %get3A_2 = arith.constant 0 : index
    %get3A_3 = arith.constant 0 : index
    %get3A_4 = vector.load %arg5[%get3A_2, %get3A_3] : memref<768x768xf32, #tpu.memory_space<vmem>>, vector<768x768xf32>
    %dot_general3A = arith.constant dense<0.000000e+00> : vector<128x768xf32>
    %dot_general3A_5 = tpu.matmul %get3A_1, %get3A_4, %dot_general3A {dimension_numbers = #tpu.dot_dimension_numbers<[1], [0], [0], [1], [0, 0, 1, 1], [], []>, transpose_lhs_hint = false} : vector<128x768xf32>, vector<768x768xf32>, vector<128x768xf32> -> vector<128x768xf32>
    %reshape3A = vector.shape_cast %dot_general3A_5 : vector<128x768xf32> to vector<128x1x768xf32>
    %broadcast_in_dim3A = vector.shape_cast %reshape3A : vector<128x1x768xf32> to vector<128x1x768xf32>
    %broadcast_in_dim3A_6 = vector.broadcast %broadcast_in_dim3A : vector<128x1x768xf32> to vector<128x32x768xf32>
    %reshape3A_7 = vector.shape_cast %broadcast_in_dim3A_6 : vector<128x32x768xf32> to vector<4096x768xf32>
    %get3A_8 = arith.constant 0 : index
    %get3A_9 = arith.constant 0 : index
    %get3A_10 = vector.load %arg2[%get3A_8, %get3A_9] : memref<4096x384xi32, #tpu.memory_space<vmem>>, vector<4096x384xi32>
    %get3A_11 = arith.constant 0 : index
    %get3A_12 = arith.constant 0 : index
    %get3A_13 = vector.load %arg3[%get3A_11, %get3A_12] : memref<4096x384xi32, #tpu.memory_space<vmem>>, vector<4096x384xi32>
    %slice3A = vector.extract_strided_slice %reshape3A_7 {offsets = [0, 0], sizes = [4096, 384], strides = [1, 1]} : vector<4096x768xf32> to vector<4096x384xf32>
    %shift_left3A = arith.constant 16 : i32
    %shift_left3A_14 = vector.broadcast %shift_left3A : i32 to vector<4096x384xi32>
    %shift_left3A_15 = arith.shli %get3A_10, %shift_left3A_14 : vector<4096x384xi32>
    %bitcast_convert_type3A = tpu.bitcast %shift_left3A_15 : vector<4096x384xi32> -> vector<4096x384xf32>
    %mul3A = arith.mulf %slice3A, %bitcast_convert_type3A : vector<4096x384xf32>
    %get3A_16 = arith.constant 0 : index
    %get3A_17 = arith.constant 0 : index
    %get3A_18 = vector.load %arg6[%get3A_16, %get3A_17] : memref<384x128xf32, #tpu.memory_space<vmem>>, vector<384x128xf32>
    %dot_general3A_19 = arith.constant dense<0.000000e+00> : vector<4096x128xf32>
    %dot_general3A_20 = tpu.matmul %mul3A, %get3A_18, %dot_general3A_19 {dimension_numbers = #tpu.dot_dimension_numbers<[1], [0], [0], [1], [0, 0, 1, 1], [], []>, transpose_lhs_hint = false} : vector<4096x384xf32>, vector<384x128xf32>, vector<4096x128xf32> -> vector<4096x128xf32>
    %slice3A_21 = vector.extract_strided_slice %reshape3A_7 {offsets = [0, 384], sizes = [4096, 384], strides = [1, 1]} : vector<4096x768xf32> to vector<4096x384xf32>
    %and3A = arith.constant -65536 : i32
    %and3A_22 = vector.broadcast %and3A : i32 to vector<4096x384xi32>
    %and3A_23 = arith.andi %get3A_10, %and3A_22 : vector<4096x384xi32>
    %bitcast_convert_type3A_24 = tpu.bitcast %and3A_23 : vector<4096x384xi32> -> vector<4096x384xf32>
    %mul3A_25 = arith.mulf %slice3A_21, %bitcast_convert_type3A_24 : vector<4096x384xf32>
    %get3A_26 = arith.constant 0 : index
    %get3A_27 = arith.constant 0 : index
    %get3A_28 = vector.load %arg7[%get3A_26, %get3A_27] : memref<384x128xf32, #tpu.memory_space<vmem>>, vector<384x128xf32>
    %dot_general3A_29 = arith.constant dense<0.000000e+00> : vector<4096x128xf32>
    %dot_general3A_30 = tpu.matmul %mul3A_25, %get3A_28, %dot_general3A_29 {dimension_numbers = #tpu.dot_dimension_numbers<[1], [0], [0], [1], [0, 0, 1, 1], [], []>, transpose_lhs_hint = false} : vector<4096x384xf32>, vector<384x128xf32>, vector<4096x128xf32> -> vector<4096x128xf32>
    %add3A = arith.addf %dot_general3A_20, %dot_general3A_30 : vector<4096x128xf32>
    %get3A_31 = arith.constant 0 : index
    %get3A_32 = arith.constant 0 : index
    %get3A_33 = arith.constant 0 : index
    %get3A_34 = vector.load %arg4[%get3A_31, %get3A_32, %get3A_33] : memref<128x12x32xf32, #tpu.memory_space<vmem>>, vector<128x12x32xf32>
    %transpose3A = tpu.transpose %get3A_34, [0, 2, 1] : vector<128x12x32xf32> -> vector<128x32x12xf32>
    %reshape3A_35 = vector.shape_cast %transpose3A : vector<128x32x12xf32> to vector<4096x12xf32>
    %broadcast_in_dim3A_36 = arith.constant 0.000000e+00 : f32
    %broadcast_in_dim3A_37 = vector.broadcast %broadcast_in_dim3A_36 : f32 to vector<4096x116xf32>
    %concatenate3A = tpu.concatenate %reshape3A_35, %broadcast_in_dim3A_37 in 1 : vector<4096x12xf32>, vector<4096x116xf32> -> vector<4096x128xf32>
    %add3A_38 = arith.addf %add3A, %concatenate3A : vector<4096x128xf32>
    %mul3A_39 = arith.constant 1.250000e-01 : f32
    %mul3A_40 = vector.broadcast %mul3A_39 : f32 to vector<4096x128xf32>
    %mul3A_41 = arith.mulf %add3A_38, %mul3A_40 : vector<4096x128xf32>
    %exp3A = math.exp %mul3A_41 : vector<4096x128xf32>
    %reshape3A_42 = vector.shape_cast %exp3A : vector<4096x128xf32> to vector<128x32x128xf32>
    %reduce_sum3A = arith.constant dense<0.000000e+00> : vector<128x128xf32>
    %reduce_sum3A_43 = vector.multi_reduction <add>, %reshape3A_42, %reduce_sum3A [1] : vector<128x32x128xf32> to vector<128x128xf32>
    %broadcast_in_dim3A_44 = vector.shape_cast %reduce_sum3A_43 : vector<128x128xf32> to vector<128x1x128xf32>
    %reshape3A_45 = vector.shape_cast %exp3A : vector<4096x128xf32> to vector<128x32x128xf32>
    %div3A = vector.broadcast %broadcast_in_dim3A_44 : vector<128x1x128xf32> to vector<128x32x128xf32>
    %div3A_46 = arith.divf %reshape3A_45, %div3A : vector<128x32x128xf32>
    %reshape3A_47 = vector.shape_cast %div3A_46 : vector<128x32x128xf32> to vector<4096x128xf32>
    %get3A_48 = arith.constant 0 : index
    %get3A_49 = arith.constant 0 : index
    %get3A_50 = vector.load %arg8[%get3A_48, %get3A_49] : memref<128x384xf32, #tpu.memory_space<vmem>>, vector<128x384xf32>
    %dot_general3A_51 = arith.constant dense<0.000000e+00> : vector<4096x384xf32>
    %dot_general3A_52 = tpu.matmul %reshape3A_47, %get3A_50, %dot_general3A_51 {dimension_numbers = #tpu.dot_dimension_numbers<[1], [0], [0], [1], [0, 0, 1, 1], [], []>, transpose_lhs_hint = false} : vector<4096x128xf32>, vector<128x384xf32>, vector<4096x384xf32> -> vector<4096x384xf32>
    %get3A_53 = arith.constant 0 : index
    %get3A_54 = arith.constant 0 : index
    %get3A_55 = vector.load %arg9[%get3A_53, %get3A_54] : memref<128x384xf32, #tpu.memory_space<vmem>>, vector<128x384xf32>
    %dot_general3A_56 = arith.constant dense<0.000000e+00> : vector<4096x384xf32>
    %dot_general3A_57 = tpu.matmul %reshape3A_47, %get3A_55, %dot_general3A_56 {dimension_numbers = #tpu.dot_dimension_numbers<[1], [0], [0], [1], [0, 0, 1, 1], [], []>, transpose_lhs_hint = false} : vector<4096x128xf32>, vector<128x384xf32>, vector<4096x384xf32> -> vector<4096x384xf32>
    %shift_left3A_58 = arith.constant 16 : i32
    %shift_left3A_59 = vector.broadcast %shift_left3A_58 : i32 to vector<4096x384xi32>
    %shift_left3A_60 = arith.shli %get3A_13, %shift_left3A_59 : vector<4096x384xi32>
    %bitcast_convert_type3A_61 = tpu.bitcast %shift_left3A_60 : vector<4096x384xi32> -> vector<4096x384xf32>
    %mul3A_62 = arith.mulf %dot_general3A_52, %bitcast_convert_type3A_61 : vector<4096x384xf32>
    %reshape3A_63 = vector.shape_cast %mul3A_62 : vector<4096x384xf32> to vector<128x32x384xf32>
    %reduce_sum3A_64 = arith.constant dense<0.000000e+00> : vector<128x384xf32>
    %reduce_sum3A_65 = vector.multi_reduction <add>, %reshape3A_63, %reduce_sum3A_64 [1] : vector<128x32x384xf32> to vector<128x384xf32>
    %and3A_66 = arith.constant -65536 : i32
    %and3A_67 = vector.broadcast %and3A_66 : i32 to vector<4096x384xi32>
    %and3A_68 = arith.andi %get3A_13, %and3A_67 : vector<4096x384xi32>
    %bitcast_convert_type3A_69 = tpu.bitcast %and3A_68 : vector<4096x384xi32> -> vector<4096x384xf32>
    %mul3A_70 = arith.mulf %dot_general3A_57, %bitcast_convert_type3A_69 : vector<4096x384xf32>
    %reshape3A_71 = vector.shape_cast %mul3A_70 : vector<4096x384xf32> to vector<128x32x384xf32>
    %reduce_sum3A_72 = arith.constant dense<0.000000e+00> : vector<128x384xf32>
    %reduce_sum3A_73 = vector.multi_reduction <add>, %reshape3A_71, %reduce_sum3A_72 [1] : vector<128x32x384xf32> to vector<128x384xf32>
    %get3A_74 = arith.constant 0 : index
    %get3A_75 = arith.constant 0 : index
    %get3A_76 = vector.load %arg10[%get3A_74, %get3A_75] : memref<384x768xf32, #tpu.memory_space<vmem>>, vector<384x768xf32>
    %dot_general3A_77 = arith.constant dense<0.000000e+00> : vector<128x768xf32>
    %dot_general3A_78 = tpu.matmul %reduce_sum3A_65, %get3A_76, %dot_general3A_77 {dimension_numbers = #tpu.dot_dimension_numbers<[1], [0], [0], [1], [0, 0, 1, 1], [], []>, transpose_lhs_hint = false} : vector<128x384xf32>, vector<384x768xf32>, vector<128x768xf32> -> vector<128x768xf32>
    %get3A_79 = arith.constant 0 : index
    %get3A_80 = arith.constant 0 : index
    %get3A_81 = vector.load %arg11[%get3A_79, %get3A_80] : memref<384x768xf32, #tpu.memory_space<vmem>>, vector<384x768xf32>
    %dot_general3A_82 = arith.constant dense<0.000000e+00> : vector<128x768xf32>
    %dot_general3A_83 = tpu.matmul %reduce_sum3A_73, %get3A_81, %dot_general3A_82 {dimension_numbers = #tpu.dot_dimension_numbers<[1], [0], [0], [1], [0, 0, 1, 1], [], []>, transpose_lhs_hint = false} : vector<128x384xf32>, vector<384x768xf32>, vector<128x768xf32> -> vector<128x768xf32>
    %add3A_84 = arith.addf %dot_general3A_78, %dot_general3A_83 : vector<128x768xf32>
    %get3A_85 = arith.constant 0 : index
    %get3A_86 = arith.constant 0 : index
    %get3A_87 = vector.load %arg12[%get3A_85, %get3A_86] : memref<8x768xf32, #tpu.memory_space<vmem>>, vector<1x768xf32>
    %add3A_88 = vector.broadcast %get3A_87 : vector<1x768xf32> to vector<128x768xf32>
    %add3A_89 = arith.addf %add3A_84, %add3A_88 : vector<128x768xf32>
    %add3A_90 = arith.addf %add3A_89, %get3A_1 : vector<128x768xf32>
    %reduce_sum3A_91 = arith.constant dense<0.000000e+00> : vector<128xf32>
    %reduce_sum3A_92 = vector.multi_reduction <add>, %add3A_90, %reduce_sum3A_91 [1] : vector<128x768xf32> to vector<128xf32>
    %broadcast_in_dim3A_93 = vector.shape_cast %reduce_sum3A_92 : vector<128xf32> to vector<128x1xf32>
    %div3A_94 = arith.constant 7.680000e+02 : f32
    %div3A_95 = vector.broadcast %div3A_94 : f32 to vector<128x1xf32>
    %div3A_96 = arith.divf %broadcast_in_dim3A_93, %div3A_95 : vector<128x1xf32>
    %sub3A = vector.broadcast %div3A_96 : vector<128x1xf32> to vector<128x768xf32>
    %sub3A_97 = arith.subf %add3A_90, %sub3A : vector<128x768xf32>
    %mul3A_98 = arith.mulf %sub3A_97, %sub3A_97 : vector<128x768xf32>
    %reduce_sum3A_99 = arith.constant dense<0.000000e+00> : vector<128xf32>
    %reduce_sum3A_100 = vector.multi_reduction <add>, %mul3A_98, %reduce_sum3A_99 [1] : vector<128x768xf32> to vector<128xf32>
    %broadcast_in_dim3A_101 = vector.shape_cast %reduce_sum3A_100 : vector<128xf32> to vector<128x1xf32>
    %div3A_102 = arith.constant 7.680000e+02 : f32
    %div3A_103 = vector.broadcast %div3A_102 : f32 to vector<128x1xf32>
    %div3A_104 = arith.divf %broadcast_in_dim3A_101, %div3A_103 : vector<128x1xf32>
    %add3A_105 = arith.constant 9.99999997E-7 : f32
    %add3A_106 = vector.broadcast %add3A_105 : f32 to vector<128x1xf32>
    %add3A_107 = arith.addf %div3A_104, %add3A_106 : vector<128x1xf32>
    %rsqrt3A = math.rsqrt %add3A_107 : vector<128x1xf32>
    %mul3A_108 = vector.broadcast %rsqrt3A : vector<128x1xf32> to vector<128x768xf32>
    %mul3A_109 = arith.mulf %sub3A_97, %mul3A_108 : vector<128x768xf32>
    %get3A_110 = arith.constant 1 : index
    %get3A_111 = arith.constant 0 : index
    %get3A_112 = vector.load %arg12[%get3A_110, %get3A_111] : memref<8x768xf32, #tpu.memory_space<vmem>>, vector<1x768xf32>
    %mul3A_113 = vector.broadcast %get3A_112 : vector<1x768xf32> to vector<128x768xf32>
    %mul3A_114 = arith.mulf %mul3A_109, %mul3A_113 : vector<128x768xf32>
    %get3A_115 = arith.constant 2 : index
    %get3A_116 = arith.constant 0 : index
    %get3A_117 = vector.load %arg12[%get3A_115, %get3A_116] : memref<8x768xf32, #tpu.memory_space<vmem>>, vector<1x768xf32>
    %add3A_118 = vector.broadcast %get3A_117 : vector<1x768xf32> to vector<128x768xf32>
    %add3A_119 = arith.addf %mul3A_114, %add3A_118 : vector<128x768xf32>
    %swap3A = arith.constant 0 : index
    %swap3A_120 = arith.constant 0 : index
    %swap3A_121 = vector.load %arg13[%swap3A, %swap3A_120] : memref<128x768xf32, #tpu.memory_space<vmem>>, vector<128x768xf32>
    tpu.vector_store %arg13[%swap3A, %swap3A_120], %add3A_119 {strides = array<i32>} : memref<128x768xf32, #tpu.memory_space<vmem>>, vector<128x768xf32>,
    return
  }
  func.func @transform_0(%arg0: i32) -> (i32, i32) {
    %add3A = arith.constant 4 : i32
    %add3A_0 = arith.addi %add3A, %arg0 : i32
    %c0_i32 = arith.constant 0 : i32
    %c0_i32_1 = arith.constant 0 : i32
    return %add3A_0, %c0_i32 : i32, i32
  }
  func.func @transform_1(%arg0: i32) -> (i32, i32) {
    %c0_i32 = arith.constant 0 : i32
    %c0_i32_0 = arith.constant 0 : i32
    return %arg0, %c0_i32 : i32, i32
  }
  func.func @transform_2(%arg0: i32) -> (i32, i32) {
    %c1_i32 = arith.constant 1 : i32
    %c0_i32 = arith.constant 0 : i32
    return %arg0, %c1_i32 : i32, i32
  }
  func.func @transform_3(%arg0: i32) -> (i32, i32, i32) {
    %add3A = arith.constant 4 : i32
    %add3A_0 = arith.addi %add3A, %arg0 : i32
    %c0_i32 = arith.constant 0 : i32
    %c0_i32_1 = arith.constant 0 : i32
    %c0_i32_2 = arith.constant 0 : i32
    return %add3A_0, %c0_i32, %c0_i32_1 : i32, i32, i32
  }
  func.func @transform_4(%arg0: i32) -> (i32, i32) {
    %c0_i32 = arith.constant 0 : i32
    %c0_i32_0 = arith.constant 0 : i32
    %c0_i32_1 = arith.constant 0 : i32
    return %c0_i32, %c0_i32_0 : i32, i32
  }
  func.func @transform_5(%arg0: i32) -> (i32, i32) {
    %c0_i32 = arith.constant 0 : i32
    %c0_i32_0 = arith.constant 0 : i32
    %c0_i32_1 = arith.constant 0 : i32
    return %c0_i32, %c0_i32_0 : i32, i32
  }
  func.func @transform_6(%arg0: i32) -> (i32, i32) {
    %c0_i32 = arith.constant 0 : i32
    %c0_i32_0 = arith.constant 0 : i32
    %c0_i32_1 = arith.constant 0 : i32
    return %c0_i32, %c0_i32_0 : i32, i32
  }
  func.func @transform_7(%arg0: i32) -> (i32, i32) {
    %c0_i32 = arith.constant 0 : i32
    %c0_i32_0 = arith.constant 0 : i32
    %c0_i32_1 = arith.constant 0 : i32
    return %c0_i32, %c0_i32_0 : i32, i32
  }
  func.func @transform_8(%arg0: i32) -> (i32, i32) {
    %c0_i32 = arith.constant 0 : i32
    %c0_i32_0 = arith.constant 0 : i32
    %c0_i32_1 = arith.constant 0 : i32
    return %c0_i32, %c0_i32_0 : i32, i32
  }
  func.func @transform_9(%arg0: i32) -> (i32, i32) {
    %c0_i32 = arith.constant 0 : i32
    %c0_i32_0 = arith.constant 0 : i32
    %c0_i32_1 = arith.constant 0 : i32
    return %c0_i32, %c0_i32_0 : i32, i32
  }
  func.func @transform_10(%arg0: i32) -> (i32, i32) {
    %c0_i32 = arith.constant 0 : i32
    %c0_i32_0 = arith.constant 0 : i32
    %c0_i32_1 = arith.constant 0 : i32
    return %c0_i32, %c0_i32_0 : i32, i32
  }
  func.func @transform_11(%arg0: i32) -> (i32, i32) {
    %c0_i32 = arith.constant 0 : i32
    %c0_i32_0 = arith.constant 0 : i32
    %c0_i32_1 = arith.constant 0 : i32
    return %c0_i32, %c0_i32_0 : i32, i32
  }
  func.func @transform_12(%arg0: i32) -> (i32, i32) {
    %c0_i32 = arith.constant 0 : i32
    %c0_i32_0 = arith.constant 0 : i32
    return %arg0, %c0_i32 : i32, i32
  }
}

module attributes {stable_mosaic.version = 14 : i64} {
  func.func @_attn_body(%arg0: i32, %arg1: memref<128x768xf32, #tpu.memory_space<vmem>>, %arg2: memref<4096x384xi32, #tpu.memory_space<vmem>>, %arg3: memref<4096x384xi32, #tpu.memory_space<vmem>>, %arg4: memref<128x12x32xf32, #tpu.memory_space<vmem>>, %arg5: memref<768x768xf32, #tpu.memory_space<vmem>>, %arg6: memref<384x128xf32, #tpu.memory_space<vmem>>, %arg7: memref<384x128xf32, #tpu.memory_space<vmem>>, %arg8: memref<128x384xf32, #tpu.memory_space<vmem>>, %arg9: memref<128x384xf32, #tpu.memory_space<vmem>>, %arg10: memref<384x768xf32, #tpu.memory_space<vmem>>, %arg11: memref<384x768xf32, #tpu.memory_space<vmem>>, %arg12: memref<8x768xf32, #tpu.memory_space<vmem>>, %arg13: memref<128x768xf32, #tpu.memory_space<vmem>>) attributes {dimension_semantics = [#tpu.dimension_semantics<arbitrary>], iteration_bounds = array<i64: 4>, scalar_prefetch = 0 : i64, scratch_operands = 0 : i64, tpu.core_type = #tpu.core_type<tc>, window_params = [{transform_indices = @transform_0, window_bounds = array<i64: 128, 768>}, {transform_indices = @transform_1, window_bounds = array<i64: 4096, 384>}, {transform_indices = @transform_2, window_bounds = array<i64: 4096, 384>}, {transform_indices = @transform_3, window_bounds = array<i64: 128, 12, 32>}, {pipeline_mode = #tpu.pipeline_mode<synchronous>, transform_indices = @transform_4, window_bounds = array<i64: 768, 768>}, {pipeline_mode = #tpu.pipeline_mode<synchronous>, transform_indices = @transform_5, window_bounds = array<i64: 384, 128>}, {pipeline_mode = #tpu.pipeline_mode<synchronous>, transform_indices = @transform_6, window_bounds = array<i64: 384, 128>}, {pipeline_mode = #tpu.pipeline_mode<synchronous>, transform_indices = @transform_7, window_bounds = array<i64: 128, 384>}, {pipeline_mode = #tpu.pipeline_mode<synchronous>, transform_indices = @transform_8, window_bounds = array<i64: 128, 384>}, {pipeline_mode = #tpu.pipeline_mode<synchronous>, transform_indices = @transform_9, window_bounds = array<i64: 384, 768>}, {pipeline_mode = #tpu.pipeline_mode<synchronous>, transform_indices = @transform_10, window_bounds = array<i64: 384, 768>}, {pipeline_mode = #tpu.pipeline_mode<synchronous>, transform_indices = @transform_11, window_bounds = array<i64: 8, 768>}, {transform_indices = @transform_12, window_bounds = array<i64: 128, 768>}]} {
    %get3A = arith.constant 0 : index
    %get3A_0 = arith.constant 0 : index
    %get3A_1 = vector.load %arg1[%get3A, %get3A_0] : memref<128x768xf32, #tpu.memory_space<vmem>>, vector<128x768xf32>
    %get3A_2 = arith.constant 0 : index
    %get3A_3 = arith.constant 0 : index
    %get3A_4 = vector.load %arg5[%get3A_2, %get3A_3] : memref<768x768xf32, #tpu.memory_space<vmem>>, vector<768x768xf32>
    %dot_general3A = arith.constant dense<0.000000e+00> : vector<128x768xf32>
    %dot_general3A_5 = tpu.matmul %get3A_1, %get3A_4, %dot_general3A {dimension_numbers = #tpu.dot_dimension_numbers<[1], [0], [0], [1], [0, 0, 1, 1], [], []>, transpose_lhs_hint = false} : vector<128x768xf32>, vector<768x768xf32>, vector<128x768xf32> -> vector<128x768xf32>
    %reshape3A = vector.shape_cast %dot_general3A_5 : vector<128x768xf32> to vector<128x1x768xf32>
    %broadcast_in_dim3A = vector.shape_cast %reshape3A : vector<128x1x768xf32> to vector<128x1x768xf32>
    %broadcast_in_dim3A_6 = vector.broadcast %broadcast_in_dim3A : vector<128x1x768xf32> to vector<128x32x768xf32>
    %reshape3A_7 = vector.shape_cast %broadcast_in_dim3A_6 : vector<128x32x768xf32> to vector<4096x768xf32>
    %get3A_8 = arith.constant 0 : index
    %get3A_9 = arith.constant 0 : index
    %get3A_10 = vector.load %arg2[%get3A_8, %get3A_9] : memref<4096x384xi32, #tpu.memory_space<vmem>>, vector<4096x384xi32>
    %get3A_11 = arith.constant 0 : index
    %get3A_12 = arith.constant 0 : index
    %get3A_13 = vector.load %arg3[%get3A_11, %get3A_12] : memref<4096x384xi32, #tpu.memory_space<vmem>>, vector<4096x384xi32>
    %slice3A = vector.extract_strided_slice %reshape3A_7 {offsets = [0, 0], sizes = [4096, 384], strides = [1, 1]} : vector<4096x768xf32> to vector<4096x384xf32>
    %shift_left3A = arith.constant 16 : i32
    %shift_left3A_14 = vector.broadcast %shift_left3A : i32 to vector<4096x384xi32>
    %shift_left3A_15 = arith.shli %get3A_10, %shift_left3A_14 : vector<4096x384xi32>
    %bitcast_convert_type3A = tpu.bitcast %shift_left3A_15 : vector<4096x384xi32> -> vector<4096x384xf32>
    %mul3A = arith.mulf %slice3A, %bitcast_convert_type3A : vector<4096x384xf32>
    %get3A_16 = arith.constant 0 : index
    %get3A_17 = arith.constant 0 : index
    %get3A_18 = vector.load %arg6[%get3A_16, %get3A_17] : memref<384x128xf32, #tpu.memory_space<vmem>>, vector<384x128xf32>
    %dot_general3A_19 = arith.constant dense<0.000000e+00> : vector<4096x128xf32>
    %dot_general3A_20 = tpu.matmul %mul3A, %get3A_18, %dot_general3A_19 {dimension_numbers = #tpu.dot_dimension_numbers<[1], [0], [0], [1], [0, 0, 1, 1], [], []>, transpose_lhs_hint = false} : vector<4096x384xf32>, vector<384x128xf32>, vector<4096x128xf32> -> vector<4096x128xf32>
    %slice3A_21 = vector.extract_strided_slice %reshape3A_7 {offsets = [0, 384], sizes = [4096, 384], strides = [1, 1]} : vector<4096x768xf32> to vector<4096x384xf32>
    %and3A = arith.constant -65536 : i32
    %and3A_22 = vector.broadcast %and3A : i32 to vector<4096x384xi32>
    %and3A_23 = arith.andi %get3A_10, %and3A_22 : vector<4096x384xi32>
    %bitcast_convert_type3A_24 = tpu.bitcast %and3A_23 : vector<4096x384xi32> -> vector<4096x384xf32>
    %mul3A_25 = arith.mulf %slice3A_21, %bitcast_convert_type3A_24 : vector<4096x384xf32>
    %get3A_26 = arith.constant 0 : index
    %get3A_27 = arith.constant 0 : index
    %get3A_28 = vector.load %arg7[%get3A_26, %get3A_27] : memref<384x128xf32, #tpu.memory_space<vmem>>, vector<384x128xf32>
    %dot_general3A_29 = arith.constant dense<0.000000e+00> : vector<4096x128xf32>
    %dot_general3A_30 = tpu.matmul %mul3A_25, %get3A_28, %dot_general3A_29 {dimension_numbers = #tpu.dot_dimension_numbers<[1], [0], [0], [1], [0, 0, 1, 1], [], []>, transpose_lhs_hint = false} : vector<4096x384xf32>, vector<384x128xf32>, vector<4096x128xf32> -> vector<4096x128xf32>
    %add3A = arith.addf %dot_general3A_20, %dot_general3A_30 : vector<4096x128xf32>
    %get3A_31 = arith.constant 0 : index
    %get3A_32 = arith.constant 0 : index
    %get3A_33 = arith.constant 0 : index
    %get3A_34 = vector.load %arg4[%get3A_31, %get3A_32, %get3A_33] : memref<128x12x32xf32, #tpu.memory_space<vmem>>, vector<128x12x32xf32>
    %transpose3A = tpu.transpose %get3A_34, [0, 2, 1] : vector<128x12x32xf32> -> vector<128x32x12xf32>
    %reshape3A_35 = vector.shape_cast %transpose3A : vector<128x32x12xf32> to vector<4096x12xf32>
    %broadcast_in_dim3A_36 = arith.constant 0.000000e+00 : f32
    %broadcast_in_dim3A_37 = vector.broadcast %broadcast_in_dim3A_36 : f32 to vector<4096x116xf32>
    %concatenate3A = tpu.concatenate %reshape3A_35, %broadcast_in_dim3A_37 in 1 : vector<4096x12xf32>, vector<4096x116xf32> -> vector<4096x128xf32>
    %add3A_38 = arith.addf %add3A, %concatenate3A : vector<4096x128xf32>
    %mul3A_39 = arith.constant 1.250000e-01 : f32
    %mul3A_40 = vector.broadcast %mul3A_39 : f32 to vector<4096x128xf32>
    %mul3A_41 = arith.mulf %add3A_38, %mul3A_40 : vector<4096x128xf32>
    %exp3A = math.exp %mul3A_41 : vector<4096x128xf32>
    %reshape3A_42 = vector.shape_cast %exp3A : vector<4096x128xf32> to vector<128x32x128xf32>
    %reduce_sum3A = arith.constant dense<0.000000e+00> : vector<128x128xf32>
    %reduce_sum3A_43 = vector.multi_reduction <add>, %reshape3A_42, %reduce_sum3A [1] : vector<128x32x128xf32> to vector<128x128xf32>
    %broadcast_in_dim3A_44 = vector.shape_cast %reduce_sum3A_43 : vector<128x128xf32> to vector<128x1x128xf32>
    %reshape3A_45 = vector.shape_cast %exp3A : vector<4096x128xf32> to vector<128x32x128xf32>
    %div3A = vector.broadcast %broadcast_in_dim3A_44 : vector<128x1x128xf32> to vector<128x32x128xf32>
    %div3A_46 = arith.divf %reshape3A_45, %div3A : vector<128x32x128xf32>
    %reshape3A_47 = vector.shape_cast %div3A_46 : vector<128x32x128xf32> to vector<4096x128xf32>
    %get3A_48 = arith.constant 0 : index
    %get3A_49 = arith.constant 0 : index
    %get3A_50 = vector.load %arg8[%get3A_48, %get3A_49] : memref<128x384xf32, #tpu.memory_space<vmem>>, vector<128x384xf32>
    %dot_general3A_51 = arith.constant dense<0.000000e+00> : vector<4096x384xf32>
    %dot_general3A_52 = tpu.matmul %reshape3A_47, %get3A_50, %dot_general3A_51 {dimension_numbers = #tpu.dot_dimension_numbers<[1], [0], [0], [1], [0, 0, 1, 1], [], []>, transpose_lhs_hint = false} : vector<4096x128xf32>, vector<128x384xf32>, vector<4096x384xf32> -> vector<4096x384xf32>
    %get3A_53 = arith.constant 0 : index
    %get3A_54 = arith.constant 0 : index
    %get3A_55 = vector.load %arg9[%get3A_53, %get3A_54] : memref<128x384xf32, #tpu.memory_space<vmem>>, vector<128x384xf32>
    %dot_general3A_56 = arith.constant dense<0.000000e+00> : vector<4096x384xf32>
    %dot_general3A_57 = tpu.matmul %reshape3A_47, %get3A_55, %dot_general3A_56 {dimension_numbers = #tpu.dot_dimension_numbers<[1], [0], [0], [1], [0, 0, 1, 1], [], []>, transpose_lhs_hint = false} : vector<4096x128xf32>, vector<128x384xf32>, vector<4096x384xf32> -> vector<4096x384xf32>
    %shift_left3A_58 = arith.constant 16 : i32
    %shift_left3A_59 = vector.broadcast %shift_left3A_58 : i32 to vector<4096x384xi32>
    %shift_left3A_60 = arith.shli %get3A_13, %shift_left3A_59 : vector<4096x384xi32>
    %bitcast_convert_type3A_61 = tpu.bitcast %shift_left3A_60 : vector<4096x384xi32> -> vector<4096x384xf32>
    %mul3A_62 = arith.mulf %dot_general3A_52, %bitcast_convert_type3A_61 : vector<4096x384xf32>
    %reshape3A_63 = vector.shape_cast %mul3A_62 : vector<4096x384xf32> to vector<128x32x384xf32>
    %reduce_sum3A_64 = arith.constant dense<0.000000e+00> : vector<128x384xf32>
    %reduce_sum3A_65 = vector.multi_reduction <add>, %reshape3A_63, %reduce_sum3A_64 [1] : vector<128x32x384xf32> to vector<128x384xf32>
    %and3A_66 = arith.constant -65536 : i32
    %and3A_67 = vector.broadcast %and3A_66 : i32 to vector<4096x384xi32>
    %and3A_68 = arith.andi %get3A_13, %and3A_67 : vector<4096x384xi32>
    %bitcast_convert_type3A_69 = tpu.bitcast %and3A_68 : vector<4096x384xi32> -> vector<4096x384xf32>
    %mul3A_70 = arith.mulf %dot_general3A_57, %bitcast_convert_type3A_69 : vector<4096x384xf32>
    %reshape3A_71 = vector.shape_cast %mul3A_70 : vector<4096x384xf32> to vector<128x32x384xf32>
    %reduce_sum3A_72 = arith.constant dense<0.000000e+00> : vector<128x384xf32>
    %reduce_sum3A_73 = vector.multi_reduction <add>, %reshape3A_71, %reduce_sum3A_72 [1] : vector<128x32x384xf32> to vector<128x384xf32>
    %get3A_74 = arith.constant 0 : index
    %get3A_75 = arith.constant 0 : index
    %get3A_76 = vector.load %arg10[%get3A_74, %get3A_75] : memref<384x768xf32, #tpu.memory_space<vmem>>, vector<384x768xf32>
    %dot_general3A_77 = arith.constant dense<0.000000e+00> : vector<128x768xf32>
    %dot_general3A_78 = tpu.matmul %reduce_sum3A_65, %get3A_76, %dot_general3A_77 {dimension_numbers = #tpu.dot_dimension_numbers<[1], [0], [0], [1], [0, 0, 1, 1], [], []>, transpose_lhs_hint = false} : vector<128x384xf32>, vector<384x768xf32>, vector<128x768xf32> -> vector<128x768xf32>
    %get3A_79 = arith.constant 0 : index
    %get3A_80 = arith.constant 0 : index
    %get3A_81 = vector.load %arg11[%get3A_79, %get3A_80] : memref<384x768xf32, #tpu.memory_space<vmem>>, vector<384x768xf32>
    %dot_general3A_82 = arith.constant dense<0.000000e+00> : vector<128x768xf32>
    %dot_general3A_83 = tpu.matmul %reduce_sum3A_73, %get3A_81, %dot_general3A_82 {dimension_numbers = #tpu.dot_dimension_numbers<[1], [0], [0], [1], [0, 0, 1, 1], [], []>, transpose_lhs_hint = false} : vector<128x384xf32>, vector<384x768xf32>, vector<128x768xf32> -> vector<128x768xf32>
    %add3A_84 = arith.addf %dot_general3A_78, %dot_general3A_83 : vector<128x768xf32>
    %get3A_85 = arith.constant 0 : index
    %get3A_86 = arith.constant 0 : index
    %get3A_87 = vector.load %arg12[%get3A_85, %get3A_86] : memref<8x768xf32, #tpu.memory_space<vmem>>, vector<1x768xf32>
    %add3A_88 = vector.broadcast %get3A_87 : vector<1x768xf32> to vector<128x768xf32>
    %add3A_89 = arith.addf %add3A_84, %add3A_88 : vector<128x768xf32>
    %add3A_90 = arith.addf %add3A_89, %get3A_1 : vector<128x768xf32>
    %reduce_sum3A_91 = arith.constant dense<0.000000e+00> : vector<128xf32>
    %reduce_sum3A_92 = vector.multi_reduction <add>, %add3A_90, %reduce_sum3A_91 [1] : vector<128x768xf32> to vector<128xf32>
    %broadcast_in_dim3A_93 = vector.shape_cast %reduce_sum3A_92 : vector<128xf32> to vector<128x1xf32>
    %div3A_94 = arith.constant 7.680000e+02 : f32
    %div3A_95 = vector.broadcast %div3A_94 : f32 to vector<128x1xf32>
    %div3A_96 = arith.divf %broadcast_in_dim3A_93, %div3A_95 : vector<128x1xf32>
    %sub3A = vector.broadcast %div3A_96 : vector<128x1xf32> to vector<128x768xf32>
    %sub3A_97 = arith.subf %add3A_90, %sub3A : vector<128x768xf32>
    %mul3A_98 = arith.mulf %sub3A_97, %sub3A_97 : vector<128x768xf32>
    %reduce_sum3A_99 = arith.constant dense<0.000000e+00> : vector<128xf32>
    %reduce_sum3A_100 = vector.multi_reduction <add>, %mul3A_98, %reduce_sum3A_99 [1] : vector<128x768xf32> to vector<128xf32>
    %broadcast_in_dim3A_101 = vector.shape_cast %reduce_sum3A_100 : vector<128xf32> to vector<128x1xf32>
    %div3A_102 = arith.constant 7.680000e+02 : f32
    %div3A_103 = vector.broadcast %div3A_102 : f32 to vector<128x1xf32>
    %div3A_104 = arith.divf %broadcast_in_dim3A_101, %div3A_103 : vector<128x1xf32>
    %add3A_105 = arith.constant 9.99999997E-7 : f32
    %add3A_106 = vector.broadcast %add3A_105 : f32 to vector<128x1xf32>
    %add3A_107 = arith.addf %div3A_104, %add3A_106 : vector<128x1xf32>
    %rsqrt3A = math.rsqrt %add3A_107 : vector<128x1xf32>
    %mul3A_108 = vector.broadcast %rsqrt3A : vector<128x1xf32> to vector<128x768xf32>
    %mul3A_109 = arith.mulf %sub3A_97, %mul3A_108 : vector<128x768xf32>
    %get3A_110 = arith.constant 1 : index
    %get3A_111 = arith.constant 0 : index
    %get3A_112 = vector.load %arg12[%get3A_110, %get3A_111] : memref<8x768xf32, #tpu.memory_space<vmem>>, vector<1x768xf32>
    %mul3A_113 = vector.broadcast %get3A_112 : vector<1x768xf32> to vector<128x768xf32>
    %mul3A_114 = arith.mulf %mul3A_109, %mul3A_113 : vector<128x768xf32>
    %get3A_115 = arith.constant 2 : index
    %get3A_116 = arith.constant 0 : index
    %get3A_117 = vector.load %arg12[%get3A_115, %get3A_116] : memref<8x768xf32, #tpu.memory_space<vmem>>, vector<1x768xf32>
    %add3A_118 = vector.broadcast %get3A_117 : vector<1x768xf32> to vector<128x768xf32>
    %add3A_119 = arith.addf %mul3A_114, %add3A_118 : vector<128x768xf32>
    %swap3A = arith.constant 0 : index
    %swap3A_120 = arith.constant 0 : index
    %swap3A_121 = vector.load %arg13[%swap3A, %swap3A_120] : memref<128x768xf32, #tpu.memory_space<vmem>>, vector<128x768xf32>
    tpu.vector_store %arg13[%swap3A, %swap3A_120], %add3A_119 {strides = array<i32>} : memref<128x768xf32, #tpu.memory_space<vmem>>, vector<128x768xf32>,
    return
  }
  func.func @transform_0(%arg0: i32) -> (i32, i32) {
    %add3A = arith.constant 0 : i32
    %add3A_0 = arith.addi %add3A, %arg0 : i32
    %c0_i32 = arith.constant 0 : i32
    %c0_i32_1 = arith.constant 0 : i32
    return %add3A_0, %c0_i32 : i32, i32
  }
  func.func @transform_1(%arg0: i32) -> (i32, i32) {
    %c0_i32 = arith.constant 0 : i32
    %c0_i32_0 = arith.constant 0 : i32
    return %arg0, %c0_i32 : i32, i32
  }
  func.func @transform_2(%arg0: i32) -> (i32, i32) {
    %c1_i32 = arith.constant 1 : i32
    %c0_i32 = arith.constant 0 : i32
    return %arg0, %c1_i32 : i32, i32
  }
  func.func @transform_3(%arg0: i32) -> (i32, i32, i32) {
    %add3A = arith.constant 0 : i32
    %add3A_0 = arith.addi %add3A, %arg0 : i32
    %c0_i32 = arith.constant 0 : i32
    %c0_i32_1 = arith.constant 0 : i32
    %c0_i32_2 = arith.constant 0 : i32
    return %add3A_0, %c0_i32, %c0_i32_1 : i32, i32, i32
  }
  func.func @transform_4(%arg0: i32) -> (i32, i32) {
    %c0_i32 = arith.constant 0 : i32
    %c0_i32_0 = arith.constant 0 : i32
    %c0_i32_1 = arith.constant 0 : i32
    return %c0_i32, %c0_i32_0 : i32, i32
  }
  func.func @transform_5(%arg0: i32) -> (i32, i32) {
    %c0_i32 = arith.constant 0 : i32
    %c0_i32_0 = arith.constant 0 : i32
    %c0_i32_1 = arith.constant 0 : i32
    return %c0_i32, %c0_i32_0 : i32, i32
  }
  func.func @transform_6(%arg0: i32) -> (i32, i32) {
    %c0_i32 = arith.constant 0 : i32
    %c0_i32_0 = arith.constant 0 : i32
    %c0_i32_1 = arith.constant 0 : i32
    return %c0_i32, %c0_i32_0 : i32, i32
  }
  func.func @transform_7(%arg0: i32) -> (i32, i32) {
    %c0_i32 = arith.constant 0 : i32
    %c0_i32_0 = arith.constant 0 : i32
    %c0_i32_1 = arith.constant 0 : i32
    return %c0_i32, %c0_i32_0 : i32, i32
  }
  func.func @transform_8(%arg0: i32) -> (i32, i32) {
    %c0_i32 = arith.constant 0 : i32
    %c0_i32_0 = arith.constant 0 : i32
    %c0_i32_1 = arith.constant 0 : i32
    return %c0_i32, %c0_i32_0 : i32, i32
  }
  func.func @transform_9(%arg0: i32) -> (i32, i32) {
    %c0_i32 = arith.constant 0 : i32
    %c0_i32_0 = arith.constant 0 : i32
    %c0_i32_1 = arith.constant 0 : i32
    return %c0_i32, %c0_i32_0 : i32, i32
  }
  func.func @transform_10(%arg0: i32) -> (i32, i32) {
    %c0_i32 = arith.constant 0 : i32
    %c0_i32_0 = arith.constant 0 : i32
    %c0_i32_1 = arith.constant 0 : i32
    return %c0_i32, %c0_i32_0 : i32, i32
  }
  func.func @transform_11(%arg0: i32) -> (i32, i32) {
    %c0_i32 = arith.constant 0 : i32
    %c0_i32_0 = arith.constant 0 : i32
    %c0_i32_1 = arith.constant 0 : i32
    return %c0_i32, %c0_i32_0 : i32, i32
  }
  func.func @transform_12(%arg0: i32) -> (i32, i32) {
    %c0_i32 = arith.constant 0 : i32
    %c0_i32_0 = arith.constant 0 : i32
    return %arg0, %c0_i32 : i32, i32
  }
}

</mosaic_0001>

<sc_bundles>
// kernel: kernel.11.cloned.1.call-start
scs
__scs_entry_jumppad:
0x0: {  	(pc) =	sbr.rel $0x88, $3  }
0x1: {  	(tag) =	ssettag $0x0;
	lr =	simm.s32 $0x1  }
0x2: {  	[smem:$0x3F97] =	sst lr;
	_ =	strace $0xD0000000  }
0x3: {  	_ = 	snop  }
0x4: {  	_ = 	snop  }
0x5: {  	_ = 	snop  }
0x6: {  	_ = 	snop  }
0x7: {  	_ = 	snop  }
__scs_overlays_trampoline_lowered:
0x8: {  	[smem:$0x3FA6] =	sst s0  }
0x9: {  	[smem:$0x3FA7] =	sst s1  }
0xa: {  	[smem:$0x3FA8] =	sst s2  }
0xb: {  	[smem:$0x3FA9] =	sst s3  }
0xc: {  	[smem:$0x3FAA] =	sst s4  }
0xd: {  	[smem:$0x3FAB] =	sst s5  }
0xe: {  	[smem:$0x3FAC] =	sst s6  }
0xf: {  	[smem:$0x3FAD] =	sst s7  }
0x10: {  	[smem:$0x3FAE] =	sst s8  }
0x11: {  	[smem:$0x3FAF] =	sst s9;
	s0 =	simm.s32 @!p0 $0x0  }
0x12: {  	s1 =	sld [smem:$0x3F95];
	s0 =	simm.s32 @p0 $0x1  }
0x13: {  	[smem:$0x3FB0] =	sst s0;
	s0 =	simm.s32 @!p1 $0x0  }
0x14: {  	s2 =	sld [smem:$0x3F94];
	s0 =	simm.s32 @p1 $0x1  }
0x15: {  	[smem:$0x3FB1] =	sst s0;
	s0 =	simm.s32 @!p2 $0x0  }
0x16: {  	s3 =	sld [smem:$0x3FDB];
	s0 =	simm.s32 @p2 $0x1  }
0x17: {  	s4 =	simm.s32 $0x1BF5;
	[smem:$0x3FB3] =	sst s0  }
0x18: {  	s0 =	sld [smem:$0x3F96];
	_ =	swait.ge [sflag:s4], $0x0  }
0x19: {  	s7 =	sld [smem:$0x3F97]  }
0x1a: {  	s8 =	sadd.s32 $0xFFFFE003, lr  }
0x1b: {  	s9 =	sadd.s32 $0xFFFFFEF7, lr;
	s5 =	simm.s32 $0xFFFFFFFF;
	p2 =	slt.u32 s8, $0xFFFFF086  }
0x1c: {  	p1 =	slt.u32 s9, $0xF7A;
	s5 =	simm.s32 @!p2 $0x0  }
0x1d: {  	s5 =	simm.s32 @p1 $0x1;
	p0 =	seq.s32 s7, s2  }
0x1e: {  	s7 =	smul.u32 @!p0 $0xF7A, s2;
	p2 =	seq.s32 @!p0 s5, $0x0  }
0x1f: {  	s9 =	smul.u32 $0xF7A, s1;
	s8 =	simm.s32 @!p0 $0x1BF5;
	p2 =	por !p2, p0  }
0x20: {  	[sflag:s8] =	ssyncset.s32 @!p0 $0xFFFFF086;
	s6 =	sadd.s32 @!p0 s3, s7;
	s7 =	simm.s32 @!p0 $0x108  }
0x21: {  	s3 =	sadd.s32 s3, s9;
	s6 =	sadd.s32 @!p0 $0x88, s6;
	s7 =	simm.s32 @p2 $0x1082  }
0x22: {  	[simem:s7], [sflag:s8] =	dma.local @!p0 [hbm:s6], $0xF7A  }
0x23: {  	s9 =	sor.u32 $0xD0000000, s2;
	s6 =	simm.s32 $0x108;
	_ =	swait.ge @!p0 [sflag:s8], $0x0  }
0x24: {  	s3 =	sadd.s32 $0x88, s3;
	s6 =	simm.s32 @!p1 $0x1082;
	[sflag:s4] =	ssyncset.s32 $0xFFFFF086  }
0x25: {  	[simem:s6], [sflag:s4] =	dma.local [hbm:s3], $0xF7A  }
0x26: {  	[smem:$0x3F97] =	sst s1;
	(tag) =	ssettag s2;
	_ =	strace s9  }
0x27: {  	s1 =	sld [smem:$0x3FA7]  }
0x28: {  	s2 =	sld [smem:$0x3FA8]  }
0x29: {  	s4 =	sld [smem:$0x3FAA]  }
0x2a: {  	p0 =	seq.s32 s5, $0x0;
	s5 =	sld [smem:$0x3FAB]  }
0x2b: {  	s6 =	sld [smem:$0x3FAC]  }
0x2c: {  	s7 =	sld [smem:$0x3FAD]  }
0x2d: {  	s3 =	simm.s32 $0x108;
	s8 =	sld [smem:$0x3FAE]  }
0x2e: {  	s3 =	simm.s32 @!p0 $0x1082;
	s9 =	sld [smem:$0x3FAF]  }
0x2f: {  	lr =	sadd.s32 s0, s3;
	s0 =	sld [smem:$0x3FA6]  }
0x30: {  	s3 =	sld [smem:$0x3FA9]  }
0x31: {  	[smem:$0x3FB2] =	sst s10  }
0x32: {  	s10 =	sld [smem:$0x3FB0];
	_ =	sdelay $0x3  }
0x33: {  	p0 =	seq.s32 s10, $0x1;
	s10 =	sld [smem:$0x3FB2];
	_ =	sdelay $0x3  }
0x34: {  	[smem:$0x3FB2] =	sst s10  }
0x35: {  	s10 =	sld [smem:$0x3FB1];
	_ =	sdelay $0x3  }
0x36: {  	p1 =	seq.s32 s10, $0x1;
	s10 =	sld [smem:$0x3FB2];
	_ =	sdelay $0x3  }
0x37: {  	[smem:$0x3FB2] =	sst s10  }
0x38: {  	s10 =	sld [smem:$0x3FB3]  }
0x39: {  	_ = 	snop;
	(pc) =	sbr.ind lr, $3  }
0x3a: {  	_ = 	snop  }
0x3b: {  	_ = 	snop  }
0x3c: {  	p2 =	seq.s32 s10, $0x1;
	s10 =	sld [smem:$0x3FB2]  }
0x3d: {  	_ =	shalt  }
0x3e: {  	_ =	shalt  }
0x3f: {  	_ =	shalt  }
0x40: {  	_ =	shalt  }
0x41: {  	_ =	shalt  }
0x42: {  	_ =	shalt  }
0x43: {  	_ =	shalt  }
0x44: {  	_ =	shalt  }
0x45: {  	_ =	shalt  }
0x46: {  	_ =	shalt  }
0x47: {  	_ =	shalt  }
0x48: {  	_ =	shalt  }
0x49: {  	_ =	shalt  }
0x4a: {  	_ =	shalt  }
0x4b: {  	_ =	shalt  }
0x4c: {  	_ =	shalt  }
0x4d: {  	_ =	shalt  }
0x4e: {  	_ =	shalt  }
0x4f: {  	_ =	shalt  }
0x50: {  	_ =	shalt  }
0x51: {  	_ =	shalt  }
0x52: {  	_ =	shalt  }
0x53: {  	_ =	shalt  }
0x54: {  	_ =	shalt  }
0x55: {  	_ =	shalt  }
0x56: {  	_ =	shalt  }
0x57: {  	_ =	shalt  }
0x58: {  	_ =	shalt  }
0x59: {  	_ =	shalt  }
0x5a: {  	_ =	shalt  }
0x5b: {  	_ =	shalt  }
0x5c: {  	_ =	shalt  }
0x5d: {  	_ =	shalt  }
0x5e: {  	_ =	shalt  }
0x5f: {  	_ =	shalt  }
0x60: {  	_ =	shalt  }
0x61: {  	_ =	shalt  }
0x62: {  	_ =	shalt  }
0x63: {  	_ =	shalt  }
0x64: {  	_ =	shalt  }
0x65: {  	_ =	shalt  }
0x66: {  	_ =	shalt  }
0x67: {  	_ =	shalt  }
0x68: {  	_ =	shalt  }
0x69: {  	_ =	shalt  }
0x6a: {  	_ =	shalt  }
0x6b: {  	_ =	shalt  }
0x6c: {  	_ =	shalt  }
0x6d: {  	_ =	shalt  }
0x6e: {  	_ =	shalt  }
0x6f: {  	_ =	shalt  }
0x70: {  	_ =	shalt  }
0x71: {  	_ =	shalt  }
0x72: {  	_ =	shalt  }
0x73: {  	_ =	shalt  }
0x74: {  	_ =	shalt  }
0x75: {  	_ =	shalt  }
0x76: {  	_ =	shalt  }
0x77: {  	_ =	shalt  }
0x78: {  	_ =	shalt  }
0x79: {  	_ =	shalt  }
0x7a: {  	_ =	shalt  }
0x7b: {  	_ =	shalt  }
0x7c: {  	_ =	shalt  }
0x7d: {  	_ =	shalt  }
0x7e: {  	_ =	shalt  }
0x7f: {  	_ =	shalt  }
0x80: {  	_ =	shalt  }
0x81: {  	_ =	shalt  }
0x82: {  	_ =	shalt  }
0x83: {  	_ =	shalt  }
0x84: {  	_ =	shalt  }
0x85: {  	_ =	shalt  }
0x86: {  	_ =	shalt  }
0x87: {  	_ =	shalt  }
.Lfunc_end0:
.L_simem_size_0:
called_computation_lowered:
.L_overlay_start_0:
0x88: {  	s2 =	sld [smem:$0x3FD9]  }
0x89: {  	s3 =	sld [smem:$0x3FFE];
	_ =	sdelay $0x1  }
0x8a: {  	s1 =	srdreg.scid  }
0x8b: {  	s0 =	sand.u32 $0x1, s1  }
0x8c: {  	s17 =	sshll.u32 s0, $0xA;
	s2 =	sadd.s32 s3, s2  }
0x8d: {  	s2 =	sadd.s32 s2, s17  }
0x8e: {  	[smem:$0x3FBE] =	sst s2  }
0x8f: {  	_ = 	snop  }
0x90: {  	s18 =	sld [smem:$0x3FD0];
	(tm) =	ssettm $0x1  }
0x91: {  	s19 =	sld [smem:$0x3FFB];
	_ =	sdelay $0x3  }
0x92: {  	_ =	strace s19  }
0x93: {  	s2 =	sld [smem:$0x3FFC];
	_ =	sdelay $0x3  }
0x94: {  	_ =	strace s2  }
0x95: {  	s2 =	sld [smem:$0x3FFD];
	_ =	sdelay $0x3  }
0x96: {  	_ =	strace s2  }
0x97: {  	_ =	strace $0x8FFFFFFF  }
0x98: {  	s20 =	sld [smem:$0x3FDB];
	_ =	sdelay $0x1  }
0x99: {  	s4 =	simm.s32 $_scs_section_size  }
0x9a: {  	s5 =	simm.s32 $_size__tile_overlayer_lowered;
	s6 =	simm.s32 $_tile_overlayer_lowered  }
0x9b: {  	s7 =	simm.s32 $0x1BFF;
	s21 =	sshll.u32 s6, $0x1;
	s4 =	sadd.s32 s4, s20  }
0x9c: {  	s22 =	simm.s32 $0x0;
	s5 =	sshll.u32 s5, $0x1;
	s6 =	sadd.s32 s21, s4  }
0x9d: {  	[timem:s22], [sflag:s7] =	dma.local [hbm:s6], s5  }
0x9e: {  	_ =	swait.ge [sflag:s7], s5  }
0x9f: {  	s5 =	ssub.s32 $0x0, s5;
	[sflag:s7] =	ssyncset.done $0x0  }
0xa0: {  	[sflag:s7] =	ssyncadd.s32 s5;
	_ =	sdelay $0x1  }
0xa1: {  	s23 =	simm.s32 $0x1B8B  }
0xa2: {  	_ =	swait.ge [sflag:s23], $0x1  }
0xa3: {  	[sflag:s23] =	ssyncset.done $0x0  }
0xa4: {  	[sflag:s23] =	ssyncadd.s32 $0xFFFFFFFF  }
0xa5: {  	s5 =	sld [smem:$0x0]  }
0xa6: {  	s6 =	sand.u32 $0xFFFFFFFE, s1  }
0xa7: {  	p0 =	sne.s32 s1, s6  }
0xa8: {  	s6 =	sshll.u32 @p0 s6, $0xE  }
0xa9: {  	s6 =	sadd.s32 @p0 $0x11B8D, s6;
	s7 =	sshll.u32 @p0 s5, $0x11  }
0xaa: {  	s6 =	sor.u32 @p0 s7, s6  }
0xab: {  	[sflag:s6] =	ssyncadd.remote.s32 @p0 $0x1;
	_ =	sdelay $0x1  }
0xac: {  	s6 =	simm.s32 @p0 $0x1B8D  }
0xad: {  	_ =	swait.eq @p0 [sflag:s6], $0x1  }
0xae: {  	[sflag:s6] =	ssyncadd.s32 @p0 $0xFFFFFFFF  }
0xaf: {  	s7 =	sshll.u32 @!p0 s1, $0xE  }
0xb0: {  	s7 =	sor.u32 @!p0 $0x4000, s7;
	s6 =	simm.s32 @!p0 $0x1B8D  }
0xb1: {  	s5 =	sshll.u32 @!p0 s5, $0x11;
	s7 =	sadd.s32 @!p0 $0x11B8D, s7;
	_ =	swait.eq @!p0 [sflag:s6], $0x1  }
0xb2: {  	s5 =	sor.u32 @!p0 s5, s7;
	[sflag:s6] =	ssyncadd.s32 @!p0 $0xFFFFFFFF  }
0xb3: {  	s25 =	simm.s32 $0x1B8E;
	s24 =	sld [smem:$0x3FFE];
	[sflag:s5] =	ssyncadd.remote.s32 @!p0 $0x1  }
0xb4: {  	s26 =	simm.s32 $execute0_lowered;
	[smem:$0x3FD2] =	sst s25  }
0xb5: {  	s6 =	sshll.u32 s26, $0x1;
	_ =	strace $0x8000004F;
	[dreg:$0x1] =	wrdreg $0xFFFFFFFF  }
0xb6: {  	s28 =	simm.s32 $_size_execute0_lowered;
	s4 =	sadd.s32 s4, s6;
	[dreg:$0x0] =	wrdreg $0x0  }
0xb7: {  	s6 =	sshll.u32 s28, $0x1;
	[dreg:$0x2] =	wrdreg s4  }
0xb8: {  	[dreg:$0x3] =	wrdreg s6  }
0xb9: {  	[dreg:$0x4] =	wrdreg $0xC0  }
0xba: {  	_ =	task [dreg:s22], $0x5FFFF  }
0xbb: {  	[dreg:$0x1] =	wrdreg $0xFFFFFFFF  }
0xbc: {  	[dreg:$0x0] =	wrdreg $0x60  }
0xbd: {  	[dreg:$0x2] =	wrdreg s18  }
0xbe: {  	[dreg:$0x3] =	wrdreg s24  }
0xbf: {  	[dreg:$0x4] =	wrdreg $0x9  }
0xc0: {  	_ =	task.clear_ibuf [dreg:s22], $0x5FFFF;
	_ =	strace $0x9000004F  }
0xc1: {  	s29 =	simm.s32 $0x9;
	_ =	strace $0x80000051  }
0xc2: {  	_ =	swait.ge [sflag:s29], $0x1  }
0xc3: {  	[sflag:s29] =	ssyncadd.s32 $0xFFFFFFFF  }
0xc4: {  	_ =	strace $0x90000051  }
0xc5: {  	_ =	sfence  }
0xc6: {  	s30 =	sld [smem:$0x0];
	_ =	sdelay $0x2  }
0xc7: {  	s31 =	sshll.u32 s1, $0xD;
	s1 =	sshrl.u32 s1, $0x2  }
0xc8: {  	s4 =	sand.u32 $0x4000, s31;
	s1 =	sadd.s32 s1, s30  }
0xc9: {  	s0 =	sor.u32 s4, s0;
	s1 =	sshll.u32 s1, $0x11  }
0xca: {  	s0 =	sor.u32 s1, s0  }
0xcb: {  	s0 =	sadd.s32 $0x8F2B, s0  }
0xcc: {  	[sflag:s0] =	ssyncadd.remote.s32 $0x1  }
0xcd: {  	_ =	sfence.sel $0xFFFF  }
0xce: {  	[dreg:$0x0] =	wrdreg $0xFFFFFFFF;
	(pc) =	sbr.abs _section_cstart, $3  }
0xcf: {  	[dreg:$0x1] =	wrdreg $0xFFFFFFFF  }
0xd0: {  	_ =	task.clear_ibuf [dreg:s22], $0x2FFFF;
	_ =	strace $0x9FFFFFFF  }
0xd1: {  	(tm) =	ssettm $0x7FFFFFFF  }
tec
execute0_lowered:
.L_overlay_start_1:
0x0: {  	(tag) =	ssettag $0x1  }
0x1: {  	s2 =	rddreg [dreg:$0x0]  }
0x2: {  	s0 =	rddreg [dreg:$0x1]  }
0x3: {  	s1 =	srdreg.scid;
	s4 =	stileid.u32;
	s3 =	simm.s32 $0x0  }
0x4: {  	s11 =	simm.s32 $0x200;
	s10 =	simm.s32 $0x1;
	s12 =	simm.s32 $0xC200  }
0x5: {  	s19 =	simm.s32 $0xFA00;
	s20 =	simm.s32 $0x10200;
	s21 =	simm.s32 $0x10A00  }
0x6: {  	s22 =	simm.s32 $0x11200;
	s23 =	simm.s32 $0x11A00;
	s24 =	simm.s32 $0x12200  }
0x7: {  	s25 =	simm.s32 $0x12A00;
	s28 =	simm.s32 $0x13A00;
	s29 =	simm.s32 $0x14200  }
0x8: {  	s30 =	simm.s32 $0x14A00;
	s31 =	simm.s32 $0x15200;
	s13 =	simm.s32 $0x17A00  }
0x9: {  	s14 =	simm.s32 $0x2;
	s15 =	simm.s32 $0x3;
	s1 =	sand.u32 $0x1, s1  }
0xa: {  	s18 =	simm.s32 $0x0;
	s4 =	sshll.u32 s4, $0xA;
	s5 =	sshll.u32 s1, $0x9  }
0xb: {  	[smem:$0x7FF] =	sst s3;
	s1 =	ssub.s32 $0x2, s1;
	s4 =	sor.u32 s5, s4  }
0xc: {  	_ =	strace $0x80000050;
	s7 =	sshrl.u32 s1, $0x1;
	s5 =	sshrl.u32 s4, $0x3  }
0xd: {  	s4 =	sor.u32 $0x40, s4;
	s1 =	ssub.s32 s1, s7;
	s7 =	simm.s32 $0x17200  }
0xe: {  	s6 =	sadd.s32 s5, s0;
	s8 =	smul.u32 $0x300, s5;
	s4 =	sshrl.u32 s4, $0x3  }
.Ltmp0:
0xf: {  	s0 =	sadd.s32 $0x486400, s0;
	s5 =	sadd.s32 $0x100, s2;
	(pc) =	sbr.rel .LBB2_1-.Ltmp0, $4  }
0x10: {  	s1 =	smax.u32 s1, $0x1;
	s4 =	smul.u32 $0x300, s4;
	s26 =	sadd.s32 $0x485C00, s6  }
0x11: {  	v2 =	vlaneseq.u32;
	s6 =	sadd.s32 $0x200, s2;
	[dreg:$0x4] =	wrdreg s1;
	s1 =	simm.s32 $0x16200  }
0x12: {  	vm0 =	vmmov $0xffff;
	v1 =	vshrl.u32 v2, $0x3;
	[dreg:$0x3] =	wrdreg s26;
	s8 =	sadd.s32 s8, s0;
	s26 =	simm.s32 $0x13200  }
0x13: {  	v0 =	vand.u32 $0x7, v2;
	v2 =	vor.u32 $0x8, v2;
	v1 =	vmul.u32 $0x8, v1;
	s9 =	sadd.s32 s4, s0;
	s0 =	simm.s32 $0x15A00;
	s4 =	simm.s32 $0x16A00  }
.LBB2_5:
0x14: {  	s17 =	simm.s32 $0x4  }
0x15: {  	_ =	swait.ge [sflag:s17], $0xC000  }
0x16: {  	s18 =	rddreg [dreg:$0x5]  }
0x17: {  	s16 =	rddreg [dreg:$0x4];
	s18 =	sadd.s32 $0x1, s18  }
0x18: {  	p0 =	sne.s32 s18, s16  }
.Ltmp1:
0x19: {  	_ = 	snop;
	(pc) =	sbr.rel @!p0 .LBB2_6-.Ltmp1, $3  }
0x1a: {  	_ =	sdelay $0x1  }
0x1b: {  	[sflag:s17] =	ssyncset.done $0x0  }
0x1c: {  	[sflag:s17] =	ssyncadd.s32 $0xFFFF4000  }
.LBB2_1:
0x1d: {  	[dreg:$0x5] =	wrdreg s18  }
0x1e: {  	s16 =	rddreg [dreg:$0x3];
	s17 =	simm.s32 $0x5  }
0x1f: {  	[tilespmem:s3], [sflag:$0x5] =	stream.linear.gather [hbm4b:s16+s3], $0x200, $0x38;
	[tilespmem:$0x18200] =	vst v63  }
0x20: {  	_ =	swait.ge [sflag:s17], $0x200  }
0x21: {  	[sflag:s17] =	ssyncset.done $0x0  }
0x22: {  	[sflag:s17] =	ssyncadd.s32 $0xFFFFFE00  }
0x23: {  	v3 =	vld [tilespmem:$0x0];
	_ =	sdelay $0x4  }
0x24: {  	v4 =	vshrl.u32 v3, $0x3  }
0x25: {  	v4 =	vmul.u32 $0x30, v4  }
0x26: {  	v3 =	vand.u32 $0x7, v3  }
0x27: {  	v3 =	vor.u32 v3, v4  }
0x28: {  	v4 =	vperm.xlane v3, v0;
	_ =	sdelay $0x1  }
0x29: {  	v4 =	vadd.s32 v1, v4;
	_ =	sdelay $0x3  }
0x2a: {  	v3 =	vperm.xlane v3, v2  }
0x2b: {  	[tilespmem:s11], [sflag:$0x1] =	stream.indirect_vreg.gather [hbm4b:s2+s3], $0x80, v4, vm0, $0xb8;
	[tilespmem:$0x18200] =	vst v63  }
0x2c: {  	s18 =	simm.s32 $0xA00;
	v3 =	vadd.s32 v1, v3  }
0x2d: {  	[tilespmem:s18], [sflag:$0x1] =	stream.indirect_vreg.gather [hbm4b:s5+s3], $0x80, v4, vm0, $0xb8;
	[tilespmem:$0x18200] =	vst v63  }
0x2e: {  	s17 =	simm.s32 $0x1200  }
0x2f: {  	[tilespmem:s17], [sflag:$0x1] =	stream.indirect_vreg.gather [hbm4b:s6+s3], $0x80, v4, vm0, $0xb8;
	[tilespmem:$0x18200] =	vst v63  }
0x30: {  	s18 =	simm.s32 $0x1A00  }
0x31: {  	[tilespmem:s18], [sflag:$0x1] =	stream.indirect_vreg.gather [hbm4b:s2+s3], $0x80, v3, vm0, $0xb8;
	[tilespmem:$0x18200] =	vst v63  }
0x32: {  	s17 =	simm.s32 $0x2200  }
0x33: {  	[tilespmem:s17], [sflag:$0x1] =	stream.indirect_vreg.gather [hbm4b:s5+s3], $0x80, v3, vm0, $0xb8;
	[tilespmem:$0x18200] =	vst v63  }
0x34: {  	s18 =	simm.s32 $0x2A00  }
0x35: {  	[tilespmem:s18], [sflag:$0x1] =	stream.indirect_vreg.gather [hbm4b:s6+s3], $0x80, v3, vm0, $0xb8;
	[tilespmem:$0x18200] =	vst v63  }
0x36: {  	v3 =	vld [tilespmem:$0x10];
	_ =	sdelay $0x4  }
0x37: {  	v61 =	vshrl.u32 v3, $0x3  }
0x38: {  	v4 =	vmul.u32 $0x30, v61  }
0x39: {  	v3 =	vand.u32 $0x7, v3  }
0x3a: {  	v3 =	vor.u32 v3, v4  }
0x3b: {  	v4 =	vperm.xlane v3, v0;
	_ =	sdelay $0x1  }
0x3c: {  	v4 =	vadd.s32 v1, v4;
	_ =	sdelay $0x3  }
0x3d: {  	s17 =	simm.s32 $0x3200;
	v3 =	vperm.xlane v3, v2  }
0x3e: {  	[tilespmem:s17], [sflag:$0x1] =	stream.indirect_vreg.gather [hbm4b:s2+s3], $0x80, v4, vm0, $0xb8;
	[tilespmem:$0x18200] =	vst v63  }
0x3f: {  	s18 =	simm.s32 $0x3A00;
	v3 =	vadd.s32 v1, v3  }
0x40: {  	[tilespmem:s18], [sflag:$0x1] =	stream.indirect_vreg.gather [hbm4b:s5+s3], $0x80, v4, vm0, $0xb8;
	[tilespmem:$0x18200] =	vst v63  }
0x41: {  	s17 =	simm.s32 $0x4200  }
0x42: {  	[tilespmem:s17], [sflag:$0x1] =	stream.indirect_vreg.gather [hbm4b:s6+s3], $0x80, v4, vm0, $0xb8;
	[tilespmem:$0x18200] =	vst v63  }
0x43: {  	s18 =	simm.s32 $0x4A00  }
0x44: {  	[tilespmem:s18], [sflag:$0x1] =	stream.indirect_vreg.gather [hbm4b:s2+s3], $0x80, v3, vm0, $0xb8;
	[tilespmem:$0x18200] =	vst v63  }
0x45: {  	s17 =	simm.s32 $0x5200  }
0x46: {  	[tilespmem:s17], [sflag:$0x1] =	stream.indirect_vreg.gather [hbm4b:s5+s3], $0x80, v3, vm0, $0xb8;
	[tilespmem:$0x18200] =	vst v63  }
0x47: {  	s18 =	simm.s32 $0x5A00  }
0x48: {  	[tilespmem:s18], [sflag:$0x1] =	stream.indirect_vreg.gather [hbm4b:s6+s3], $0x80, v3, vm0, $0xb8;
	[tilespmem:$0x18200] =	vst v63  }
0x49: {  	v3 =	vld [tilespmem:$0x20];
	_ =	sdelay $0x4  }
0x4a: {  	v62 =	vshrl.u32 v3, $0x3  }
0x4b: {  	v4 =	vmul.u32 $0x30, v62  }
0x4c: {  	v3 =	vand.u32 $0x7, v3  }
0x4d: {  	v3 =	vor.u32 v3, v4  }
0x4e: {  	v4 =	vperm.xlane v3, v0;
	_ =	sdelay $0x1  }
0x4f: {  	v4 =	vadd.s32 v1, v4;
	_ =	sdelay $0x3  }
0x50: {  	s17 =	simm.s32 $0x6200;
	v3 =	vperm.xlane v3, v2  }
0x51: {  	[tilespmem:s17], [sflag:$0x1] =	stream.indirect_vreg.gather [hbm4b:s2+s3], $0x80, v4, vm0, $0xb8;
	[tilespmem:$0x18200] =	vst v63  }
0x52: {  	s18 =	simm.s32 $0x6A00;
	v3 =	vadd.s32 v1, v3  }
0x53: {  	[tilespmem:s18], [sflag:$0x1] =	stream.indirect_vreg.gather [hbm4b:s5+s3], $0x80, v4, vm0, $0xb8;
	[tilespmem:$0x18200] =	vst v63  }
0x54: {  	s17 =	simm.s32 $0x7200  }
0x55: {  	[tilespmem:s17], [sflag:$0x1] =	stream.indirect_vreg.gather [hbm4b:s6+s3], $0x80, v4, vm0, $0xb8;
	[tilespmem:$0x18200] =	vst v63  }
0x56: {  	s18 =	simm.s32 $0x7A00  }
0x57: {  	[tilespmem:s18], [sflag:$0x1] =	stream.indirect_vreg.gather [hbm4b:s2+s3], $0x80, v3, vm0, $0xb8;
	[tilespmem:$0x18200] =	vst v63  }
0x58: {  	s17 =	simm.s32 $0x8200  }
0x59: {  	[tilespmem:s17], [sflag:$0x1] =	stream.indirect_vreg.gather [hbm4b:s5+s3], $0x80, v3, vm0, $0xb8;
	[tilespmem:$0x18200] =	vst v63  }
0x5a: {  	s18 =	simm.s32 $0x8A00  }
0x5b: {  	[tilespmem:s18], [sflag:$0x1] =	stream.indirect_vreg.gather [hbm4b:s6+s3], $0x80, v3, vm0, $0xb8;
	[tilespmem:$0x18200] =	vst v63  }
0x5c: {  	v3 =	vld [tilespmem:$0x30];
	_ =	sdelay $0x4  }
0x5d: {  	v63 =	vshrl.u32 v3, $0x3  }
0x5e: {  	v4 =	vmul.u32 $0x30, v63  }
0x5f: {  	v3 =	vand.u32 $0x7, v3  }
0x60: {  	v3 =	vor.u32 v3, v4  }
0x61: {  	v4 =	vperm.xlane v3, v0;
	_ =	sdelay $0x1  }
0x62: {  	v4 =	vadd.s32 v1, v4;
	_ =	sdelay $0x3  }
0x63: {  	s17 =	simm.s32 $0x9200;
	v3 =	vperm.xlane v3, v2  }
0x64: {  	[tilespmem:s17], [sflag:$0x1] =	stream.indirect_vreg.gather [hbm4b:s2+s3], $0x80, v4, vm0, $0xb8;
	[tilespmem:$0x18200] =	vst v63  }
0x65: {  	s18 =	simm.s32 $0x9A00;
	v3 =	vadd.s32 v1, v3  }
0x66: {  	[tilespmem:s18], [sflag:$0x1] =	stream.indirect_vreg.gather [hbm4b:s5+s3], $0x80, v4, vm0, $0xb8;
	[tilespmem:$0x18200] =	vst v63  }
0x67: {  	s17 =	simm.s32 $0xA200  }
0x68: {  	[tilespmem:s17], [sflag:$0x1] =	stream.indirect_vreg.gather [hbm4b:s6+s3], $0x80, v4, vm0, $0xb8;
	[tilespmem:$0x18200] =	vst v63  }
0x69: {  	s18 =	simm.s32 $0xAA00  }
0x6a: {  	[tilespmem:s18], [sflag:$0x1] =	stream.indirect_vreg.gather [hbm4b:s2+s3], $0x80, v3, vm0, $0xb8;
	[tilespmem:$0x18200] =	vst v63  }
.Ltmp2:
0x6b: {  	_ = 	snop;
	(pc) =	sbr.rel .LBB2_2-.Ltmp2, $4  }
0x6c: {  	s17 =	simm.s32 $0xB200  }
0x6d: {  	[tilespmem:s17], [sflag:$0x1] =	stream.indirect_vreg.gather [hbm4b:s5+s3], $0x80, v3, vm0, $0xb8;
	[tilespmem:$0x18200] =	vst v63  }
0x6e: {  	s16 =	simm.s32 $0x60;
	s18 =	simm.s32 $0xBA00;
	s17 =	simm.s32 $0x0  }
0x6f: {  	[tilespmem:s18], [sflag:$0x1] =	stream.indirect_vreg.gather [hbm4b:s6+s3], $0x80, v3, vm0, $0xb8;
	[tilespmem:$0x18200] =	vst v63  }
.LBB2_4:
0x70: {  	s18 =	sadd.s32 s17, s9;
	s17 =	sadd.s32 $0x3000, s17  }
0x71: {  	p0 =	sne.s32 s17, $0xC000  }
.Ltmp3:
0x72: {  	_ = 	snop;
	(pc) =	sbr.rel @!p0 .LBB2_5-.Ltmp3, $3  }
0x73: {  	_ =	sdelay $0x1  }
0x74: {  	s16 =	sadd.s32 $0x80, s16  }
0x75: {  	[hbm4b:s18+s3] =	stream.linear.scatter [tilespmem:s12], [sflag:$0x4], $0xC000, $0x38;
	[tilespmem:$0x18200] =	vst v63  }
.LBB2_2:
0x76: {  	_ =	swait.ge [sflag:s10], $0xC000  }
0x77: {  	p0 =	seq.s32 s17, $0x0;
	[sflag:s10] =	ssyncset.done $0x0  }
0x78: {  	s18 =	simm.s32 @!p0 $0x4;
	[sflag:s10] =	ssyncadd.s32 $0xFFFF4000  }
0x79: {  	_ =	swait.ge @!p0 [sflag:s18], $0xC000  }
0x7a: {  	[sflag:s18] =	ssyncset.done @!p0 $0x0  }
0x7b: {  	[sflag:s18] =	ssyncadd.s32 @!p0 $0xFFFF4000  }
0x7c: {  	v3 =	vld [tilespmem:s16+$0xFFFFFFE0];
	_ =	sdelay $0x4  }
0x7d: {  	v4 =	vshrl.u32 v3, $0x3  }
0x7e: {  	v4 =	vmul.u32 $0x30, v4  }
0x7f: {  	v3 =	vand.u32 $0x7, v3  }
0x80: {  	v3 =	vor.u32 v3, v4  }
0x81: {  	v4 =	vperm.xlane v3, v0;
	_ =	sdelay $0x1  }
0x82: {  	v4 =	vadd.s32 v1, v4;
	_ =	sdelay $0x3  }
0x83: {  	v3 =	vperm.xlane v3, v2  }
0x84: {  	[tilespmem:s12], [sflag:$0x2] =	stream.indirect_vreg.gather [hbm4b:s2+s3], $0x80, v4, vm0, $0xb8;
	[tilespmem:$0x18200] =	vst v63  }
0x85: {  	s18 =	simm.s32 $0xCA00;
	v3 =	vadd.s32 v1, v3  }
0x86: {  	[tilespmem:s18], [sflag:$0x2] =	stream.indirect_vreg.gather [hbm4b:s5+s3], $0x80, v4, vm0, $0xb8;
	[tilespmem:$0x18200] =	vst v63  }
0x87: {  	s18 =	simm.s32 $0xD200  }
0x88: {  	[tilespmem:s18], [sflag:$0x2] =	stream.indirect_vreg.gather [hbm4b:s6+s3], $0x80, v4, vm0, $0xb8;
	[tilespmem:$0x18200] =	vst v63  }
0x89: {  	s18 =	simm.s32 $0xDA00  }
0x8a: {  	[tilespmem:s18], [sflag:$0x2] =	stream.indirect_vreg.gather [hbm4b:s2+s3], $0x80, v3, vm0, $0xb8;
	[tilespmem:$0x18200] =	vst v63  }
0x8b: {  	s18 =	simm.s32 $0xE200  }
0x8c: {  	[tilespmem:s18], [sflag:$0x2] =	stream.indirect_vreg.gather [hbm4b:s5+s3], $0x80, v3, vm0, $0xb8;
	[tilespmem:$0x18200] =	vst v63  }
0x8d: {  	s18 =	simm.s32 $0xEA00  }
0x8e: {  	[tilespmem:s18], [sflag:$0x2] =	stream.indirect_vreg.gather [hbm4b:s6+s3], $0x80, v3, vm0, $0xb8;
	[tilespmem:$0x18200] =	vst v63  }
0x8f: {  	v3 =	vld [tilespmem:s16+$0xFFFFFFF0];
	_ =	sdelay $0x4  }
0x90: {  	v61 =	vshrl.u32 v3, $0x3  }
0x91: {  	v4 =	vmul.u32 $0x30, v61  }
0x92: {  	v3 =	vand.u32 $0x7, v3  }
0x93: {  	v3 =	vor.u32 v3, v4  }
0x94: {  	v4 =	vperm.xlane v3, v0;
	_ =	sdelay $0x1  }
0x95: {  	v4 =	vadd.s32 v1, v4;
	_ =	sdelay $0x3  }
0x96: {  	s18 =	simm.s32 $0xF200;
	v3 =	vperm.xlane v3, v2  }
0x97: {  	[tilespmem:s18], [sflag:$0x2] =	stream.indirect_vreg.gather [hbm4b:s2+s3], $0x80, v4, vm0, $0xb8;
	[tilespmem:$0x18200] =	vst v63  }
0x98: {  	v3 =	vadd.s32 v1, v3  }
0x99: {  	[tilespmem:s19], [sflag:$0x2] =	stream.indirect_vreg.gather [hbm4b:s5+s3], $0x80, v4, vm0, $0xb8;
	[tilespmem:$0x18200] =	vst v63  }
0x9a: {  	_ = 	snop  }
0x9b: {  	[tilespmem:s20], [sflag:$0x2] =	stream.indirect_vreg.gather [hbm4b:s6+s3], $0x80, v4, vm0, $0xb8;
	[tilespmem:$0x18200] =	vst v63  }
0x9c: {  	_ = 	snop  }
0x9d: {  	[tilespmem:s21], [sflag:$0x2] =	stream.indirect_vreg.gather [hbm4b:s2+s3], $0x80, v3, vm0, $0xb8;
	[tilespmem:$0x18200] =	vst v63  }
0x9e: {  	_ = 	snop  }
0x9f: {  	[tilespmem:s22], [sflag:$0x2] =	stream.indirect_vreg.gather [hbm4b:s5+s3], $0x80, v3, vm0, $0xb8;
	[tilespmem:$0x18200] =	vst v63  }
0xa0: {  	_ = 	snop  }
0xa1: {  	[tilespmem:s23], [sflag:$0x2] =	stream.indirect_vreg.gather [hbm4b:s6+s3], $0x80, v3, vm0, $0xb8;
	[tilespmem:$0x18200] =	vst v63  }
0xa2: {  	v3 =	vld [tilespmem:s16+$0x0];
	_ =	sdelay $0x4  }
0xa3: {  	v62 =	vshrl.u32 v3, $0x3  }
0xa4: {  	v4 =	vmul.u32 $0x30, v62  }
0xa5: {  	v3 =	vand.u32 $0x7, v3  }
0xa6: {  	v3 =	vor.u32 v3, v4  }
0xa7: {  	v4 =	vperm.xlane v3, v0;
	_ =	sdelay $0x1  }
0xa8: {  	v4 =	vadd.s32 v1, v4;
	_ =	sdelay $0x3  }
0xa9: {  	v3 =	vperm.xlane v3, v2  }
0xaa: {  	[tilespmem:s24], [sflag:$0x2] =	stream.indirect_vreg.gather [hbm4b:s2+s3], $0x80, v4, vm0, $0xb8;
	[tilespmem:$0x18200] =	vst v63  }
0xab: {  	v3 =	vadd.s32 v1, v3  }
0xac: {  	[tilespmem:s25], [sflag:$0x2] =	stream.indirect_vreg.gather [hbm4b:s5+s3], $0x80, v4, vm0, $0xb8;
	[tilespmem:$0x18200] =	vst v63  }
0xad: {  	_ = 	snop  }
0xae: {  	[tilespmem:s26], [sflag:$0x2] =	stream.indirect_vreg.gather [hbm4b:s6+s3], $0x80, v4, vm0, $0xb8;
	[tilespmem:$0x18200] =	vst v63  }
0xaf: {  	_ = 	snop  }
0xb0: {  	[tilespmem:s28], [sflag:$0x2] =	stream.indirect_vreg.gather [hbm4b:s2+s3], $0x80, v3, vm0, $0xb8;
	[tilespmem:$0x18200] =	vst v63  }
0xb1: {  	_ = 	snop  }
0xb2: {  	[tilespmem:s29], [sflag:$0x2] =	stream.indirect_vreg.gather [hbm4b:s5+s3], $0x80, v3, vm0, $0xb8;
	[tilespmem:$0x18200] =	vst v63  }
0xb3: {  	_ = 	snop  }
0xb4: {  	[tilespmem:s30], [sflag:$0x2] =	stream.indirect_vreg.gather [hbm4b:s6+s3], $0x80, v3, vm0, $0xb8;
	[tilespmem:$0x18200] =	vst v63  }
0xb5: {  	v3 =	vld [tilespmem:s16+$0x10];
	_ =	sdelay $0x4  }
0xb6: {  	v63 =	vshrl.u32 v3, $0x3  }
0xb7: {  	v4 =	vmul.u32 $0x30, v63  }
0xb8: {  	v3 =	vand.u32 $0x7, v3  }
0xb9: {  	v3 =	vor.u32 v3, v4  }
0xba: {  	v4 =	vperm.xlane v3, v0;
	_ =	sdelay $0x1  }
0xbb: {  	v4 =	vadd.s32 v1, v4;
	_ =	sdelay $0x3  }
0xbc: {  	v3 =	vperm.xlane v3, v2  }
0xbd: {  	[tilespmem:s31], [sflag:$0x2] =	stream.indirect_vreg.gather [hbm4b:s2+s3], $0x80, v4, vm0, $0xb8;
	[tilespmem:$0x18200] =	vst v63  }
0xbe: {  	v3 =	vadd.s32 v1, v3  }
0xbf: {  	[tilespmem:s0], [sflag:$0x2] =	stream.indirect_vreg.gather [hbm4b:s5+s3], $0x80, v4, vm0, $0xb8;
	[tilespmem:$0x18200] =	vst v63  }
0xc0: {  	_ = 	snop  }
0xc1: {  	[tilespmem:s1], [sflag:$0x2] =	stream.indirect_vreg.gather [hbm4b:s6+s3], $0x80, v4, vm0, $0xb8;
	[tilespmem:$0x18200] =	vst v63  }
0xc2: {  	_ = 	snop  }
0xc3: {  	[tilespmem:s4], [sflag:$0x2] =	stream.indirect_vreg.gather [hbm4b:s2+s3], $0x80, v3, vm0, $0xb8;
	[tilespmem:$0x18200] =	vst v63  }
0xc4: {  	_ = 	snop  }
0xc5: {  	[tilespmem:s7], [sflag:$0x2] =	stream.indirect_vreg.gather [hbm4b:s5+s3], $0x80, v3, vm0, $0xb8;
	[tilespmem:$0x18200] =	vst v63  }
0xc6: {  	_ = 	snop  }
0xc7: {  	[tilespmem:s13], [sflag:$0x2] =	stream.indirect_vreg.gather [hbm4b:s6+s3], $0x80, v3, vm0, $0xb8;
	[tilespmem:$0x18200] =	vst v63  }
0xc8: {  	s18 =	sadd.s32 s17, s8  }
0xc9: {  	[hbm4b:s18+s3] =	stream.linear.scatter [tilespmem:s11], [sflag:$0x3], $0xC000, $0x38;
	[tilespmem:$0x18200] =	vst v63  }
0xca: {  	p0 =	seq.s32 s17, $0x9000;
	_ =	swait.ge [sflag:s14], $0xC000  }
.Ltmp4:
0xcb: {  	[sflag:s14] =	ssyncset.done $0x0;
	(pc) =	sbr.rel @p0 .LBB2_4-.Ltmp4, $4  }
0xcc: {  	[sflag:s14] =	ssyncadd.s32 $0xFFFF4000  }
0xcd: {  	_ =	swait.ge [sflag:s15], $0xC000  }
0xce: {  	[sflag:s15] =	ssyncset.done $0x0  }
0xcf: {  	[sflag:s15] =	ssyncadd.s32 $0xFFFF4000  }
0xd0: {  	v3 =	vld [tilespmem:s16+$0x20];
	_ =	sdelay $0x4  }
0xd1: {  	v4 =	vshrl.u32 v3, $0x3  }
0xd2: {  	v4 =	vmul.u32 $0x30, v4  }
0xd3: {  	v3 =	vand.u32 $0x7, v3  }
0xd4: {  	v3 =	vor.u32 v3, v4  }
0xd5: {  	v4 =	vperm.xlane v3, v0;
	_ =	sdelay $0x1  }
0xd6: {  	v4 =	vadd.s32 v1, v4;
	_ =	sdelay $0x3  }
0xd7: {  	v3 =	vperm.xlane v3, v2  }
0xd8: {  	[tilespmem:s11], [sflag:$0x1] =	stream.indirect_vreg.gather [hbm4b:s2+s3], $0x80, v4, vm0, $0xb8;
	[tilespmem:$0x18200] =	vst v63  }
0xd9: {  	s18 =	simm.s32 $0xA00;
	v3 =	vadd.s32 v1, v3  }
0xda: {  	[tilespmem:s18], [sflag:$0x1] =	stream.indirect_vreg.gather [hbm4b:s5+s3], $0x80, v4, vm0, $0xb8;
	[tilespmem:$0x18200] =	vst v63  }
0xdb: {  	s18 =	simm.s32 $0x1200  }
0xdc: {  	[tilespmem:s18], [sflag:$0x1] =	stream.indirect_vreg.gather [hbm4b:s6+s3], $0x80, v4, vm0, $0xb8;
	[tilespmem:$0x18200] =	vst v63  }
0xdd: {  	s18 =	simm.s32 $0x1A00  }
0xde: {  	[tilespmem:s18], [sflag:$0x1] =	stream.indirect_vreg.gather [hbm4b:s2+s3], $0x80, v3, vm0, $0xb8;
	[tilespmem:$0x18200] =	vst v63  }
0xdf: {  	s18 =	simm.s32 $0x2200  }
0xe0: {  	[tilespmem:s18], [sflag:$0x1] =	stream.indirect_vreg.gather [hbm4b:s5+s3], $0x80, v3, vm0, $0xb8;
	[tilespmem:$0x18200] =	vst v63  }
0xe1: {  	s18 =	simm.s32 $0x2A00  }
0xe2: {  	[tilespmem:s18], [sflag:$0x1] =	stream.indirect_vreg.gather [hbm4b:s6+s3], $0x80, v3, vm0, $0xb8;
	[tilespmem:$0x18200] =	vst v63  }
0xe3: {  	v3 =	vld [tilespmem:s16+$0x30];
	_ =	sdelay $0x4  }
0xe4: {  	v61 =	vshrl.u32 v3, $0x3  }
0xe5: {  	v4 =	vmul.u32 $0x30, v61  }
0xe6: {  	v3 =	vand.u32 $0x7, v3  }
0xe7: {  	v3 =	vor.u32 v3, v4  }
0xe8: {  	v4 =	vperm.xlane v3, v0;
	_ =	sdelay $0x1  }
0xe9: {  	v4 =	vadd.s32 v1, v4;
	_ =	sdelay $0x3  }
0xea: {  	s18 =	simm.s32 $0x3200;
	v3 =	vperm.xlane v3, v2  }
0xeb: {  	[tilespmem:s18], [sflag:$0x1] =	stream.indirect_vreg.gather [hbm4b:s2+s3], $0x80, v4, vm0, $0xb8;
	[tilespmem:$0x18200] =	vst v63  }
0xec: {  	v3 =	vadd.s32 v1, v3;
	s18 =	simm.s32 $0x3A00  }
0xed: {  	[tilespmem:s18], [sflag:$0x1] =	stream.indirect_vreg.gather [hbm4b:s5+s3], $0x80, v4, vm0, $0xb8;
	[tilespmem:$0x18200] =	vst v63  }
0xee: {  	s18 =	simm.s32 $0x4200  }
0xef: {  	[tilespmem:s18], [sflag:$0x1] =	stream.indirect_vreg.gather [hbm4b:s6+s3], $0x80, v4, vm0, $0xb8;
	[tilespmem:$0x18200] =	vst v63  }
0xf0: {  	s18 =	simm.s32 $0x4A00  }
0xf1: {  	[tilespmem:s18], [sflag:$0x1] =	stream.indirect_vreg.gather [hbm4b:s2+s3], $0x80, v3, vm0, $0xb8;
	[tilespmem:$0x18200] =	vst v63  }
0xf2: {  	s18 =	simm.s32 $0x5200  }
0xf3: {  	[tilespmem:s18], [sflag:$0x1] =	stream.indirect_vreg.gather [hbm4b:s5+s3], $0x80, v3, vm0, $0xb8;
	[tilespmem:$0x18200] =	vst v63  }
0xf4: {  	s18 =	simm.s32 $0x5A00  }
0xf5: {  	[tilespmem:s18], [sflag:$0x1] =	stream.indirect_vreg.gather [hbm4b:s6+s3], $0x80, v3, vm0, $0xb8;
	[tilespmem:$0x18200] =	vst v63  }
0xf6: {  	v3 =	vld [tilespmem:s16+$0x40];
	_ =	sdelay $0x4  }
0xf7: {  	v62 =	vshrl.u32 v3, $0x3  }
0xf8: {  	v4 =	vmul.u32 $0x30, v62  }
0xf9: {  	v3 =	vand.u32 $0x7, v3  }
0xfa: {  	v3 =	vor.u32 v3, v4  }
0xfb: {  	v4 =	vperm.xlane v3, v0;
	_ =	sdelay $0x1  }
0xfc: {  	v4 =	vadd.s32 v1, v4;
	_ =	sdelay $0x3  }
0xfd: {  	s18 =	simm.s32 $0x6200;
	v3 =	vperm.xlane v3, v2  }
0xfe: {  	[tilespmem:s18], [sflag:$0x1] =	stream.indirect_vreg.gather [hbm4b:s2+s3], $0x80, v4, vm0, $0xb8;
	[tilespmem:$0x18200] =	vst v63  }
0xff: {  	v3 =	vadd.s32 v1, v3;
	s18 =	simm.s32 $0x6A00  }
0x100: {  	[tilespmem:s18], [sflag:$0x1] =	stream.indirect_vreg.gather [hbm4b:s5+s3], $0x80, v4, vm0, $0xb8;
	[tilespmem:$0x18200] =	vst v63  }
0x101: {  	s18 =	simm.s32 $0x7200  }
0x102: {  	[tilespmem:s18], [sflag:$0x1] =	stream.indirect_vreg.gather [hbm4b:s6+s3], $0x80, v4, vm0, $0xb8;
	[tilespmem:$0x18200] =	vst v63  }
0x103: {  	s18 =	simm.s32 $0x7A00  }
0x104: {  	[tilespmem:s18], [sflag:$0x1] =	stream.indirect_vreg.gather [hbm4b:s2+s3], $0x80, v3, vm0, $0xb8;
	[tilespmem:$0x18200] =	vst v63  }
0x105: {  	s18 =	simm.s32 $0x8200  }
0x106: {  	[tilespmem:s18], [sflag:$0x1] =	stream.indirect_vreg.gather [hbm4b:s5+s3], $0x80, v3, vm0, $0xb8;
	[tilespmem:$0x18200] =	vst v63  }
0x107: {  	s18 =	simm.s32 $0x8A00  }
0x108: {  	[tilespmem:s18], [sflag:$0x1] =	stream.indirect_vreg.gather [hbm4b:s6+s3], $0x80, v3, vm0, $0xb8;
	[tilespmem:$0x18200] =	vst v63  }
0x109: {  	v3 =	vld [tilespmem:s16+$0x50];
	_ =	sdelay $0x4  }
0x10a: {  	v63 =	vshrl.u32 v3, $0x3  }
0x10b: {  	v4 =	vmul.u32 $0x30, v63  }
0x10c: {  	v3 =	vand.u32 $0x7, v3  }
0x10d: {  	v3 =	vor.u32 v3, v4  }
0x10e: {  	v4 =	vperm.xlane v3, v0;
	_ =	sdelay $0x1  }
0x10f: {  	v4 =	vadd.s32 v1, v4;
	_ =	sdelay $0x3  }
0x110: {  	s18 =	simm.s32 $0x9200;
	v3 =	vperm.xlane v3, v2  }
0x111: {  	[tilespmem:s18], [sflag:$0x1] =	stream.indirect_vreg.gather [hbm4b:s2+s3], $0x80, v4, vm0, $0xb8;
	[tilespmem:$0x18200] =	vst v63  }
0x112: {  	v3 =	vadd.s32 v1, v3;
	s18 =	simm.s32 $0x9A00  }
0x113: {  	[tilespmem:s18], [sflag:$0x1] =	stream.indirect_vreg.gather [hbm4b:s5+s3], $0x80, v4, vm0, $0xb8;
	[tilespmem:$0x18200] =	vst v63  }
0x114: {  	s18 =	simm.s32 $0xA200  }
0x115: {  	[tilespmem:s18], [sflag:$0x1] =	stream.indirect_vreg.gather [hbm4b:s6+s3], $0x80, v4, vm0, $0xb8;
	[tilespmem:$0x18200] =	vst v63  }
0x116: {  	s18 =	simm.s32 $0xAA00  }
0x117: {  	[tilespmem:s18], [sflag:$0x1] =	stream.indirect_vreg.gather [hbm4b:s2+s3], $0x80, v3, vm0, $0xb8;
	[tilespmem:$0x18200] =	vst v63  }
.Ltmp5:
0x118: {  	_ = 	snop;
	(pc) =	sbr.rel .LBB2_4-.Ltmp5, $4  }
0x119: {  	s18 =	simm.s32 $0xB200  }
0x11a: {  	[tilespmem:s18], [sflag:$0x1] =	stream.indirect_vreg.gather [hbm4b:s5+s3], $0x80, v3, vm0, $0xb8;
	[tilespmem:$0x18200] =	vst v63  }
0x11b: {  	s18 =	simm.s32 $0xBA00  }
0x11c: {  	[tilespmem:s18], [sflag:$0x1] =	stream.indirect_vreg.gather [hbm4b:s6+s3], $0x80, v3, vm0, $0xb8;
	[tilespmem:$0x18200] =	vst v63  }
.LBB2_6:
0x11d: {  	_ =	sfence.sel $0x180000  }
0x11e: {  	[bflag:$0x0] =	sbarrier.arrive $0xFFFF  }
0x11f: {  	_ =	strace $0x90000050  }
0x120: {  	s0 =	stileid.u32;
	[bflag:$0x2] =	sbarrier.arrive $0xFFFF  }
0x121: {  	p0 =	sne.s32 s0, $0x0;
	s0 =	rddreg [dreg:$0x2]  }
0x122: {  	s0 =	sadd.s32 @!p0 $0x100000, s0  }
0x123: {  	[sflag:s0] =	ssyncadd.tile.s32 @!p0 $0x1;
	_ =	shalt  }
.Lfunc_end2:
_tile_overlayer_lowered:
.L_overlay_start_2:
0x124: {  	(tag) =	ssettag $0x2  }
0x125: {  	s0 =	rddreg [dreg:$0x0];
	s2 =	stileid.u32  }
0x126: {  	s1 =	rddreg [dreg:$0x1];
	p0 =	sne.s32 s2, $0x0  }
0x127: {  	s3 =	rddreg [dreg:$0x2];
	[bflag:$0x3] =	sbarrier.arrive $0xFFFF;
	s2 =	simm.s32 @!p0 $0x1C05  }
0x128: {  	[timem:s3], [sflag:s2] =	dma.local @!p0 [hbm:s0], s1  }
0x129: {  	s0 =	simm.s32 @!p0 $0x5  }
0x12a: {  	_ =	swait.ge @!p0 [sflag:s0], s1  }
0x12b: {  	s1 =	ssub.s32 @!p0 $0x0, s1;
	[sflag:s0] =	ssyncset.done @!p0 $0x0  }
0x12c: {  	[sflag:s0] =	ssyncadd.s32 @!p0 s1  }
0x12d: {  	[bflag:$0x3] =	sbarrier.arrive $0xFFFF  }
0x12e: {  	_ =	shalt  }

// kernel: kernel.14.cloned.1.call-start
scs
__scs_entry_jumppad:
0x0: {  	(pc) =	sbr.rel $0x88, $3  }
0x1: {  	(tag) =	ssettag $0x0;
	lr =	simm.s32 $0x1  }
0x2: {  	[smem:$0x3F97] =	sst lr;
	_ =	strace $0xD0000000  }
0x3: {  	_ = 	snop  }
0x4: {  	_ = 	snop  }
0x5: {  	_ = 	snop  }
0x6: {  	_ = 	snop  }
0x7: {  	_ = 	snop  }
__scs_overlays_trampoline_lowered:
0x8: {  	[smem:$0x3FA6] =	sst s0  }
0x9: {  	[smem:$0x3FA7] =	sst s1  }
0xa: {  	[smem:$0x3FA8] =	sst s2  }
0xb: {  	[smem:$0x3FA9] =	sst s3  }
0xc: {  	[smem:$0x3FAA] =	sst s4  }
0xd: {  	[smem:$0x3FAB] =	sst s5  }
0xe: {  	[smem:$0x3FAC] =	sst s6  }
0xf: {  	[smem:$0x3FAD] =	sst s7  }
0x10: {  	[smem:$0x3FAE] =	sst s8  }
0x11: {  	[smem:$0x3FAF] =	sst s9;
	s0 =	simm.s32 @!p0 $0x0  }
0x12: {  	s1 =	sld [smem:$0x3F95];
	s0 =	simm.s32 @p0 $0x1  }
0x13: {  	[smem:$0x3FB0] =	sst s0;
	s0 =	simm.s32 @!p1 $0x0  }
0x14: {  	s2 =	sld [smem:$0x3F94];
	s0 =	simm.s32 @p1 $0x1  }
0x15: {  	[smem:$0x3FB1] =	sst s0;
	s0 =	simm.s32 @!p2 $0x0  }
0x16: {  	s3 =	sld [smem:$0x3FDB];
	s0 =	simm.s32 @p2 $0x1  }
0x17: {  	s4 =	simm.s32 $0x1BF5;
	[smem:$0x3FB3] =	sst s0  }
0x18: {  	s0 =	sld [smem:$0x3F96];
	_ =	swait.ge [sflag:s4], $0x0  }
0x19: {  	s7 =	sld [smem:$0x3F97]  }
0x1a: {  	s8 =	sadd.s32 $0xFFFFE003, lr  }
0x1b: {  	s9 =	sadd.s32 $0xFFFFFEF7, lr;
	s5 =	simm.s32 $0xFFFFFFFF;
	p2 =	slt.u32 s8, $0xFFFFF086  }
0x1c: {  	p1 =	slt.u32 s9, $0xF7A;
	s5 =	simm.s32 @!p2 $0x0  }
0x1d: {  	s5 =	simm.s32 @p1 $0x1;
	p0 =	seq.s32 s7, s2  }
0x1e: {  	s7 =	smul.u32 @!p0 $0xF7A, s2;
	p2 =	seq.s32 @!p0 s5, $0x0  }
0x1f: {  	s9 =	smul.u32 $0xF7A, s1;
	s8 =	simm.s32 @!p0 $0x1BF5;
	p2 =	por !p2, p0  }
0x20: {  	[sflag:s8] =	ssyncset.s32 @!p0 $0xFFFFF086;
	s6 =	sadd.s32 @!p0 s3, s7;
	s7 =	simm.s32 @!p0 $0x108  }
0x21: {  	s3 =	sadd.s32 s3, s9;
	s6 =	sadd.s32 @!p0 $0x88, s6;
	s7 =	simm.s32 @p2 $0x1082  }
0x22: {  	[simem:s7], [sflag:s8] =	dma.local @!p0 [hbm:s6], $0xF7A  }
0x23: {  	s9 =	sor.u32 $0xD0000000, s2;
	s6 =	simm.s32 $0x108;
	_ =	swait.ge @!p0 [sflag:s8], $0x0  }
0x24: {  	s3 =	sadd.s32 $0x88, s3;
	s6 =	simm.s32 @!p1 $0x1082;
	[sflag:s4] =	ssyncset.s32 $0xFFFFF086  }
0x25: {  	[simem:s6], [sflag:s4] =	dma.local [hbm:s3], $0xF7A  }
0x26: {  	[smem:$0x3F97] =	sst s1;
	(tag) =	ssettag s2;
	_ =	strace s9  }
0x27: {  	s1 =	sld [smem:$0x3FA7]  }
0x28: {  	s2 =	sld [smem:$0x3FA8]  }
0x29: {  	s4 =	sld [smem:$0x3FAA]  }
0x2a: {  	p0 =	seq.s32 s5, $0x0;
	s5 =	sld [smem:$0x3FAB]  }
0x2b: {  	s6 =	sld [smem:$0x3FAC]  }
0x2c: {  	s7 =	sld [smem:$0x3FAD]  }
0x2d: {  	s3 =	simm.s32 $0x108;
	s8 =	sld [smem:$0x3FAE]  }
0x2e: {  	s3 =	simm.s32 @!p0 $0x1082;
	s9 =	sld [smem:$0x3FAF]  }
0x2f: {  	lr =	sadd.s32 s0, s3;
	s0 =	sld [smem:$0x3FA6]  }
0x30: {  	s3 =	sld [smem:$0x3FA9]  }
0x31: {  	[smem:$0x3FB2] =	sst s10  }
0x32: {  	s10 =	sld [smem:$0x3FB0];
	_ =	sdelay $0x3  }
0x33: {  	p0 =	seq.s32 s10, $0x1;
	s10 =	sld [smem:$0x3FB2];
	_ =	sdelay $0x3  }
0x34: {  	[smem:$0x3FB2] =	sst s10  }
0x35: {  	s10 =	sld [smem:$0x3FB1];
	_ =	sdelay $0x3  }
0x36: {  	p1 =	seq.s32 s10, $0x1;
	s10 =	sld [smem:$0x3FB2];
	_ =	sdelay $0x3  }
0x37: {  	[smem:$0x3FB2] =	sst s10  }
0x38: {  	s10 =	sld [smem:$0x3FB3]  }
0x39: {  	_ = 	snop;
	(pc) =	sbr.ind lr, $3  }
0x3a: {  	_ = 	snop  }
0x3b: {  	_ = 	snop  }
0x3c: {  	p2 =	seq.s32 s10, $0x1;
	s10 =	sld [smem:$0x3FB2]  }
0x3d: {  	_ =	shalt  }
0x3e: {  	_ =	shalt  }
0x3f: {  	_ =	shalt  }
0x40: {  	_ =	shalt  }
0x41: {  	_ =	shalt  }
0x42: {  	_ =	shalt  }
0x43: {  	_ =	shalt  }
0x44: {  	_ =	shalt  }
0x45: {  	_ =	shalt  }
0x46: {  	_ =	shalt  }
0x47: {  	_ =	shalt  }
0x48: {  	_ =	shalt  }
0x49: {  	_ =	shalt  }
0x4a: {  	_ =	shalt  }
0x4b: {  	_ =	shalt  }
0x4c: {  	_ =	shalt  }
0x4d: {  	_ =	shalt  }
0x4e: {  	_ =	shalt  }
0x4f: {  	_ =	shalt  }
0x50: {  	_ =	shalt  }
0x51: {  	_ =	shalt  }
0x52: {  	_ =	shalt  }
0x53: {  	_ =	shalt  }
0x54: {  	_ =	shalt  }
0x55: {  	_ =	shalt  }
0x56: {  	_ =	shalt  }
0x57: {  	_ =	shalt  }
0x58: {  	_ =	shalt  }
0x59: {  	_ =	shalt  }
0x5a: {  	_ =	shalt  }
0x5b: {  	_ =	shalt  }
0x5c: {  	_ =	shalt  }
0x5d: {  	_ =	shalt  }
0x5e: {  	_ =	shalt  }
0x5f: {  	_ =	shalt  }
0x60: {  	_ =	shalt  }
0x61: {  	_ =	shalt  }
0x62: {  	_ =	shalt  }
0x63: {  	_ =	shalt  }
0x64: {  	_ =	shalt  }
0x65: {  	_ =	shalt  }
0x66: {  	_ =	shalt  }
0x67: {  	_ =	shalt  }
0x68: {  	_ =	shalt  }
0x69: {  	_ =	shalt  }
0x6a: {  	_ =	shalt  }
0x6b: {  	_ =	shalt  }
0x6c: {  	_ =	shalt  }
0x6d: {  	_ =	shalt  }
0x6e: {  	_ =	shalt  }
0x6f: {  	_ =	shalt  }
0x70: {  	_ =	shalt  }
0x71: {  	_ =	shalt  }
0x72: {  	_ =	shalt  }
0x73: {  	_ =	shalt  }
0x74: {  	_ =	shalt  }
0x75: {  	_ =	shalt  }
0x76: {  	_ =	shalt  }
0x77: {  	_ =	shalt  }
0x78: {  	_ =	shalt  }
0x79: {  	_ =	shalt  }
0x7a: {  	_ =	shalt  }
0x7b: {  	_ =	shalt  }
0x7c: {  	_ =	shalt  }
0x7d: {  	_ =	shalt  }
0x7e: {  	_ =	shalt  }
0x7f: {  	_ =	shalt  }
0x80: {  	_ =	shalt  }
0x81: {  	_ =	shalt  }
0x82: {  	_ =	shalt  }
0x83: {  	_ =	shalt  }
0x84: {  	_ =	shalt  }
0x85: {  	_ =	shalt  }
0x86: {  	_ =	shalt  }
0x87: {  	_ =	shalt  }
.Lfunc_end0:
.L_simem_size_0:
called_computation.1_lowered:
.L_overlay_start_0:
0x88: {  	s2 =	sld [smem:$0x3FD9]  }
0x89: {  	s3 =	sld [smem:$0x3FFE];
	_ =	sdelay $0x1  }
0x8a: {  	s1 =	srdreg.scid  }
0x8b: {  	s0 =	sand.u32 $0x1, s1  }
0x8c: {  	s17 =	sshll.u32 s0, $0xA;
	s2 =	sadd.s32 s3, s2  }
0x8d: {  	s2 =	sadd.s32 s2, s17  }
0x8e: {  	[smem:$0x3FBE] =	sst s2  }
0x8f: {  	_ = 	snop  }
0x90: {  	s18 =	sld [smem:$0x3FD0];
	(tm) =	ssettm $0x1  }
0x91: {  	s19 =	sld [smem:$0x3FFB];
	_ =	sdelay $0x3  }
0x92: {  	_ =	strace s19  }
0x93: {  	s2 =	sld [smem:$0x3FFC];
	_ =	sdelay $0x3  }
0x94: {  	_ =	strace s2  }
0x95: {  	s2 =	sld [smem:$0x3FFD];
	_ =	sdelay $0x3  }
0x96: {  	_ =	strace s2  }
0x97: {  	_ =	strace $0x8FFFFFFF  }
0x98: {  	s20 =	sld [smem:$0x3FDB];
	_ =	sdelay $0x1  }
0x99: {  	s4 =	simm.s32 $_scs_section_size  }
0x9a: {  	s5 =	simm.s32 $_size__tile_overlayer_lowered;
	s6 =	simm.s32 $_tile_overlayer_lowered  }
0x9b: {  	s7 =	simm.s32 $0x1BFF;
	s21 =	sshll.u32 s6, $0x1;
	s4 =	sadd.s32 s4, s20  }
0x9c: {  	s22 =	simm.s32 $0x0;
	s5 =	sshll.u32 s5, $0x1;
	s6 =	sadd.s32 s21, s4  }
0x9d: {  	[timem:s22], [sflag:s7] =	dma.local [hbm:s6], s5  }
0x9e: {  	_ =	swait.ge [sflag:s7], s5  }
0x9f: {  	s5 =	ssub.s32 $0x0, s5;
	[sflag:s7] =	ssyncset.done $0x0  }
0xa0: {  	[sflag:s7] =	ssyncadd.s32 s5;
	_ =	sdelay $0x1  }
0xa1: {  	s23 =	simm.s32 $0x1B8B  }
0xa2: {  	_ =	swait.ge [sflag:s23], $0x1  }
0xa3: {  	[sflag:s23] =	ssyncset.done $0x0  }
0xa4: {  	[sflag:s23] =	ssyncadd.s32 $0xFFFFFFFF  }
0xa5: {  	s5 =	sld [smem:$0x0]  }
0xa6: {  	s6 =	sand.u32 $0xFFFFFFFE, s1  }
0xa7: {  	p0 =	sne.s32 s1, s6  }
0xa8: {  	s6 =	sshll.u32 @p0 s6, $0xE  }
0xa9: {  	s6 =	sadd.s32 @p0 $0x11B8D, s6;
	s7 =	sshll.u32 @p0 s5, $0x11  }
0xaa: {  	s6 =	sor.u32 @p0 s7, s6  }
0xab: {  	[sflag:s6] =	ssyncadd.remote.s32 @p0 $0x1;
	_ =	sdelay $0x1  }
0xac: {  	s6 =	simm.s32 @p0 $0x1B8D  }
0xad: {  	_ =	swait.eq @p0 [sflag:s6], $0x1  }
0xae: {  	[sflag:s6] =	ssyncadd.s32 @p0 $0xFFFFFFFF  }
0xaf: {  	s7 =	sshll.u32 @!p0 s1, $0xE  }
0xb0: {  	s7 =	sor.u32 @!p0 $0x4000, s7;
	s6 =	simm.s32 @!p0 $0x1B8D  }
0xb1: {  	s5 =	sshll.u32 @!p0 s5, $0x11;
	s7 =	sadd.s32 @!p0 $0x11B8D, s7;
	_ =	swait.eq @!p0 [sflag:s6], $0x1  }
0xb2: {  	s5 =	sor.u32 @!p0 s5, s7;
	[sflag:s6] =	ssyncadd.s32 @!p0 $0xFFFFFFFF  }
0xb3: {  	s25 =	simm.s32 $0x1B8E;
	s24 =	sld [smem:$0x3FFE];
	[sflag:s5] =	ssyncadd.remote.s32 @!p0 $0x1  }
0xb4: {  	s26 =	simm.s32 $execute0_lowered;
	[smem:$0x3FD2] =	sst s25  }
0xb5: {  	s6 =	sshll.u32 s26, $0x1;
	_ =	strace $0x8000004C;
	[dreg:$0x1] =	wrdreg $0xFFFFFFFF  }
0xb6: {  	s28 =	simm.s32 $_size_execute0_lowered;
	s4 =	sadd.s32 s4, s6;
	[dreg:$0x0] =	wrdreg $0x0  }
0xb7: {  	s6 =	sshll.u32 s28, $0x1;
	[dreg:$0x2] =	wrdreg s4  }
0xb8: {  	[dreg:$0x3] =	wrdreg s6  }
0xb9: {  	[dreg:$0x4] =	wrdreg $0xC0  }
0xba: {  	_ =	task [dreg:s22], $0x5FFFF  }
0xbb: {  	[dreg:$0x1] =	wrdreg $0xFFFFFFFF  }
0xbc: {  	[dreg:$0x0] =	wrdreg $0x60  }
0xbd: {  	[dreg:$0x2] =	wrdreg s18  }
0xbe: {  	[dreg:$0x3] =	wrdreg s24  }
0xbf: {  	[dreg:$0x4] =	wrdreg $0xA  }
0xc0: {  	_ =	task.clear_ibuf [dreg:s22], $0x5FFFF;
	_ =	strace $0x9000004C  }
0xc1: {  	s29 =	simm.s32 $0xA;
	_ =	strace $0x8000004E  }
0xc2: {  	_ =	swait.ge [sflag:s29], $0x1  }
0xc3: {  	[sflag:s29] =	ssyncadd.s32 $0xFFFFFFFF  }
0xc4: {  	_ =	strace $0x9000004E  }
0xc5: {  	_ =	sfence  }
0xc6: {  	s30 =	sld [smem:$0x0];
	_ =	sdelay $0x2  }
0xc7: {  	s31 =	sshll.u32 s1, $0xD;
	s1 =	sshrl.u32 s1, $0x2  }
0xc8: {  	s4 =	sand.u32 $0x4000, s31;
	s1 =	sadd.s32 s1, s30  }
0xc9: {  	s0 =	sor.u32 s4, s0;
	s1 =	sshll.u32 s1, $0x11  }
0xca: {  	s0 =	sor.u32 s1, s0  }
0xcb: {  	s0 =	sadd.s32 $0x8F2B, s0  }
0xcc: {  	[sflag:s0] =	ssyncadd.remote.s32 $0x1  }
0xcd: {  	_ =	sfence.sel $0xFFFF  }
0xce: {  	[dreg:$0x0] =	wrdreg $0xFFFFFFFF;
	(pc) =	sbr.abs _section_cstart, $3  }
0xcf: {  	[dreg:$0x1] =	wrdreg $0xFFFFFFFF  }
0xd0: {  	_ =	task.clear_ibuf [dreg:s22], $0x2FFFF;
	_ =	strace $0x9FFFFFFF  }
0xd1: {  	(tm) =	ssettm $0x7FFFFFFF  }
tec
execute0_lowered:
.L_overlay_start_1:
0x0: {  	(tag) =	ssettag $0x1  }
0x1: {  	s2 =	rddreg [dreg:$0x0]  }
0x2: {  	s0 =	rddreg [dreg:$0x1]  }
0x3: {  	s1 =	srdreg.scid;
	s4 =	stileid.u32;
	s3 =	simm.s32 $0x0  }
0x4: {  	s11 =	simm.s32 $0x200;
	s10 =	simm.s32 $0x1;
	s12 =	simm.s32 $0xC200  }
0x5: {  	s19 =	simm.s32 $0xFA00;
	s20 =	simm.s32 $0x10200;
	s21 =	simm.s32 $0x10A00  }
0x6: {  	s22 =	simm.s32 $0x11200;
	s23 =	simm.s32 $0x11A00;
	s24 =	simm.s32 $0x12200  }
0x7: {  	s25 =	simm.s32 $0x12A00;
	s28 =	simm.s32 $0x13A00;
	s29 =	simm.s32 $0x14200  }
0x8: {  	s30 =	simm.s32 $0x14A00;
	s31 =	simm.s32 $0x15200;
	s13 =	simm.s32 $0x17A00  }
0x9: {  	s14 =	simm.s32 $0x2;
	s15 =	simm.s32 $0x3;
	s1 =	sand.u32 $0x1, s1  }
0xa: {  	s18 =	simm.s32 $0x0;
	s4 =	sshll.u32 s4, $0xA;
	s5 =	sshll.u32 s1, $0x9  }
0xb: {  	[smem:$0x7FF] =	sst s3;
	s1 =	ssub.s32 $0x2, s1;
	s4 =	sor.u32 s5, s4  }
0xc: {  	_ =	strace $0x8000004D;
	s7 =	sshrl.u32 s1, $0x1;
	s5 =	sshrl.u32 s4, $0x3  }
0xd: {  	s4 =	sor.u32 $0x40, s4;
	s1 =	ssub.s32 s1, s7;
	s7 =	simm.s32 $0x17200  }
0xe: {  	s6 =	sadd.s32 s5, s0;
	s8 =	smul.u32 $0x300, s5;
	s4 =	sshrl.u32 s4, $0x3  }
.Ltmp0:
0xf: {  	s0 =	sadd.s32 $0x305C00, s0;
	s5 =	sadd.s32 $0x100, s2;
	(pc) =	sbr.rel .LBB2_1-.Ltmp0, $4  }
0x10: {  	s1 =	smax.u32 s1, $0x1;
	s4 =	smul.u32 $0x300, s4;
	s26 =	sadd.s32 $0x5400, s6  }
0x11: {  	v2 =	vlaneseq.u32;
	s6 =	sadd.s32 $0x200, s2;
	[dreg:$0x4] =	wrdreg s1;
	s1 =	simm.s32 $0x16200  }
0x12: {  	vm0 =	vmmov $0xffff;
	v1 =	vshrl.u32 v2, $0x3;
	[dreg:$0x3] =	wrdreg s26;
	s8 =	sadd.s32 s8, s0;
	s26 =	simm.s32 $0x13200  }
0x13: {  	v0 =	vand.u32 $0x7, v2;
	v2 =	vor.u32 $0x8, v2;
	v1 =	vmul.u32 $0x8, v1;
	s9 =	sadd.s32 s4, s0;
	s0 =	simm.s32 $0x15A00;
	s4 =	simm.s32 $0x16A00  }
.LBB2_5:
0x14: {  	s17 =	simm.s32 $0x4  }
0x15: {  	_ =	swait.ge [sflag:s17], $0xC000  }
0x16: {  	s18 =	rddreg [dreg:$0x5]  }
0x17: {  	s16 =	rddreg [dreg:$0x4];
	s18 =	sadd.s32 $0x1, s18  }
0x18: {  	p0 =	sne.s32 s18, s16  }
.Ltmp1:
0x19: {  	_ = 	snop;
	(pc) =	sbr.rel @!p0 .LBB2_6-.Ltmp1, $3  }
0x1a: {  	_ =	sdelay $0x1  }
0x1b: {  	[sflag:s17] =	ssyncset.done $0x0  }
0x1c: {  	[sflag:s17] =	ssyncadd.s32 $0xFFFF4000  }
.LBB2_1:
0x1d: {  	[dreg:$0x5] =	wrdreg s18  }
0x1e: {  	s16 =	rddreg [dreg:$0x3];
	s17 =	simm.s32 $0x5  }
0x1f: {  	[tilespmem:s3], [sflag:$0x5] =	stream.linear.gather [hbm4b:s16+s3], $0x200, $0x38;
	[tilespmem:$0x18200] =	vst v63  }
0x20: {  	_ =	swait.ge [sflag:s17], $0x200  }
0x21: {  	[sflag:s17] =	ssyncset.done $0x0  }
0x22: {  	[sflag:s17] =	ssyncadd.s32 $0xFFFFFE00  }
0x23: {  	v3 =	vld [tilespmem:$0x0];
	_ =	sdelay $0x4  }
0x24: {  	v4 =	vshrl.u32 v3, $0x3  }
0x25: {  	v4 =	vmul.u32 $0x30, v4  }
0x26: {  	v3 =	vand.u32 $0x7, v3  }
0x27: {  	v3 =	vor.u32 v3, v4  }
0x28: {  	v4 =	vperm.xlane v3, v0;
	_ =	sdelay $0x1  }
0x29: {  	v4 =	vadd.s32 v1, v4;
	_ =	sdelay $0x3  }
0x2a: {  	v3 =	vperm.xlane v3, v2  }
0x2b: {  	[tilespmem:s11], [sflag:$0x1] =	stream.indirect_vreg.gather [hbm4b:s2+s3], $0x80, v4, vm0, $0xb8;
	[tilespmem:$0x18200] =	vst v63  }
0x2c: {  	s18 =	simm.s32 $0xA00;
	v3 =	vadd.s32 v1, v3  }
0x2d: {  	[tilespmem:s18], [sflag:$0x1] =	stream.indirect_vreg.gather [hbm4b:s5+s3], $0x80, v4, vm0, $0xb8;
	[tilespmem:$0x18200] =	vst v63  }
0x2e: {  	s17 =	simm.s32 $0x1200  }
0x2f: {  	[tilespmem:s17], [sflag:$0x1] =	stream.indirect_vreg.gather [hbm4b:s6+s3], $0x80, v4, vm0, $0xb8;
	[tilespmem:$0x18200] =	vst v63  }
0x30: {  	s18 =	simm.s32 $0x1A00  }
0x31: {  	[tilespmem:s18], [sflag:$0x1] =	stream.indirect_vreg.gather [hbm4b:s2+s3], $0x80, v3, vm0, $0xb8;
	[tilespmem:$0x18200] =	vst v63  }
0x32: {  	s17 =	simm.s32 $0x2200  }
0x33: {  	[tilespmem:s17], [sflag:$0x1] =	stream.indirect_vreg.gather [hbm4b:s5+s3], $0x80, v3, vm0, $0xb8;
	[tilespmem:$0x18200] =	vst v63  }
0x34: {  	s18 =	simm.s32 $0x2A00  }
0x35: {  	[tilespmem:s18], [sflag:$0x1] =	stream.indirect_vreg.gather [hbm4b:s6+s3], $0x80, v3, vm0, $0xb8;
	[tilespmem:$0x18200] =	vst v63  }
0x36: {  	v3 =	vld [tilespmem:$0x10];
	_ =	sdelay $0x4  }
0x37: {  	v61 =	vshrl.u32 v3, $0x3  }
0x38: {  	v4 =	vmul.u32 $0x30, v61  }
0x39: {  	v3 =	vand.u32 $0x7, v3  }
0x3a: {  	v3 =	vor.u32 v3, v4  }
0x3b: {  	v4 =	vperm.xlane v3, v0;
	_ =	sdelay $0x1  }
0x3c: {  	v4 =	vadd.s32 v1, v4;
	_ =	sdelay $0x3  }
0x3d: {  	s17 =	simm.s32 $0x3200;
	v3 =	vperm.xlane v3, v2  }
0x3e: {  	[tilespmem:s17], [sflag:$0x1] =	stream.indirect_vreg.gather [hbm4b:s2+s3], $0x80, v4, vm0, $0xb8;
	[tilespmem:$0x18200] =	vst v63  }
0x3f: {  	s18 =	simm.s32 $0x3A00;
	v3 =	vadd.s32 v1, v3  }
0x40: {  	[tilespmem:s18], [sflag:$0x1] =	stream.indirect_vreg.gather [hbm4b:s5+s3], $0x80, v4, vm0, $0xb8;
	[tilespmem:$0x18200] =	vst v63  }
0x41: {  	s17 =	simm.s32 $0x4200  }
0x42: {  	[tilespmem:s17], [sflag:$0x1] =	stream.indirect_vreg.gather [hbm4b:s6+s3], $0x80, v4, vm0, $0xb8;
	[tilespmem:$0x18200] =	vst v63  }
0x43: {  	s18 =	simm.s32 $0x4A00  }
0x44: {  	[tilespmem:s18], [sflag:$0x1] =	stream.indirect_vreg.gather [hbm4b:s2+s3], $0x80, v3, vm0, $0xb8;
	[tilespmem:$0x18200] =	vst v63  }
0x45: {  	s17 =	simm.s32 $0x5200  }
0x46: {  	[tilespmem:s17], [sflag:$0x1] =	stream.indirect_vreg.gather [hbm4b:s5+s3], $0x80, v3, vm0, $0xb8;
	[tilespmem:$0x18200] =	vst v63  }
0x47: {  	s18 =	simm.s32 $0x5A00  }
0x48: {  	[tilespmem:s18], [sflag:$0x1] =	stream.indirect_vreg.gather [hbm4b:s6+s3], $0x80, v3, vm0, $0xb8;
	[tilespmem:$0x18200] =	vst v63  }
0x49: {  	v3 =	vld [tilespmem:$0x20];
	_ =	sdelay $0x4  }
0x4a: {  	v62 =	vshrl.u32 v3, $0x3  }
0x4b: {  	v4 =	vmul.u32 $0x30, v62  }
0x4c: {  	v3 =	vand.u32 $0x7, v3  }
0x4d: {  	v3 =	vor.u32 v3, v4  }
0x4e: {  	v4 =	vperm.xlane v3, v0;
	_ =	sdelay $0x1  }
0x4f: {  	v4 =	vadd.s32 v1, v4;
	_ =	sdelay $0x3  }
0x50: {  	s17 =	simm.s32 $0x6200;
	v3 =	vperm.xlane v3, v2  }
0x51: {  	[tilespmem:s17], [sflag:$0x1] =	stream.indirect_vreg.gather [hbm4b:s2+s3], $0x80, v4, vm0, $0xb8;
	[tilespmem:$0x18200] =	vst v63  }
0x52: {  	s18 =	simm.s32 $0x6A00;
	v3 =	vadd.s32 v1, v3  }
0x53: {  	[tilespmem:s18], [sflag:$0x1] =	stream.indirect_vreg.gather [hbm4b:s5+s3], $0x80, v4, vm0, $0xb8;
	[tilespmem:$0x18200] =	vst v63  }
0x54: {  	s17 =	simm.s32 $0x7200  }
0x55: {  	[tilespmem:s17], [sflag:$0x1] =	stream.indirect_vreg.gather [hbm4b:s6+s3], $0x80, v4, vm0, $0xb8;
	[tilespmem:$0x18200] =	vst v63  }
0x56: {  	s18 =	simm.s32 $0x7A00  }
0x57: {  	[tilespmem:s18], [sflag:$0x1] =	stream.indirect_vreg.gather [hbm4b:s2+s3], $0x80, v3, vm0, $0xb8;
	[tilespmem:$0x18200] =	vst v63  }
0x58: {  	s17 =	simm.s32 $0x8200  }
0x59: {  	[tilespmem:s17], [sflag:$0x1] =	stream.indirect_vreg.gather [hbm4b:s5+s3], $0x80, v3, vm0, $0xb8;
	[tilespmem:$0x18200] =	vst v63  }
0x5a: {  	s18 =	simm.s32 $0x8A00  }
0x5b: {  	[tilespmem:s18], [sflag:$0x1] =	stream.indirect_vreg.gather [hbm4b:s6+s3], $0x80, v3, vm0, $0xb8;
	[tilespmem:$0x18200] =	vst v63  }
0x5c: {  	v3 =	vld [tilespmem:$0x30];
	_ =	sdelay $0x4  }
0x5d: {  	v63 =	vshrl.u32 v3, $0x3  }
0x5e: {  	v4 =	vmul.u32 $0x30, v63  }
0x5f: {  	v3 =	vand.u32 $0x7, v3  }
0x60: {  	v3 =	vor.u32 v3, v4  }
0x61: {  	v4 =	vperm.xlane v3, v0;
	_ =	sdelay $0x1  }
0x62: {  	v4 =	vadd.s32 v1, v4;
	_ =	sdelay $0x3  }
0x63: {  	s17 =	simm.s32 $0x9200;
	v3 =	vperm.xlane v3, v2  }
0x64: {  	[tilespmem:s17], [sflag:$0x1] =	stream.indirect_vreg.gather [hbm4b:s2+s3], $0x80, v4, vm0, $0xb8;
	[tilespmem:$0x18200] =	vst v63  }
0x65: {  	s18 =	simm.s32 $0x9A00;
	v3 =	vadd.s32 v1, v3  }
0x66: {  	[tilespmem:s18], [sflag:$0x1] =	stream.indirect_vreg.gather [hbm4b:s5+s3], $0x80, v4, vm0, $0xb8;
	[tilespmem:$0x18200] =	vst v63  }
0x67: {  	s17 =	simm.s32 $0xA200  }
0x68: {  	[tilespmem:s17], [sflag:$0x1] =	stream.indirect_vreg.gather [hbm4b:s6+s3], $0x80, v4, vm0, $0xb8;
	[tilespmem:$0x18200] =	vst v63  }
0x69: {  	s18 =	simm.s32 $0xAA00  }
0x6a: {  	[tilespmem:s18], [sflag:$0x1] =	stream.indirect_vreg.gather [hbm4b:s2+s3], $0x80, v3, vm0, $0xb8;
	[tilespmem:$0x18200] =	vst v63  }
.Ltmp2:
0x6b: {  	_ = 	snop;
	(pc) =	sbr.rel .LBB2_2-.Ltmp2, $4  }
0x6c: {  	s17 =	simm.s32 $0xB200  }
0x6d: {  	[tilespmem:s17], [sflag:$0x1] =	stream.indirect_vreg.gather [hbm4b:s5+s3], $0x80, v3, vm0, $0xb8;
	[tilespmem:$0x18200] =	vst v63  }
0x6e: {  	s16 =	simm.s32 $0x60;
	s18 =	simm.s32 $0xBA00;
	s17 =	simm.s32 $0x0  }
0x6f: {  	[tilespmem:s18], [sflag:$0x1] =	stream.indirect_vreg.gather [hbm4b:s6+s3], $0x80, v3, vm0, $0xb8;
	[tilespmem:$0x18200] =	vst v63  }
.LBB2_4:
0x70: {  	s18 =	sadd.s32 s17, s9;
	s17 =	sadd.s32 $0x3000, s17  }
0x71: {  	p0 =	sne.s32 s17, $0xC000  }
.Ltmp3:
0x72: {  	_ = 	snop;
	(pc) =	sbr.rel @!p0 .LBB2_5-.Ltmp3, $3  }
0x73: {  	_ =	sdelay $0x1  }
0x74: {  	s16 =	sadd.s32 $0x80, s16  }
0x75: {  	[hbm4b:s18+s3] =	stream.linear.scatter [tilespmem:s12], [sflag:$0x4], $0xC000, $0x38;
	[tilespmem:$0x18200] =	vst v63  }
.LBB2_2:
0x76: {  	_ =	swait.ge [sflag:s10], $0xC000  }
0x77: {  	p0 =	seq.s32 s17, $0x0;
	[sflag:s10] =	ssyncset.done $0x0  }
0x78: {  	s18 =	simm.s32 @!p0 $0x4;
	[sflag:s10] =	ssyncadd.s32 $0xFFFF4000  }
0x79: {  	_ =	swait.ge @!p0 [sflag:s18], $0xC000  }
0x7a: {  	[sflag:s18] =	ssyncset.done @!p0 $0x0  }
0x7b: {  	[sflag:s18] =	ssyncadd.s32 @!p0 $0xFFFF4000  }
0x7c: {  	v3 =	vld [tilespmem:s16+$0xFFFFFFE0];
	_ =	sdelay $0x4  }
0x7d: {  	v4 =	vshrl.u32 v3, $0x3  }
0x7e: {  	v4 =	vmul.u32 $0x30, v4  }
0x7f: {  	v3 =	vand.u32 $0x7, v3  }
0x80: {  	v3 =	vor.u32 v3, v4  }
0x81: {  	v4 =	vperm.xlane v3, v0;
	_ =	sdelay $0x1  }
0x82: {  	v4 =	vadd.s32 v1, v4;
	_ =	sdelay $0x3  }
0x83: {  	v3 =	vperm.xlane v3, v2  }
0x84: {  	[tilespmem:s12], [sflag:$0x2] =	stream.indirect_vreg.gather [hbm4b:s2+s3], $0x80, v4, vm0, $0xb8;
	[tilespmem:$0x18200] =	vst v63  }
0x85: {  	s18 =	simm.s32 $0xCA00;
	v3 =	vadd.s32 v1, v3  }
0x86: {  	[tilespmem:s18], [sflag:$0x2] =	stream.indirect_vreg.gather [hbm4b:s5+s3], $0x80, v4, vm0, $0xb8;
	[tilespmem:$0x18200] =	vst v63  }
0x87: {  	s18 =	simm.s32 $0xD200  }
0x88: {  	[tilespmem:s18], [sflag:$0x2] =	stream.indirect_vreg.gather [hbm4b:s6+s3], $0x80, v4, vm0, $0xb8;
	[tilespmem:$0x18200] =	vst v63  }
0x89: {  	s18 =	simm.s32 $0xDA00  }
0x8a: {  	[tilespmem:s18], [sflag:$0x2] =	stream.indirect_vreg.gather [hbm4b:s2+s3], $0x80, v3, vm0, $0xb8;
	[tilespmem:$0x18200] =	vst v63  }
0x8b: {  	s18 =	simm.s32 $0xE200  }
0x8c: {  	[tilespmem:s18], [sflag:$0x2] =	stream.indirect_vreg.gather [hbm4b:s5+s3], $0x80, v3, vm0, $0xb8;
	[tilespmem:$0x18200] =	vst v63  }
0x8d: {  	s18 =	simm.s32 $0xEA00  }
0x8e: {  	[tilespmem:s18], [sflag:$0x2] =	stream.indirect_vreg.gather [hbm4b:s6+s3], $0x80, v3, vm0, $0xb8;
	[tilespmem:$0x18200] =	vst v63  }
0x8f: {  	v3 =	vld [tilespmem:s16+$0xFFFFFFF0];
	_ =	sdelay $0x4  }
0x90: {  	v61 =	vshrl.u32 v3, $0x3  }
0x91: {  	v4 =	vmul.u32 $0x30, v61  }
0x92: {  	v3 =	vand.u32 $0x7, v3  }
0x93: {  	v3 =	vor.u32 v3, v4  }
0x94: {  	v4 =	vperm.xlane v3, v0;
	_ =	sdelay $0x1  }
0x95: {  	v4 =	vadd.s32 v1, v4;
	_ =	sdelay $0x3  }
0x96: {  	s18 =	simm.s32 $0xF200;
	v3 =	vperm.xlane v3, v2  }
0x97: {  	[tilespmem:s18], [sflag:$0x2] =	stream.indirect_vreg.gather [hbm4b:s2+s3], $0x80, v4, vm0, $0xb8;
	[tilespmem:$0x18200] =	vst v63  }
0x98: {  	v3 =	vadd.s32 v1, v3  }
0x99: {  	[tilespmem:s19], [sflag:$0x2] =	stream.indirect_vreg.gather [hbm4b:s5+s3], $0x80, v4, vm0, $0xb8;
	[tilespmem:$0x18200] =	vst v63  }
0x9a: {  	_ = 	snop  }
0x9b: {  	[tilespmem:s20], [sflag:$0x2] =	stream.indirect_vreg.gather [hbm4b:s6+s3], $0x80, v4, vm0, $0xb8;
	[tilespmem:$0x18200] =	vst v63  }
0x9c: {  	_ = 	snop  }
0x9d: {  	[tilespmem:s21], [sflag:$0x2] =	stream.indirect_vreg.gather [hbm4b:s2+s3], $0x80, v3, vm0, $0xb8;
	[tilespmem:$0x18200] =	vst v63  }
0x9e: {  	_ = 	snop  }
0x9f: {  	[tilespmem:s22], [sflag:$0x2] =	stream.indirect_vreg.gather [hbm4b:s5+s3], $0x80, v3, vm0, $0xb8;
	[tilespmem:$0x18200] =	vst v63  }
0xa0: {  	_ = 	snop  }
0xa1: {  	[tilespmem:s23], [sflag:$0x2] =	stream.indirect_vreg.gather [hbm4b:s6+s3], $0x80, v3, vm0, $0xb8;
	[tilespmem:$0x18200] =	vst v63  }
0xa2: {  	v3 =	vld [tilespmem:s16+$0x0];
	_ =	sdelay $0x4  }
0xa3: {  	v62 =	vshrl.u32 v3, $0x3  }
0xa4: {  	v4 =	vmul.u32 $0x30, v62  }
0xa5: {  	v3 =	vand.u32 $0x7, v3  }
0xa6: {  	v3 =	vor.u32 v3, v4  }
0xa7: {  	v4 =	vperm.xlane v3, v0;
	_ =	sdelay $0x1  }
0xa8: {  	v4 =	vadd.s32 v1, v4;
	_ =	sdelay $0x3  }
0xa9: {  	v3 =	vperm.xlane v3, v2  }
0xaa: {  	[tilespmem:s24], [sflag:$0x2] =	stream.indirect_vreg.gather [hbm4b:s2+s3], $0x80, v4, vm0, $0xb8;
	[tilespmem:$0x18200] =	vst v63  }
0xab: {  	v3 =	vadd.s32 v1, v3  }
0xac: {  	[tilespmem:s25], [sflag:$0x2] =	stream.indirect_vreg.gather [hbm4b:s5+s3], $0x80, v4, vm0, $0xb8;
	[tilespmem:$0x18200] =	vst v63  }
0xad: {  	_ = 	snop  }
0xae: {  	[tilespmem:s26], [sflag:$0x2] =	stream.indirect_vreg.gather [hbm4b:s6+s3], $0x80, v4, vm0, $0xb8;
	[tilespmem:$0x18200] =	vst v63  }
0xaf: {  	_ = 	snop  }
0xb0: {  	[tilespmem:s28], [sflag:$0x2] =	stream.indirect_vreg.gather [hbm4b:s2+s3], $0x80, v3, vm0, $0xb8;
	[tilespmem:$0x18200] =	vst v63  }
0xb1: {  	_ = 	snop  }
0xb2: {  	[tilespmem:s29], [sflag:$0x2] =	stream.indirect_vreg.gather [hbm4b:s5+s3], $0x80, v3, vm0, $0xb8;
	[tilespmem:$0x18200] =	vst v63  }
0xb3: {  	_ = 	snop  }
0xb4: {  	[tilespmem:s30], [sflag:$0x2] =	stream.indirect_vreg.gather [hbm4b:s6+s3], $0x80, v3, vm0, $0xb8;
	[tilespmem:$0x18200] =	vst v63  }
0xb5: {  	v3 =	vld [tilespmem:s16+$0x10];
	_ =	sdelay $0x4  }
0xb6: {  	v63 =	vshrl.u32 v3, $0x3  }
0xb7: {  	v4 =	vmul.u32 $0x30, v63  }
0xb8: {  	v3 =	vand.u32 $0x7, v3  }
0xb9: {  	v3 =	vor.u32 v3, v4  }
0xba: {  	v4 =	vperm.xlane v3, v0;
	_ =	sdelay $0x1  }
0xbb: {  	v4 =	vadd.s32 v1, v4;
	_ =	sdelay $0x3  }
0xbc: {  	v3 =	vperm.xlane v3, v2  }
0xbd: {  	[tilespmem:s31], [sflag:$0x2] =	stream.indirect_vreg.gather [hbm4b:s2+s3], $0x80, v4, vm0, $0xb8;
	[tilespmem:$0x18200] =	vst v63  }
0xbe: {  	v3 =	vadd.s32 v1, v3  }
0xbf: {  	[tilespmem:s0], [sflag:$0x2] =	stream.indirect_vreg.gather [hbm4b:s5+s3], $0x80, v4, vm0, $0xb8;
	[tilespmem:$0x18200] =	vst v63  }
0xc0: {  	_ = 	snop  }
0xc1: {  	[tilespmem:s1], [sflag:$0x2] =	stream.indirect_vreg.gather [hbm4b:s6+s3], $0x80, v4, vm0, $0xb8;
	[tilespmem:$0x18200] =	vst v63  }
0xc2: {  	_ = 	snop  }
0xc3: {  	[tilespmem:s4], [sflag:$0x2] =	stream.indirect_vreg.gather [hbm4b:s2+s3], $0x80, v3, vm0, $0xb8;
	[tilespmem:$0x18200] =	vst v63  }
0xc4: {  	_ = 	snop  }
0xc5: {  	[tilespmem:s7], [sflag:$0x2] =	stream.indirect_vreg.gather [hbm4b:s5+s3], $0x80, v3, vm0, $0xb8;
	[tilespmem:$0x18200] =	vst v63  }
0xc6: {  	_ = 	snop  }
0xc7: {  	[tilespmem:s13], [sflag:$0x2] =	stream.indirect_vreg.gather [hbm4b:s6+s3], $0x80, v3, vm0, $0xb8;
	[tilespmem:$0x18200] =	vst v63  }
0xc8: {  	s18 =	sadd.s32 s17, s8  }
0xc9: {  	[hbm4b:s18+s3] =	stream.linear.scatter [tilespmem:s11], [sflag:$0x3], $0xC000, $0x38;
	[tilespmem:$0x18200] =	vst v63  }
0xca: {  	p0 =	seq.s32 s17, $0x9000;
	_ =	swait.ge [sflag:s14], $0xC000  }
.Ltmp4:
0xcb: {  	[sflag:s14] =	ssyncset.done $0x0;
	(pc) =	sbr.rel @p0 .LBB2_4-.Ltmp4, $4  }
0xcc: {  	[sflag:s14] =	ssyncadd.s32 $0xFFFF4000  }
0xcd: {  	_ =	swait.ge [sflag:s15], $0xC000  }
0xce: {  	[sflag:s15] =	ssyncset.done $0x0  }
0xcf: {  	[sflag:s15] =	ssyncadd.s32 $0xFFFF4000  }
0xd0: {  	v3 =	vld [tilespmem:s16+$0x20];
	_ =	sdelay $0x4  }
0xd1: {  	v4 =	vshrl.u32 v3, $0x3  }
0xd2: {  	v4 =	vmul.u32 $0x30, v4  }
0xd3: {  	v3 =	vand.u32 $0x7, v3  }
0xd4: {  	v3 =	vor.u32 v3, v4  }
0xd5: {  	v4 =	vperm.xlane v3, v0;
	_ =	sdelay $0x1  }
0xd6: {  	v4 =	vadd.s32 v1, v4;
	_ =	sdelay $0x3  }
0xd7: {  	v3 =	vperm.xlane v3, v2  }
0xd8: {  	[tilespmem:s11], [sflag:$0x1] =	stream.indirect_vreg.gather [hbm4b:s2+s3], $0x80, v4, vm0, $0xb8;
	[tilespmem:$0x18200] =	vst v63  }
0xd9: {  	s18 =	simm.s32 $0xA00;
	v3 =	vadd.s32 v1, v3  }
0xda: {  	[tilespmem:s18], [sflag:$0x1] =	stream.indirect_vreg.gather [hbm4b:s5+s3], $0x80, v4, vm0, $0xb8;
	[tilespmem:$0x18200] =	vst v63  }
0xdb: {  	s18 =	simm.s32 $0x1200  }
0xdc: {  	[tilespmem:s18], [sflag:$0x1] =	stream.indirect_vreg.gather [hbm4b:s6+s3], $0x80, v4, vm0, $0xb8;
	[tilespmem:$0x18200] =	vst v63  }
0xdd: {  	s18 =	simm.s32 $0x1A00  }
0xde: {  	[tilespmem:s18], [sflag:$0x1] =	stream.indirect_vreg.gather [hbm4b:s2+s3], $0x80, v3, vm0, $0xb8;
	[tilespmem:$0x18200] =	vst v63  }
0xdf: {  	s18 =	simm.s32 $0x2200  }
0xe0: {  	[tilespmem:s18], [sflag:$0x1] =	stream.indirect_vreg.gather [hbm4b:s5+s3], $0x80, v3, vm0, $0xb8;
	[tilespmem:$0x18200] =	vst v63  }
0xe1: {  	s18 =	simm.s32 $0x2A00  }
0xe2: {  	[tilespmem:s18], [sflag:$0x1] =	stream.indirect_vreg.gather [hbm4b:s6+s3], $0x80, v3, vm0, $0xb8;
	[tilespmem:$0x18200] =	vst v63  }
0xe3: {  	v3 =	vld [tilespmem:s16+$0x30];
	_ =	sdelay $0x4  }
0xe4: {  	v61 =	vshrl.u32 v3, $0x3  }
0xe5: {  	v4 =	vmul.u32 $0x30, v61  }
0xe6: {  	v3 =	vand.u32 $0x7, v3  }
0xe7: {  	v3 =	vor.u32 v3, v4  }
0xe8: {  	v4 =	vperm.xlane v3, v0;
	_ =	sdelay $0x1  }
0xe9: {  	v4 =	vadd.s32 v1, v4;
	_ =	sdelay $0x3  }
0xea: {  	s18 =	simm.s32 $0x3200;
	v3 =	vperm.xlane v3, v2  }
0xeb: {  	[tilespmem:s18], [sflag:$0x1] =	stream.indirect_vreg.gather [hbm4b:s2+s3], $0x80, v4, vm0, $0xb8;
	[tilespmem:$0x18200] =	vst v63  }
0xec: {  	v3 =	vadd.s32 v1, v3;
	s18 =	simm.s32 $0x3A00  }
0xed: {  	[tilespmem:s18], [sflag:$0x1] =	stream.indirect_vreg.gather [hbm4b:s5+s3], $0x80, v4, vm0, $0xb8;
	[tilespmem:$0x18200] =	vst v63  }
0xee: {  	s18 =	simm.s32 $0x4200  }
0xef: {  	[tilespmem:s18], [sflag:$0x1] =	stream.indirect_vreg.gather [hbm4b:s6+s3], $0x80, v4, vm0, $0xb8;
	[tilespmem:$0x18200] =	vst v63  }
0xf0: {  	s18 =	simm.s32 $0x4A00  }
0xf1: {  	[tilespmem:s18], [sflag:$0x1] =	stream.indirect_vreg.gather [hbm4b:s2+s3], $0x80, v3, vm0, $0xb8;
	[tilespmem:$0x18200] =	vst v63  }
0xf2: {  	s18 =	simm.s32 $0x5200  }
0xf3: {  	[tilespmem:s18], [sflag:$0x1] =	stream.indirect_vreg.gather [hbm4b:s5+s3], $0x80, v3, vm0, $0xb8;
	[tilespmem:$0x18200] =	vst v63  }
0xf4: {  	s18 =	simm.s32 $0x5A00  }
0xf5: {  	[tilespmem:s18], [sflag:$0x1] =	stream.indirect_vreg.gather [hbm4b:s6+s3], $0x80, v3, vm0, $0xb8;
	[tilespmem:$0x18200] =	vst v63  }
0xf6: {  	v3 =	vld [tilespmem:s16+$0x40];
	_ =	sdelay $0x4  }
0xf7: {  	v62 =	vshrl.u32 v3, $0x3  }
0xf8: {  	v4 =	vmul.u32 $0x30, v62  }
0xf9: {  	v3 =	vand.u32 $0x7, v3  }
0xfa: {  	v3 =	vor.u32 v3, v4  }
0xfb: {  	v4 =	vperm.xlane v3, v0;
	_ =	sdelay $0x1  }
0xfc: {  	v4 =	vadd.s32 v1, v4;
	_ =	sdelay $0x3  }
0xfd: {  	s18 =	simm.s32 $0x6200;
	v3 =	vperm.xlane v3, v2  }
0xfe: {  	[tilespmem:s18], [sflag:$0x1] =	stream.indirect_vreg.gather [hbm4b:s2+s3], $0x80, v4, vm0, $0xb8;
	[tilespmem:$0x18200] =	vst v63  }
0xff: {  	v3 =	vadd.s32 v1, v3;
	s18 =	simm.s32 $0x6A00  }
0x100: {  	[tilespmem:s18], [sflag:$0x1] =	stream.indirect_vreg.gather [hbm4b:s5+s3], $0x80, v4, vm0, $0xb8;
	[tilespmem:$0x18200] =	vst v63  }
0x101: {  	s18 =	simm.s32 $0x7200  }
0x102: {  	[tilespmem:s18], [sflag:$0x1] =	stream.indirect_vreg.gather [hbm4b:s6+s3], $0x80, v4, vm0, $0xb8;
	[tilespmem:$0x18200] =	vst v63  }
0x103: {  	s18 =	simm.s32 $0x7A00  }
0x104: {  	[tilespmem:s18], [sflag:$0x1] =	stream.indirect_vreg.gather [hbm4b:s2+s3], $0x80, v3, vm0, $0xb8;
	[tilespmem:$0x18200] =	vst v63  }
0x105: {  	s18 =	simm.s32 $0x8200  }
0x106: {  	[tilespmem:s18], [sflag:$0x1] =	stream.indirect_vreg.gather [hbm4b:s5+s3], $0x80, v3, vm0, $0xb8;
	[tilespmem:$0x18200] =	vst v63  }
0x107: {  	s18 =	simm.s32 $0x8A00  }
0x108: {  	[tilespmem:s18], [sflag:$0x1] =	stream.indirect_vreg.gather [hbm4b:s6+s3], $0x80, v3, vm0, $0xb8;
	[tilespmem:$0x18200] =	vst v63  }
0x109: {  	v3 =	vld [tilespmem:s16+$0x50];
	_ =	sdelay $0x4  }
0x10a: {  	v63 =	vshrl.u32 v3, $0x3  }
0x10b: {  	v4 =	vmul.u32 $0x30, v63  }
0x10c: {  	v3 =	vand.u32 $0x7, v3  }
0x10d: {  	v3 =	vor.u32 v3, v4  }
0x10e: {  	v4 =	vperm.xlane v3, v0;
	_ =	sdelay $0x1  }
0x10f: {  	v4 =	vadd.s32 v1, v4;
	_ =	sdelay $0x3  }
0x110: {  	s18 =	simm.s32 $0x9200;
	v3 =	vperm.xlane v3, v2  }
0x111: {  	[tilespmem:s18], [sflag:$0x1] =	stream.indirect_vreg.gather [hbm4b:s2+s3], $0x80, v4, vm0, $0xb8;
	[tilespmem:$0x18200] =	vst v63  }
0x112: {  	v3 =	vadd.s32 v1, v3;
	s18 =	simm.s32 $0x9A00  }
0x113: {  	[tilespmem:s18], [sflag:$0x1] =	stream.indirect_vreg.gather [hbm4b:s5+s3], $0x80, v4, vm0, $0xb8;
	[tilespmem:$0x18200] =	vst v63  }
0x114: {  	s18 =	simm.s32 $0xA200  }
0x115: {  	[tilespmem:s18], [sflag:$0x1] =	stream.indirect_vreg.gather [hbm4b:s6+s3], $0x80, v4, vm0, $0xb8;
	[tilespmem:$0x18200] =	vst v63  }
0x116: {  	s18 =	simm.s32 $0xAA00  }
0x117: {  	[tilespmem:s18], [sflag:$0x1] =	stream.indirect_vreg.gather [hbm4b:s2+s3], $0x80, v3, vm0, $0xb8;
	[tilespmem:$0x18200] =	vst v63  }
.Ltmp5:
0x118: {  	_ = 	snop;
	(pc) =	sbr.rel .LBB2_4-.Ltmp5, $4  }
0x119: {  	s18 =	simm.s32 $0xB200  }
0x11a: {  	[tilespmem:s18], [sflag:$0x1] =	stream.indirect_vreg.gather [hbm4b:s5+s3], $0x80, v3, vm0, $0xb8;
	[tilespmem:$0x18200] =	vst v63  }
0x11b: {  	s18 =	simm.s32 $0xBA00  }
0x11c: {  	[tilespmem:s18], [sflag:$0x1] =	stream.indirect_vreg.gather [hbm4b:s6+s3], $0x80, v3, vm0, $0xb8;
	[tilespmem:$0x18200] =	vst v63  }
.LBB2_6:
0x11d: {  	_ =	sfence.sel $0x180000  }
0x11e: {  	[bflag:$0x0] =	sbarrier.arrive $0xFFFF  }
0x11f: {  	_ =	strace $0x9000004D  }
0x120: {  	s0 =	stileid.u32;
	[bflag:$0x2] =	sbarrier.arrive $0xFFFF  }
0x121: {  	p0 =	sne.s32 s0, $0x0;
	s0 =	rddreg [dreg:$0x2]  }
0x122: {  	s0 =	sadd.s32 @!p0 $0x100000, s0  }
0x123: {  	[sflag:s0] =	ssyncadd.tile.s32 @!p0 $0x1;
	_ =	shalt  }
.Lfunc_end2:
_tile_overlayer_lowered:
.L_overlay_start_2:
0x124: {  	(tag) =	ssettag $0x2  }
0x125: {  	s0 =	rddreg [dreg:$0x0];
	s2 =	stileid.u32  }
0x126: {  	s1 =	rddreg [dreg:$0x1];
	p0 =	sne.s32 s2, $0x0  }
0x127: {  	s3 =	rddreg [dreg:$0x2];
	[bflag:$0x3] =	sbarrier.arrive $0xFFFF;
	s2 =	simm.s32 @!p0 $0x1C05  }
0x128: {  	[timem:s3], [sflag:s2] =	dma.local @!p0 [hbm:s0], s1  }
0x129: {  	s0 =	simm.s32 @!p0 $0x5  }
0x12a: {  	_ =	swait.ge @!p0 [sflag:s0], s1  }
0x12b: {  	s1 =	ssub.s32 @!p0 $0x0, s1;
	[sflag:s0] =	ssyncset.done @!p0 $0x0  }
0x12c: {  	[sflag:s0] =	ssyncadd.s32 @!p0 s1  }
0x12d: {  	[bflag:$0x3] =	sbarrier.arrive $0xFFFF  }
0x12e: {  	_ =	shalt  }

// kernel: kernel.17.cloned.1.call-start
scs
__scs_entry_jumppad:
0x0: {  	(pc) =	sbr.rel $0x88, $3  }
0x1: {  	(tag) =	ssettag $0x0;
	lr =	simm.s32 $0x1  }
0x2: {  	[smem:$0x3F97] =	sst lr;
	_ =	strace $0xD0000000  }
0x3: {  	_ = 	snop  }
0x4: {  	_ = 	snop  }
0x5: {  	_ = 	snop  }
0x6: {  	_ = 	snop  }
0x7: {  	_ = 	snop  }
__scs_overlays_trampoline_lowered:
0x8: {  	[smem:$0x3FA6] =	sst s0  }
0x9: {  	[smem:$0x3FA7] =	sst s1  }
0xa: {  	[smem:$0x3FA8] =	sst s2  }
0xb: {  	[smem:$0x3FA9] =	sst s3  }
0xc: {  	[smem:$0x3FAA] =	sst s4  }
0xd: {  	[smem:$0x3FAB] =	sst s5  }
0xe: {  	[smem:$0x3FAC] =	sst s6  }
0xf: {  	[smem:$0x3FAD] =	sst s7  }
0x10: {  	[smem:$0x3FAE] =	sst s8  }
0x11: {  	[smem:$0x3FAF] =	sst s9;
	s0 =	simm.s32 @!p0 $0x0  }
0x12: {  	s1 =	sld [smem:$0x3F95];
	s0 =	simm.s32 @p0 $0x1  }
0x13: {  	[smem:$0x3FB0] =	sst s0;
	s0 =	simm.s32 @!p1 $0x0  }
0x14: {  	s2 =	sld [smem:$0x3F94];
	s0 =	simm.s32 @p1 $0x1  }
0x15: {  	[smem:$0x3FB1] =	sst s0;
	s0 =	simm.s32 @!p2 $0x0  }
0x16: {  	s3 =	sld [smem:$0x3FDB];
	s0 =	simm.s32 @p2 $0x1  }
0x17: {  	s4 =	simm.s32 $0x1BF5;
	[smem:$0x3FB3] =	sst s0  }
0x18: {  	s0 =	sld [smem:$0x3F96];
	_ =	swait.ge [sflag:s4], $0x0  }
0x19: {  	s7 =	sld [smem:$0x3F97]  }
0x1a: {  	s8 =	sadd.s32 $0xFFFFE003, lr  }
0x1b: {  	s9 =	sadd.s32 $0xFFFFFEF7, lr;
	s5 =	simm.s32 $0xFFFFFFFF;
	p2 =	slt.u32 s8, $0xFFFFF086  }
0x1c: {  	p1 =	slt.u32 s9, $0xF7A;
	s5 =	simm.s32 @!p2 $0x0  }
0x1d: {  	s5 =	simm.s32 @p1 $0x1;
	p0 =	seq.s32 s7, s2  }
0x1e: {  	s7 =	smul.u32 @!p0 $0xF7A, s2;
	p2 =	seq.s32 @!p0 s5, $0x0  }
0x1f: {  	s9 =	smul.u32 $0xF7A, s1;
	s8 =	simm.s32 @!p0 $0x1BF5;
	p2 =	por !p2, p0  }
0x20: {  	[sflag:s8] =	ssyncset.s32 @!p0 $0xFFFFF086;
	s6 =	sadd.s32 @!p0 s3, s7;
	s7 =	simm.s32 @!p0 $0x108  }
0x21: {  	s3 =	sadd.s32 s3, s9;
	s6 =	sadd.s32 @!p0 $0x88, s6;
	s7 =	simm.s32 @p2 $0x1082  }
0x22: {  	[simem:s7], [sflag:s8] =	dma.local @!p0 [hbm:s6], $0xF7A  }
0x23: {  	s9 =	sor.u32 $0xD0000000, s2;
	s6 =	simm.s32 $0x108;
	_ =	swait.ge @!p0 [sflag:s8], $0x0  }
0x24: {  	s3 =	sadd.s32 $0x88, s3;
	s6 =	simm.s32 @!p1 $0x1082;
	[sflag:s4] =	ssyncset.s32 $0xFFFFF086  }
0x25: {  	[simem:s6], [sflag:s4] =	dma.local [hbm:s3], $0xF7A  }
0x26: {  	[smem:$0x3F97] =	sst s1;
	(tag) =	ssettag s2;
	_ =	strace s9  }
0x27: {  	s1 =	sld [smem:$0x3FA7]  }
0x28: {  	s2 =	sld [smem:$0x3FA8]  }
0x29: {  	s4 =	sld [smem:$0x3FAA]  }
0x2a: {  	p0 =	seq.s32 s5, $0x0;
	s5 =	sld [smem:$0x3FAB]  }
0x2b: {  	s6 =	sld [smem:$0x3FAC]  }
0x2c: {  	s7 =	sld [smem:$0x3FAD]  }
0x2d: {  	s3 =	simm.s32 $0x108;
	s8 =	sld [smem:$0x3FAE]  }
0x2e: {  	s3 =	simm.s32 @!p0 $0x1082;
	s9 =	sld [smem:$0x3FAF]  }
0x2f: {  	lr =	sadd.s32 s0, s3;
	s0 =	sld [smem:$0x3FA6]  }
0x30: {  	s3 =	sld [smem:$0x3FA9]  }
0x31: {  	[smem:$0x3FB2] =	sst s10  }
0x32: {  	s10 =	sld [smem:$0x3FB0];
	_ =	sdelay $0x3  }
0x33: {  	p0 =	seq.s32 s10, $0x1;
	s10 =	sld [smem:$0x3FB2];
	_ =	sdelay $0x3  }
0x34: {  	[smem:$0x3FB2] =	sst s10  }
0x35: {  	s10 =	sld [smem:$0x3FB1];
	_ =	sdelay $0x3  }
0x36: {  	p1 =	seq.s32 s10, $0x1;
	s10 =	sld [smem:$0x3FB2];
	_ =	sdelay $0x3  }
0x37: {  	[smem:$0x3FB2] =	sst s10  }
0x38: {  	s10 =	sld [smem:$0x3FB3]  }
0x39: {  	_ = 	snop;
	(pc) =	sbr.ind lr, $3  }
0x3a: {  	_ = 	snop  }
0x3b: {  	_ = 	snop  }
0x3c: {  	p2 =	seq.s32 s10, $0x1;
	s10 =	sld [smem:$0x3FB2]  }
0x3d: {  	_ =	shalt  }
0x3e: {  	_ =	shalt  }
0x3f: {  	_ =	shalt  }
0x40: {  	_ =	shalt  }
0x41: {  	_ =	shalt  }
0x42: {  	_ =	shalt  }
0x43: {  	_ =	shalt  }
0x44: {  	_ =	shalt  }
0x45: {  	_ =	shalt  }
0x46: {  	_ =	shalt  }
0x47: {  	_ =	shalt  }
0x48: {  	_ =	shalt  }
0x49: {  	_ =	shalt  }
0x4a: {  	_ =	shalt  }
0x4b: {  	_ =	shalt  }
0x4c: {  	_ =	shalt  }
0x4d: {  	_ =	shalt  }
0x4e: {  	_ =	shalt  }
0x4f: {  	_ =	shalt  }
0x50: {  	_ =	shalt  }
0x51: {  	_ =	shalt  }
0x52: {  	_ =	shalt  }
0x53: {  	_ =	shalt  }
0x54: {  	_ =	shalt  }
0x55: {  	_ =	shalt  }
0x56: {  	_ =	shalt  }
0x57: {  	_ =	shalt  }
0x58: {  	_ =	shalt  }
0x59: {  	_ =	shalt  }
0x5a: {  	_ =	shalt  }
0x5b: {  	_ =	shalt  }
0x5c: {  	_ =	shalt  }
0x5d: {  	_ =	shalt  }
0x5e: {  	_ =	shalt  }
0x5f: {  	_ =	shalt  }
0x60: {  	_ =	shalt  }
0x61: {  	_ =	shalt  }
0x62: {  	_ =	shalt  }
0x63: {  	_ =	shalt  }
0x64: {  	_ =	shalt  }
0x65: {  	_ =	shalt  }
0x66: {  	_ =	shalt  }
0x67: {  	_ =	shalt  }
0x68: {  	_ =	shalt  }
0x69: {  	_ =	shalt  }
0x6a: {  	_ =	shalt  }
0x6b: {  	_ =	shalt  }
0x6c: {  	_ =	shalt  }
0x6d: {  	_ =	shalt  }
0x6e: {  	_ =	shalt  }
0x6f: {  	_ =	shalt  }
0x70: {  	_ =	shalt  }
0x71: {  	_ =	shalt  }
0x72: {  	_ =	shalt  }
0x73: {  	_ =	shalt  }
0x74: {  	_ =	shalt  }
0x75: {  	_ =	shalt  }
0x76: {  	_ =	shalt  }
0x77: {  	_ =	shalt  }
0x78: {  	_ =	shalt  }
0x79: {  	_ =	shalt  }
0x7a: {  	_ =	shalt  }
0x7b: {  	_ =	shalt  }
0x7c: {  	_ =	shalt  }
0x7d: {  	_ =	shalt  }
0x7e: {  	_ =	shalt  }
0x7f: {  	_ =	shalt  }
0x80: {  	_ =	shalt  }
0x81: {  	_ =	shalt  }
0x82: {  	_ =	shalt  }
0x83: {  	_ =	shalt  }
0x84: {  	_ =	shalt  }
0x85: {  	_ =	shalt  }
0x86: {  	_ =	shalt  }
0x87: {  	_ =	shalt  }
.Lfunc_end0:
.L_simem_size_0:
called_computation.2_lowered:
.L_overlay_start_0:
0x88: {  	s2 =	sld [smem:$0x3FD9]  }
0x89: {  	s3 =	sld [smem:$0x3FFE];
	_ =	sdelay $0x1  }
0x8a: {  	s1 =	srdreg.scid  }
0x8b: {  	s0 =	sand.u32 $0x1, s1  }
0x8c: {  	s17 =	sshll.u32 s0, $0xA;
	s2 =	sadd.s32 s3, s2  }
0x8d: {  	s2 =	sadd.s32 s2, s17  }
0x8e: {  	[smem:$0x3FBE] =	sst s2  }
0x8f: {  	_ = 	snop  }
0x90: {  	s18 =	sld [smem:$0x3FD0];
	(tm) =	ssettm $0x1  }
0x91: {  	s19 =	sld [smem:$0x3FFB];
	_ =	sdelay $0x3  }
0x92: {  	_ =	strace s19  }
0x93: {  	s2 =	sld [smem:$0x3FFC];
	_ =	sdelay $0x3  }
0x94: {  	_ =	strace s2  }
0x95: {  	s2 =	sld [smem:$0x3FFD];
	_ =	sdelay $0x3  }
0x96: {  	_ =	strace s2  }
0x97: {  	_ =	strace $0x8FFFFFFF  }
0x98: {  	s20 =	sld [smem:$0x3FDB];
	_ =	sdelay $0x1  }
0x99: {  	s4 =	simm.s32 $_scs_section_size  }
0x9a: {  	s5 =	simm.s32 $_size__tile_overlayer_lowered;
	s6 =	simm.s32 $_tile_overlayer_lowered  }
0x9b: {  	s7 =	simm.s32 $0x1BFF;
	s21 =	sshll.u32 s6, $0x1;
	s4 =	sadd.s32 s4, s20  }
0x9c: {  	s22 =	simm.s32 $0x0;
	s5 =	sshll.u32 s5, $0x1;
	s6 =	sadd.s32 s21, s4  }
0x9d: {  	[timem:s22], [sflag:s7] =	dma.local [hbm:s6], s5  }
0x9e: {  	_ =	swait.ge [sflag:s7], s5  }
0x9f: {  	s5 =	ssub.s32 $0x0, s5;
	[sflag:s7] =	ssyncset.done $0x0  }
0xa0: {  	[sflag:s7] =	ssyncadd.s32 s5;
	_ =	sdelay $0x1  }
0xa1: {  	s23 =	simm.s32 $0x1B8B  }
0xa2: {  	_ =	swait.ge [sflag:s23], $0x1  }
0xa3: {  	[sflag:s23] =	ssyncset.done $0x0  }
0xa4: {  	[sflag:s23] =	ssyncadd.s32 $0xFFFFFFFF  }
0xa5: {  	s5 =	sld [smem:$0x0]  }
0xa6: {  	s6 =	sand.u32 $0xFFFFFFFE, s1  }
0xa7: {  	p0 =	sne.s32 s1, s6  }
0xa8: {  	s6 =	sshll.u32 @p0 s6, $0xE  }
0xa9: {  	s6 =	sadd.s32 @p0 $0x11B8D, s6;
	s7 =	sshll.u32 @p0 s5, $0x11  }
0xaa: {  	s6 =	sor.u32 @p0 s7, s6  }
0xab: {  	[sflag:s6] =	ssyncadd.remote.s32 @p0 $0x1;
	_ =	sdelay $0x1  }
0xac: {  	s6 =	simm.s32 @p0 $0x1B8D  }
0xad: {  	_ =	swait.eq @p0 [sflag:s6], $0x1  }
0xae: {  	[sflag:s6] =	ssyncadd.s32 @p0 $0xFFFFFFFF  }
0xaf: {  	s7 =	sshll.u32 @!p0 s1, $0xE  }
0xb0: {  	s7 =	sor.u32 @!p0 $0x4000, s7;
	s6 =	simm.s32 @!p0 $0x1B8D  }
0xb1: {  	s5 =	sshll.u32 @!p0 s5, $0x11;
	s7 =	sadd.s32 @!p0 $0x11B8D, s7;
	_ =	swait.eq @!p0 [sflag:s6], $0x1  }
0xb2: {  	s5 =	sor.u32 @!p0 s5, s7;
	[sflag:s6] =	ssyncadd.s32 @!p0 $0xFFFFFFFF  }
0xb3: {  	s25 =	simm.s32 $0x1B8E;
	s24 =	sld [smem:$0x3FFE];
	[sflag:s5] =	ssyncadd.remote.s32 @!p0 $0x1  }
0xb4: {  	s26 =	simm.s32 $execute0_lowered;
	[smem:$0x3FD2] =	sst s25  }
0xb5: {  	s6 =	sshll.u32 s26, $0x1;
	_ =	strace $0x80000049;
	[dreg:$0x1] =	wrdreg $0xFFFFFFFF  }
0xb6: {  	s28 =	simm.s32 $_size_execute0_lowered;
	s4 =	sadd.s32 s4, s6;
	[dreg:$0x0] =	wrdreg $0x0  }
0xb7: {  	s6 =	sshll.u32 s28, $0x1;
	[dreg:$0x2] =	wrdreg s4  }
0xb8: {  	[dreg:$0x3] =	wrdreg s6  }
0xb9: {  	[dreg:$0x4] =	wrdreg $0xC0  }
0xba: {  	_ =	task [dreg:s22], $0x5FFFF  }
0xbb: {  	[dreg:$0x1] =	wrdreg $0xFFFFFFFF  }
0xbc: {  	[dreg:$0x0] =	wrdreg $0x60  }
0xbd: {  	[dreg:$0x2] =	wrdreg s18  }
0xbe: {  	[dreg:$0x3] =	wrdreg s24  }
0xbf: {  	[dreg:$0x4] =	wrdreg $0xB  }
0xc0: {  	_ =	task.clear_ibuf [dreg:s22], $0x5FFFF;
	_ =	strace $0x90000049  }
0xc1: {  	s29 =	simm.s32 $0xB;
	_ =	strace $0x8000004B  }
0xc2: {  	_ =	swait.ge [sflag:s29], $0x1  }
0xc3: {  	[sflag:s29] =	ssyncadd.s32 $0xFFFFFFFF  }
0xc4: {  	_ =	strace $0x9000004B  }
0xc5: {  	_ =	sfence  }
0xc6: {  	s30 =	sld [smem:$0x0];
	_ =	sdelay $0x2  }
0xc7: {  	s31 =	sshll.u32 s1, $0xD;
	s1 =	sshrl.u32 s1, $0x2  }
0xc8: {  	s4 =	sand.u32 $0x4000, s31;
	s1 =	sadd.s32 s1, s30  }
0xc9: {  	s0 =	sor.u32 s4, s0;
	s1 =	sshll.u32 s1, $0x11  }
0xca: {  	s0 =	sor.u32 s1, s0  }
0xcb: {  	s0 =	sadd.s32 $0x8F2B, s0  }
0xcc: {  	[sflag:s0] =	ssyncadd.remote.s32 $0x1  }
0xcd: {  	_ =	sfence.sel $0xFFFF  }
0xce: {  	[dreg:$0x0] =	wrdreg $0xFFFFFFFF;
	(pc) =	sbr.abs _section_cstart, $3  }
0xcf: {  	[dreg:$0x1] =	wrdreg $0xFFFFFFFF  }
0xd0: {  	_ =	task.clear_ibuf [dreg:s22], $0x2FFFF;
	_ =	strace $0x9FFFFFFF  }
0xd1: {  	(tm) =	ssettm $0x7FFFFFFF  }
tec
execute0_lowered:
.L_overlay_start_1:
0x0: {  	(tag) =	ssettag $0x1  }
0x1: {  	s2 =	rddreg [dreg:$0x0]  }
0x2: {  	s0 =	rddreg [dreg:$0x1]  }
0x3: {  	s1 =	srdreg.scid;
	s4 =	stileid.u32;
	s3 =	simm.s32 $0x0  }
0x4: {  	s11 =	simm.s32 $0x200;
	s10 =	simm.s32 $0x1;
	s12 =	simm.s32 $0xC200  }
0x5: {  	s19 =	simm.s32 $0xFA00;
	s20 =	simm.s32 $0x10200;
	s21 =	simm.s32 $0x10A00  }
0x6: {  	s22 =	simm.s32 $0x11200;
	s23 =	simm.s32 $0x11A00;
	s24 =	simm.s32 $0x12200  }
0x7: {  	s25 =	simm.s32 $0x12A00;
	s28 =	simm.s32 $0x13A00;
	s29 =	simm.s32 $0x14200  }
0x8: {  	s30 =	simm.s32 $0x14A00;
	s31 =	simm.s32 $0x15200;
	s13 =	simm.s32 $0x17A00  }
0x9: {  	s14 =	simm.s32 $0x2;
	s15 =	simm.s32 $0x3;
	s1 =	sand.u32 $0x1, s1  }
0xa: {  	s18 =	simm.s32 $0x0;
	s4 =	sshll.u32 s4, $0xA;
	s5 =	sshll.u32 s1, $0x9  }
0xb: {  	[smem:$0x7FF] =	sst s3;
	s1 =	ssub.s32 $0x2, s1;
	s4 =	sor.u32 s5, s4  }
0xc: {  	_ =	strace $0x8000004A;
	s7 =	sshrl.u32 s1, $0x1;
	s5 =	sshrl.u32 s4, $0x3  }
0xd: {  	s4 =	sor.u32 $0x40, s4;
	s1 =	ssub.s32 s1, s7;
	s7 =	simm.s32 $0x17200  }
0xe: {  	s6 =	sadd.s32 s5, s0;
	s8 =	smul.u32 $0x300, s5;
	s4 =	sshrl.u32 s4, $0x3  }
.Ltmp0:
0xf: {  	s0 =	sadd.s32 $0x185C00, s0;
	s5 =	sadd.s32 $0x100, s2;
	(pc) =	sbr.rel .LBB2_1-.Ltmp0, $4  }
0x10: {  	s1 =	smax.u32 s1, $0x1;
	s4 =	smul.u32 $0x300, s4;
	s26 =	sadd.s32 $0x4C00, s6  }
0x11: {  	v2 =	vlaneseq.u32;
	s6 =	sadd.s32 $0x200, s2;
	[dreg:$0x4] =	wrdreg s1;
	s1 =	simm.s32 $0x16200  }
0x12: {  	vm0 =	vmmov $0xffff;
	v1 =	vshrl.u32 v2, $0x3;
	[dreg:$0x3] =	wrdreg s26;
	s8 =	sadd.s32 s8, s0;
	s26 =	simm.s32 $0x13200  }
0x13: {  	v0 =	vand.u32 $0x7, v2;
	v2 =	vor.u32 $0x8, v2;
	v1 =	vmul.u32 $0x8, v1;
	s9 =	sadd.s32 s4, s0;
	s0 =	simm.s32 $0x15A00;
	s4 =	simm.s32 $0x16A00  }
.LBB2_5:
0x14: {  	s17 =	simm.s32 $0x4  }
0x15: {  	_ =	swait.ge [sflag:s17], $0xC000  }
0x16: {  	s18 =	rddreg [dreg:$0x5]  }
0x17: {  	s16 =	rddreg [dreg:$0x4];
	s18 =	sadd.s32 $0x1, s18  }
0x18: {  	p0 =	sne.s32 s18, s16  }
.Ltmp1:
0x19: {  	_ = 	snop;
	(pc) =	sbr.rel @!p0 .LBB2_6-.Ltmp1, $3  }
0x1a: {  	_ =	sdelay $0x1  }
0x1b: {  	[sflag:s17] =	ssyncset.done $0x0  }
0x1c: {  	[sflag:s17] =	ssyncadd.s32 $0xFFFF4000  }
.LBB2_1:
0x1d: {  	[dreg:$0x5] =	wrdreg s18  }
0x1e: {  	s16 =	rddreg [dreg:$0x3];
	s17 =	simm.s32 $0x5  }
0x1f: {  	[tilespmem:s3], [sflag:$0x5] =	stream.linear.gather [hbm4b:s16+s3], $0x200, $0x38;
	[tilespmem:$0x18200] =	vst v63  }
0x20: {  	_ =	swait.ge [sflag:s17], $0x200  }
0x21: {  	[sflag:s17] =	ssyncset.done $0x0  }
0x22: {  	[sflag:s17] =	ssyncadd.s32 $0xFFFFFE00  }
0x23: {  	v3 =	vld [tilespmem:$0x0];
	_ =	sdelay $0x4  }
0x24: {  	v4 =	vshrl.u32 v3, $0x3  }
0x25: {  	v4 =	vmul.u32 $0x30, v4  }
0x26: {  	v3 =	vand.u32 $0x7, v3  }
0x27: {  	v3 =	vor.u32 v3, v4  }
0x28: {  	v4 =	vperm.xlane v3, v0;
	_ =	sdelay $0x1  }
0x29: {  	v4 =	vadd.s32 v1, v4;
	_ =	sdelay $0x3  }
0x2a: {  	v3 =	vperm.xlane v3, v2  }
0x2b: {  	[tilespmem:s11], [sflag:$0x1] =	stream.indirect_vreg.gather [hbm4b:s2+s3], $0x80, v4, vm0, $0xb8;
	[tilespmem:$0x18200] =	vst v63  }
0x2c: {  	s18 =	simm.s32 $0xA00;
	v3 =	vadd.s32 v1, v3  }
0x2d: {  	[tilespmem:s18], [sflag:$0x1] =	stream.indirect_vreg.gather [hbm4b:s5+s3], $0x80, v4, vm0, $0xb8;
	[tilespmem:$0x18200] =	vst v63  }
0x2e: {  	s17 =	simm.s32 $0x1200  }
0x2f: {  	[tilespmem:s17], [sflag:$0x1] =	stream.indirect_vreg.gather [hbm4b:s6+s3], $0x80, v4, vm0, $0xb8;
	[tilespmem:$0x18200] =	vst v63  }
0x30: {  	s18 =	simm.s32 $0x1A00  }
0x31: {  	[tilespmem:s18], [sflag:$0x1] =	stream.indirect_vreg.gather [hbm4b:s2+s3], $0x80, v3, vm0, $0xb8;
	[tilespmem:$0x18200] =	vst v63  }
0x32: {  	s17 =	simm.s32 $0x2200  }
0x33: {  	[tilespmem:s17], [sflag:$0x1] =	stream.indirect_vreg.gather [hbm4b:s5+s3], $0x80, v3, vm0, $0xb8;
	[tilespmem:$0x18200] =	vst v63  }
0x34: {  	s18 =	simm.s32 $0x2A00  }
0x35: {  	[tilespmem:s18], [sflag:$0x1] =	stream.indirect_vreg.gather [hbm4b:s6+s3], $0x80, v3, vm0, $0xb8;
	[tilespmem:$0x18200] =	vst v63  }
0x36: {  	v3 =	vld [tilespmem:$0x10];
	_ =	sdelay $0x4  }
0x37: {  	v61 =	vshrl.u32 v3, $0x3  }
0x38: {  	v4 =	vmul.u32 $0x30, v61  }
0x39: {  	v3 =	vand.u32 $0x7, v3  }
0x3a: {  	v3 =	vor.u32 v3, v4  }
0x3b: {  	v4 =	vperm.xlane v3, v0;
	_ =	sdelay $0x1  }
0x3c: {  	v4 =	vadd.s32 v1, v4;
	_ =	sdelay $0x3  }
0x3d: {  	s17 =	simm.s32 $0x3200;
	v3 =	vperm.xlane v3, v2  }
0x3e: {  	[tilespmem:s17], [sflag:$0x1] =	stream.indirect_vreg.gather [hbm4b:s2+s3], $0x80, v4, vm0, $0xb8;
	[tilespmem:$0x18200] =	vst v63  }
0x3f: {  	s18 =	simm.s32 $0x3A00;
	v3 =	vadd.s32 v1, v3  }
0x40: {  	[tilespmem:s18], [sflag:$0x1] =	stream.indirect_vreg.gather [hbm4b:s5+s3], $0x80, v4, vm0, $0xb8;
	[tilespmem:$0x18200] =	vst v63  }
0x41: {  	s17 =	simm.s32 $0x4200  }
0x42: {  	[tilespmem:s17], [sflag:$0x1] =	stream.indirect_vreg.gather [hbm4b:s6+s3], $0x80, v4, vm0, $0xb8;
	[tilespmem:$0x18200] =	vst v63  }
0x43: {  	s18 =	simm.s32 $0x4A00  }
0x44: {  	[tilespmem:s18], [sflag:$0x1] =	stream.indirect_vreg.gather [hbm4b:s2+s3], $0x80, v3, vm0, $0xb8;
	[tilespmem:$0x18200] =	vst v63  }
0x45: {  	s17 =	simm.s32 $0x5200  }
0x46: {  	[tilespmem:s17], [sflag:$0x1] =	stream.indirect_vreg.gather [hbm4b:s5+s3], $0x80, v3, vm0, $0xb8;
	[tilespmem:$0x18200] =	vst v63  }
0x47: {  	s18 =	simm.s32 $0x5A00  }
0x48: {  	[tilespmem:s18], [sflag:$0x1] =	stream.indirect_vreg.gather [hbm4b:s6+s3], $0x80, v3, vm0, $0xb8;
	[tilespmem:$0x18200] =	vst v63  }
0x49: {  	v3 =	vld [tilespmem:$0x20];
	_ =	sdelay $0x4  }
0x4a: {  	v62 =	vshrl.u32 v3, $0x3  }
0x4b: {  	v4 =	vmul.u32 $0x30, v62  }
0x4c: {  	v3 =	vand.u32 $0x7, v3  }
0x4d: {  	v3 =	vor.u32 v3, v4  }
0x4e: {  	v4 =	vperm.xlane v3, v0;
	_ =	sdelay $0x1  }
0x4f: {  	v4 =	vadd.s32 v1, v4;
	_ =	sdelay $0x3  }
0x50: {  	s17 =	simm.s32 $0x6200;
	v3 =	vperm.xlane v3, v2  }
0x51: {  	[tilespmem:s17], [sflag:$0x1] =	stream.indirect_vreg.gather [hbm4b:s2+s3], $0x80, v4, vm0, $0xb8;
	[tilespmem:$0x18200] =	vst v63  }
0x52: {  	s18 =	simm.s32 $0x6A00;
	v3 =	vadd.s32 v1, v3  }
0x53: {  	[tilespmem:s18], [sflag:$0x1] =	stream.indirect_vreg.gather [hbm4b:s5+s3], $0x80, v4, vm0, $0xb8;
	[tilespmem:$0x18200] =	vst v63  }
0x54: {  	s17 =	simm.s32 $0x7200  }
0x55: {  	[tilespmem:s17], [sflag:$0x1] =	stream.indirect_vreg.gather [hbm4b:s6+s3], $0x80, v4, vm0, $0xb8;
	[tilespmem:$0x18200] =	vst v63  }
0x56: {  	s18 =	simm.s32 $0x7A00  }
0x57: {  	[tilespmem:s18], [sflag:$0x1] =	stream.indirect_vreg.gather [hbm4b:s2+s3], $0x80, v3, vm0, $0xb8;
	[tilespmem:$0x18200] =	vst v63  }
0x58: {  	s17 =	simm.s32 $0x8200  }
0x59: {  	[tilespmem:s17], [sflag:$0x1] =	stream.indirect_vreg.gather [hbm4b:s5+s3], $0x80, v3, vm0, $0xb8;
	[tilespmem:$0x18200] =	vst v63  }
0x5a: {  	s18 =	simm.s32 $0x8A00  }
0x5b: {  	[tilespmem:s18], [sflag:$0x1] =	stream.indirect_vreg.gather [hbm4b:s6+s3], $0x80, v3, vm0, $0xb8;
	[tilespmem:$0x18200] =	vst v63  }
0x5c: {  	v3 =	vld [tilespmem:$0x30];
	_ =	sdelay $0x4  }
0x5d: {  	v63 =	vshrl.u32 v3, $0x3  }
0x5e: {  	v4 =	vmul.u32 $0x30, v63  }
0x5f: {  	v3 =	vand.u32 $0x7, v3  }
0x60: {  	v3 =	vor.u32 v3, v4  }
0x61: {  	v4 =	vperm.xlane v3, v0;
	_ =	sdelay $0x1  }
0x62: {  	v4 =	vadd.s32 v1, v4;
	_ =	sdelay $0x3  }
0x63: {  	s17 =	simm.s32 $0x9200;
	v3 =	vperm.xlane v3, v2  }
0x64: {  	[tilespmem:s17], [sflag:$0x1] =	stream.indirect_vreg.gather [hbm4b:s2+s3], $0x80, v4, vm0, $0xb8;
	[tilespmem:$0x18200] =	vst v63  }
0x65: {  	s18 =	simm.s32 $0x9A00;
	v3 =	vadd.s32 v1, v3  }
0x66: {  	[tilespmem:s18], [sflag:$0x1] =	stream.indirect_vreg.gather [hbm4b:s5+s3], $0x80, v4, vm0, $0xb8;
	[tilespmem:$0x18200] =	vst v63  }
0x67: {  	s17 =	simm.s32 $0xA200  }
0x68: {  	[tilespmem:s17], [sflag:$0x1] =	stream.indirect_vreg.gather [hbm4b:s6+s3], $0x80, v4, vm0, $0xb8;
	[tilespmem:$0x18200] =	vst v63  }
0x69: {  	s18 =	simm.s32 $0xAA00  }
0x6a: {  	[tilespmem:s18], [sflag:$0x1] =	stream.indirect_vreg.gather [hbm4b:s2+s3], $0x80, v3, vm0, $0xb8;
	[tilespmem:$0x18200] =	vst v63  }
.Ltmp2:
0x6b: {  	_ = 	snop;
	(pc) =	sbr.rel .LBB2_2-.Ltmp2, $4  }
0x6c: {  	s17 =	simm.s32 $0xB200  }
0x6d: {  	[tilespmem:s17], [sflag:$0x1] =	stream.indirect_vreg.gather [hbm4b:s5+s3], $0x80, v3, vm0, $0xb8;
	[tilespmem:$0x18200] =	vst v63  }
0x6e: {  	s16 =	simm.s32 $0x60;
	s18 =	simm.s32 $0xBA00;
	s17 =	simm.s32 $0x0  }
0x6f: {  	[tilespmem:s18], [sflag:$0x1] =	stream.indirect_vreg.gather [hbm4b:s6+s3], $0x80, v3, vm0, $0xb8;
	[tilespmem:$0x18200] =	vst v63  }
.LBB2_4:
0x70: {  	s18 =	sadd.s32 s17, s9;
	s17 =	sadd.s32 $0x3000, s17  }
0x71: {  	p0 =	sne.s32 s17, $0xC000  }
.Ltmp3:
0x72: {  	_ = 	snop;
	(pc) =	sbr.rel @!p0 .LBB2_5-.Ltmp3, $3  }
0x73: {  	_ =	sdelay $0x1  }
0x74: {  	s16 =	sadd.s32 $0x80, s16  }
0x75: {  	[hbm4b:s18+s3] =	stream.linear.scatter [tilespmem:s12], [sflag:$0x4], $0xC000, $0x38;
	[tilespmem:$0x18200] =	vst v63  }
.LBB2_2:
0x76: {  	_ =	swait.ge [sflag:s10], $0xC000  }
0x77: {  	p0 =	seq.s32 s17, $0x0;
	[sflag:s10] =	ssyncset.done $0x0  }
0x78: {  	s18 =	simm.s32 @!p0 $0x4;
	[sflag:s10] =	ssyncadd.s32 $0xFFFF4000  }
0x79: {  	_ =	swait.ge @!p0 [sflag:s18], $0xC000  }
0x7a: {  	[sflag:s18] =	ssyncset.done @!p0 $0x0  }
0x7b: {  	[sflag:s18] =	ssyncadd.s32 @!p0 $0xFFFF4000  }
0x7c: {  	v3 =	vld [tilespmem:s16+$0xFFFFFFE0];
	_ =	sdelay $0x4  }
0x7d: {  	v4 =	vshrl.u32 v3, $0x3  }
0x7e: {  	v4 =	vmul.u32 $0x30, v4  }
0x7f: {  	v3 =	vand.u32 $0x7, v3  }
0x80: {  	v3 =	vor.u32 v3, v4  }
0x81: {  	v4 =	vperm.xlane v3, v0;
	_ =	sdelay $0x1  }
0x82: {  	v4 =	vadd.s32 v1, v4;
	_ =	sdelay $0x3  }
0x83: {  	v3 =	vperm.xlane v3, v2  }
0x84: {  	[tilespmem:s12], [sflag:$0x2] =	stream.indirect_vreg.gather [hbm4b:s2+s3], $0x80, v4, vm0, $0xb8;
	[tilespmem:$0x18200] =	vst v63  }
0x85: {  	s18 =	simm.s32 $0xCA00;
	v3 =	vadd.s32 v1, v3  }
0x86: {  	[tilespmem:s18], [sflag:$0x2] =	stream.indirect_vreg.gather [hbm4b:s5+s3], $0x80, v4, vm0, $0xb8;
	[tilespmem:$0x18200] =	vst v63  }
0x87: {  	s18 =	simm.s32 $0xD200  }
0x88: {  	[tilespmem:s18], [sflag:$0x2] =	stream.indirect_vreg.gather [hbm4b:s6+s3], $0x80, v4, vm0, $0xb8;
	[tilespmem:$0x18200] =	vst v63  }
0x89: {  	s18 =	simm.s32 $0xDA00  }
0x8a: {  	[tilespmem:s18], [sflag:$0x2] =	stream.indirect_vreg.gather [hbm4b:s2+s3], $0x80, v3, vm0, $0xb8;
	[tilespmem:$0x18200] =	vst v63  }
0x8b: {  	s18 =	simm.s32 $0xE200  }
0x8c: {  	[tilespmem:s18], [sflag:$0x2] =	stream.indirect_vreg.gather [hbm4b:s5+s3], $0x80, v3, vm0, $0xb8;
	[tilespmem:$0x18200] =	vst v63  }
0x8d: {  	s18 =	simm.s32 $0xEA00  }
0x8e: {  	[tilespmem:s18], [sflag:$0x2] =	stream.indirect_vreg.gather [hbm4b:s6+s3], $0x80, v3, vm0, $0xb8;
	[tilespmem:$0x18200] =	vst v63  }
0x8f: {  	v3 =	vld [tilespmem:s16+$0xFFFFFFF0];
	_ =	sdelay $0x4  }
0x90: {  	v61 =	vshrl.u32 v3, $0x3  }
0x91: {  	v4 =	vmul.u32 $0x30, v61  }
0x92: {  	v3 =	vand.u32 $0x7, v3  }
0x93: {  	v3 =	vor.u32 v3, v4  }
0x94: {  	v4 =	vperm.xlane v3, v0;
	_ =	sdelay $0x1  }
0x95: {  	v4 =	vadd.s32 v1, v4;
	_ =	sdelay $0x3  }
0x96: {  	s18 =	simm.s32 $0xF200;
	v3 =	vperm.xlane v3, v2  }
0x97: {  	[tilespmem:s18], [sflag:$0x2] =	stream.indirect_vreg.gather [hbm4b:s2+s3], $0x80, v4, vm0, $0xb8;
	[tilespmem:$0x18200] =	vst v63  }
0x98: {  	v3 =	vadd.s32 v1, v3  }
0x99: {  	[tilespmem:s19], [sflag:$0x2] =	stream.indirect_vreg.gather [hbm4b:s5+s3], $0x80, v4, vm0, $0xb8;
	[tilespmem:$0x18200] =	vst v63  }
0x9a: {  	_ = 	snop  }
0x9b: {  	[tilespmem:s20], [sflag:$0x2] =	stream.indirect_vreg.gather [hbm4b:s6+s3], $0x80, v4, vm0, $0xb8;
	[tilespmem:$0x18200] =	vst v63  }
0x9c: {  	_ = 	snop  }
0x9d: {  	[tilespmem:s21], [sflag:$0x2] =	stream.indirect_vreg.gather [hbm4b:s2+s3], $0x80, v3, vm0, $0xb8;
	[tilespmem:$0x18200] =	vst v63  }
0x9e: {  	_ = 	snop  }
0x9f: {  	[tilespmem:s22], [sflag:$0x2] =	stream.indirect_vreg.gather [hbm4b:s5+s3], $0x80, v3, vm0, $0xb8;
	[tilespmem:$0x18200] =	vst v63  }
0xa0: {  	_ = 	snop  }
0xa1: {  	[tilespmem:s23], [sflag:$0x2] =	stream.indirect_vreg.gather [hbm4b:s6+s3], $0x80, v3, vm0, $0xb8;
	[tilespmem:$0x18200] =	vst v63  }
0xa2: {  	v3 =	vld [tilespmem:s16+$0x0];
	_ =	sdelay $0x4  }
0xa3: {  	v62 =	vshrl.u32 v3, $0x3  }
0xa4: {  	v4 =	vmul.u32 $0x30, v62  }
0xa5: {  	v3 =	vand.u32 $0x7, v3  }
0xa6: {  	v3 =	vor.u32 v3, v4  }
0xa7: {  	v4 =	vperm.xlane v3, v0;
	_ =	sdelay $0x1  }
0xa8: {  	v4 =	vadd.s32 v1, v4;
	_ =	sdelay $0x3  }
0xa9: {  	v3 =	vperm.xlane v3, v2  }
0xaa: {  	[tilespmem:s24], [sflag:$0x2] =	stream.indirect_vreg.gather [hbm4b:s2+s3], $0x80, v4, vm0, $0xb8;
	[tilespmem:$0x18200] =	vst v63  }
0xab: {  	v3 =	vadd.s32 v1, v3  }
0xac: {  	[tilespmem:s25], [sflag:$0x2] =	stream.indirect_vreg.gather [hbm4b:s5+s3], $0x80, v4, vm0, $0xb8;
	[tilespmem:$0x18200] =	vst v63  }
0xad: {  	_ = 	snop  }
0xae: {  	[tilespmem:s26], [sflag:$0x2] =	stream.indirect_vreg.gather [hbm4b:s6+s3], $0x80, v4, vm0, $0xb8;
	[tilespmem:$0x18200] =	vst v63  }
0xaf: {  	_ = 	snop  }
0xb0: {  	[tilespmem:s28], [sflag:$0x2] =	stream.indirect_vreg.gather [hbm4b:s2+s3], $0x80, v3, vm0, $0xb8;
	[tilespmem:$0x18200] =	vst v63  }
0xb1: {  	_ = 	snop  }
0xb2: {  	[tilespmem:s29], [sflag:$0x2] =	stream.indirect_vreg.gather [hbm4b:s5+s3], $0x80, v3, vm0, $0xb8;
	[tilespmem:$0x18200] =	vst v63  }
0xb3: {  	_ = 	snop  }
0xb4: {  	[tilespmem:s30], [sflag:$0x2] =	stream.indirect_vreg.gather [hbm4b:s6+s3], $0x80, v3, vm0, $0xb8;
	[tilespmem:$0x18200] =	vst v63  }
0xb5: {  	v3 =	vld [tilespmem:s16+$0x10];
	_ =	sdelay $0x4  }
0xb6: {  	v63 =	vshrl.u32 v3, $0x3  }
0xb7: {  	v4 =	vmul.u32 $0x30, v63  }
0xb8: {  	v3 =	vand.u32 $0x7, v3  }
0xb9: {  	v3 =	vor.u32 v3, v4  }
0xba: {  	v4 =	vperm.xlane v3, v0;
	_ =	sdelay $0x1  }
0xbb: {  	v4 =	vadd.s32 v1, v4;
	_ =	sdelay $0x3  }
0xbc: {  	v3 =	vperm.xlane v3, v2  }
0xbd: {  	[tilespmem:s31], [sflag:$0x2] =	stream.indirect_vreg.gather [hbm4b:s2+s3], $0x80, v4, vm0, $0xb8;
	[tilespmem:$0x18200] =	vst v63  }
0xbe: {  	v3 =	vadd.s32 v1, v3  }
0xbf: {  	[tilespmem:s0], [sflag:$0x2] =	stream.indirect_vreg.gather [hbm4b:s5+s3], $0x80, v4, vm0, $0xb8;
	[tilespmem:$0x18200] =	vst v63  }
0xc0: {  	_ = 	snop  }
0xc1: {  	[tilespmem:s1], [sflag:$0x2] =	stream.indirect_vreg.gather [hbm4b:s6+s3], $0x80, v4, vm0, $0xb8;
	[tilespmem:$0x18200] =	vst v63  }
0xc2: {  	_ = 	snop  }
0xc3: {  	[tilespmem:s4], [sflag:$0x2] =	stream.indirect_vreg.gather [hbm4b:s2+s3], $0x80, v3, vm0, $0xb8;
	[tilespmem:$0x18200] =	vst v63  }
0xc4: {  	_ = 	snop  }
0xc5: {  	[tilespmem:s7], [sflag:$0x2] =	stream.indirect_vreg.gather [hbm4b:s5+s3], $0x80, v3, vm0, $0xb8;
	[tilespmem:$0x18200] =	vst v63  }
0xc6: {  	_ = 	snop  }
0xc7: {  	[tilespmem:s13], [sflag:$0x2] =	stream.indirect_vreg.gather [hbm4b:s6+s3], $0x80, v3, vm0, $0xb8;
	[tilespmem:$0x18200] =	vst v63  }
0xc8: {  	s18 =	sadd.s32 s17, s8  }
0xc9: {  	[hbm4b:s18+s3] =	stream.linear.scatter [tilespmem:s11], [sflag:$0x3], $0xC000, $0x38;
	[tilespmem:$0x18200] =	vst v63  }
0xca: {  	p0 =	seq.s32 s17, $0x9000;
	_ =	swait.ge [sflag:s14], $0xC000  }
.Ltmp4:
0xcb: {  	[sflag:s14] =	ssyncset.done $0x0;
	(pc) =	sbr.rel @p0 .LBB2_4-.Ltmp4, $4  }
0xcc: {  	[sflag:s14] =	ssyncadd.s32 $0xFFFF4000  }
0xcd: {  	_ =	swait.ge [sflag:s15], $0xC000  }
0xce: {  	[sflag:s15] =	ssyncset.done $0x0  }
0xcf: {  	[sflag:s15] =	ssyncadd.s32 $0xFFFF4000  }
0xd0: {  	v3 =	vld [tilespmem:s16+$0x20];
	_ =	sdelay $0x4  }
0xd1: {  	v4 =	vshrl.u32 v3, $0x3  }
0xd2: {  	v4 =	vmul.u32 $0x30, v4  }
0xd3: {  	v3 =	vand.u32 $0x7, v3  }
0xd4: {  	v3 =	vor.u32 v3, v4  }
0xd5: {  	v4 =	vperm.xlane v3, v0;
	_ =	sdelay $0x1  }
0xd6: {  	v4 =	vadd.s32 v1, v4;
	_ =	sdelay $0x3  }
0xd7: {  	v3 =	vperm.xlane v3, v2  }
0xd8: {  	[tilespmem:s11], [sflag:$0x1] =	stream.indirect_vreg.gather [hbm4b:s2+s3], $0x80, v4, vm0, $0xb8;
	[tilespmem:$0x18200] =	vst v63  }
0xd9: {  	s18 =	simm.s32 $0xA00;
	v3 =	vadd.s32 v1, v3  }
0xda: {  	[tilespmem:s18], [sflag:$0x1] =	stream.indirect_vreg.gather [hbm4b:s5+s3], $0x80, v4, vm0, $0xb8;
	[tilespmem:$0x18200] =	vst v63  }
0xdb: {  	s18 =	simm.s32 $0x1200  }
0xdc: {  	[tilespmem:s18], [sflag:$0x1] =	stream.indirect_vreg.gather [hbm4b:s6+s3], $0x80, v4, vm0, $0xb8;
	[tilespmem:$0x18200] =	vst v63  }
0xdd: {  	s18 =	simm.s32 $0x1A00  }
0xde: {  	[tilespmem:s18], [sflag:$0x1] =	stream.indirect_vreg.gather [hbm4b:s2+s3], $0x80, v3, vm0, $0xb8;
	[tilespmem:$0x18200] =	vst v63  }
0xdf: {  	s18 =	simm.s32 $0x2200  }
0xe0: {  	[tilespmem:s18], [sflag:$0x1] =	stream.indirect_vreg.gather [hbm4b:s5+s3], $0x80, v3, vm0, $0xb8;
	[tilespmem:$0x18200] =	vst v63  }
0xe1: {  	s18 =	simm.s32 $0x2A00  }
0xe2: {  	[tilespmem:s18], [sflag:$0x1] =	stream.indirect_vreg.gather [hbm4b:s6+s3], $0x80, v3, vm0, $0xb8;
	[tilespmem:$0x18200] =	vst v63  }
0xe3: {  	v3 =	vld [tilespmem:s16+$0x30];
	_ =	sdelay $0x4  }
0xe4: {  	v61 =	vshrl.u32 v3, $0x3  }
0xe5: {  	v4 =	vmul.u32 $0x30, v61  }
0xe6: {  	v3 =	vand.u32 $0x7, v3  }
0xe7: {  	v3 =	vor.u32 v3, v4  }
0xe8: {  	v4 =	vperm.xlane v3, v0;
	_ =	sdelay $0x1  }
0xe9: {  	v4 =	vadd.s32 v1, v4;
	_ =	sdelay $0x3  }
0xea: {  	s18 =	simm.s32 $0x3200;
	v3 =	vperm.xlane v3, v2  }
0xeb: {  	[tilespmem:s18], [sflag:$0x1] =	stream.indirect_vreg.gather [hbm4b:s2+s3], $0x80, v4, vm0, $0xb8;
	[tilespmem:$0x18200] =	vst v63  }
0xec: {  	v3 =	vadd.s32 v1, v3;
	s18 =	simm.s32 $0x3A00  }
0xed: {  	[tilespmem:s18], [sflag:$0x1] =	stream.indirect_vreg.gather [hbm4b:s5+s3], $0x80, v4, vm0, $0xb8;
	[tilespmem:$0x18200] =	vst v63  }
0xee: {  	s18 =	simm.s32 $0x4200  }
0xef: {  	[tilespmem:s18], [sflag:$0x1] =	stream.indirect_vreg.gather [hbm4b:s6+s3], $0x80, v4, vm0, $0xb8;
	[tilespmem:$0x18200] =	vst v63  }
0xf0: {  	s18 =	simm.s32 $0x4A00  }
0xf1: {  	[tilespmem:s18], [sflag:$0x1] =	stream.indirect_vreg.gather [hbm4b:s2+s3], $0x80, v3, vm0, $0xb8;
	[tilespmem:$0x18200] =	vst v63  }
0xf2: {  	s18 =	simm.s32 $0x5200  }
0xf3: {  	[tilespmem:s18], [sflag:$0x1] =	stream.indirect_vreg.gather [hbm4b:s5+s3], $0x80, v3, vm0, $0xb8;
	[tilespmem:$0x18200] =	vst v63  }
0xf4: {  	s18 =	simm.s32 $0x5A00  }
0xf5: {  	[tilespmem:s18], [sflag:$0x1] =	stream.indirect_vreg.gather [hbm4b:s6+s3], $0x80, v3, vm0, $0xb8;
	[tilespmem:$0x18200] =	vst v63  }
0xf6: {  	v3 =	vld [tilespmem:s16+$0x40];
	_ =	sdelay $0x4  }
0xf7: {  	v62 =	vshrl.u32 v3, $0x3  }
0xf8: {  	v4 =	vmul.u32 $0x30, v62  }
0xf9: {  	v3 =	vand.u32 $0x7, v3  }
0xfa: {  	v3 =	vor.u32 v3, v4  }
0xfb: {  	v4 =	vperm.xlane v3, v0;
	_ =	sdelay $0x1  }
0xfc: {  	v4 =	vadd.s32 v1, v4;
	_ =	sdelay $0x3  }
0xfd: {  	s18 =	simm.s32 $0x6200;
	v3 =	vperm.xlane v3, v2  }
0xfe: {  	[tilespmem:s18], [sflag:$0x1] =	stream.indirect_vreg.gather [hbm4b:s2+s3], $0x80, v4, vm0, $0xb8;
	[tilespmem:$0x18200] =	vst v63  }
0xff: {  	v3 =	vadd.s32 v1, v3;
	s18 =	simm.s32 $0x6A00  }
0x100: {  	[tilespmem:s18], [sflag:$0x1] =	stream.indirect_vreg.gather [hbm4b:s5+s3], $0x80, v4, vm0, $0xb8;
	[tilespmem:$0x18200] =	vst v63  }
0x101: {  	s18 =	simm.s32 $0x7200  }
0x102: {  	[tilespmem:s18], [sflag:$0x1] =	stream.indirect_vreg.gather [hbm4b:s6+s3], $0x80, v4, vm0, $0xb8;
	[tilespmem:$0x18200] =	vst v63  }
0x103: {  	s18 =	simm.s32 $0x7A00  }
0x104: {  	[tilespmem:s18], [sflag:$0x1] =	stream.indirect_vreg.gather [hbm4b:s2+s3], $0x80, v3, vm0, $0xb8;
	[tilespmem:$0x18200] =	vst v63  }
0x105: {  	s18 =	simm.s32 $0x8200  }
0x106: {  	[tilespmem:s18], [sflag:$0x1] =	stream.indirect_vreg.gather [hbm4b:s5+s3], $0x80, v3, vm0, $0xb8;
	[tilespmem:$0x18200] =	vst v63  }
0x107: {  	s18 =	simm.s32 $0x8A00  }
0x108: {  	[tilespmem:s18], [sflag:$0x1] =	stream.indirect_vreg.gather [hbm4b:s6+s3], $0x80, v3, vm0, $0xb8;
	[tilespmem:$0x18200] =	vst v63  }
0x109: {  	v3 =	vld [tilespmem:s16+$0x50];
	_ =	sdelay $0x4  }
0x10a: {  	v63 =	vshrl.u32 v3, $0x3  }
0x10b: {  	v4 =	vmul.u32 $0x30, v63  }
0x10c: {  	v3 =	vand.u32 $0x7, v3  }
0x10d: {  	v3 =	vor.u32 v3, v4  }
0x10e: {  	v4 =	vperm.xlane v3, v0;
	_ =	sdelay $0x1  }
0x10f: {  	v4 =	vadd.s32 v1, v4;
	_ =	sdelay $0x3  }
0x110: {  	s18 =	simm.s32 $0x9200;
	v3 =	vperm.xlane v3, v2  }
0x111: {  	[tilespmem:s18], [sflag:$0x1] =	stream.indirect_vreg.gather [hbm4b:s2+s3], $0x80, v4, vm0, $0xb8;
	[tilespmem:$0x18200] =	vst v63  }
0x112: {  	v3 =	vadd.s32 v1, v3;
	s18 =	simm.s32 $0x9A00  }
0x113: {  	[tilespmem:s18], [sflag:$0x1] =	stream.indirect_vreg.gather [hbm4b:s5+s3], $0x80, v4, vm0, $0xb8;
	[tilespmem:$0x18200] =	vst v63  }
0x114: {  	s18 =	simm.s32 $0xA200  }
0x115: {  	[tilespmem:s18], [sflag:$0x1] =	stream.indirect_vreg.gather [hbm4b:s6+s3], $0x80, v4, vm0, $0xb8;
	[tilespmem:$0x18200] =	vst v63  }
0x116: {  	s18 =	simm.s32 $0xAA00  }
0x117: {  	[tilespmem:s18], [sflag:$0x1] =	stream.indirect_vreg.gather [hbm4b:s2+s3], $0x80, v3, vm0, $0xb8;
	[tilespmem:$0x18200] =	vst v63  }
.Ltmp5:
0x118: {  	_ = 	snop;
	(pc) =	sbr.rel .LBB2_4-.Ltmp5, $4  }
0x119: {  	s18 =	simm.s32 $0xB200  }
0x11a: {  	[tilespmem:s18], [sflag:$0x1] =	stream.indirect_vreg.gather [hbm4b:s5+s3], $0x80, v3, vm0, $0xb8;
	[tilespmem:$0x18200] =	vst v63  }
0x11b: {  	s18 =	simm.s32 $0xBA00  }
0x11c: {  	[tilespmem:s18], [sflag:$0x1] =	stream.indirect_vreg.gather [hbm4b:s6+s3], $0x80, v3, vm0, $0xb8;
	[tilespmem:$0x18200] =	vst v63  }
.LBB2_6:
0x11d: {  	_ =	sfence.sel $0x180000  }
0x11e: {  	[bflag:$0x0] =	sbarrier.arrive $0xFFFF  }
0x11f: {  	_ =	strace $0x9000004A  }
0x120: {  	s0 =	stileid.u32;
	[bflag:$0x2] =	sbarrier.arrive $0xFFFF  }
0x121: {  	p0 =	sne.s32 s0, $0x0;
	s0 =	rddreg [dreg:$0x2]  }
0x122: {  	s0 =	sadd.s32 @!p0 $0x100000, s0  }
0x123: {  	[sflag:s0] =	ssyncadd.tile.s32 @!p0 $0x1;
	_ =	shalt  }
.Lfunc_end2:
_tile_overlayer_lowered:
.L_overlay_start_2:
0x124: {  	(tag) =	ssettag $0x2  }
0x125: {  	s0 =	rddreg [dreg:$0x0];
	s2 =	stileid.u32  }
0x126: {  	s1 =	rddreg [dreg:$0x1];
	p0 =	sne.s32 s2, $0x0  }
0x127: {  	s3 =	rddreg [dreg:$0x2];
	[bflag:$0x3] =	sbarrier.arrive $0xFFFF;
	s2 =	simm.s32 @!p0 $0x1C05  }
0x128: {  	[timem:s3], [sflag:s2] =	dma.local @!p0 [hbm:s0], s1  }
0x129: {  	s0 =	simm.s32 @!p0 $0x5  }
0x12a: {  	_ =	swait.ge @!p0 [sflag:s0], s1  }
0x12b: {  	s1 =	ssub.s32 @!p0 $0x0, s1;
	[sflag:s0] =	ssyncset.done @!p0 $0x0  }
0x12c: {  	[sflag:s0] =	ssyncadd.s32 @!p0 s1  }
0x12d: {  	[bflag:$0x3] =	sbarrier.arrive $0xFFFF  }
0x12e: {  	_ =	shalt  }

// kernel: kernel.20.cloned.1.call-start
scs
__scs_entry_jumppad:
0x0: {  	(pc) =	sbr.rel $0x88, $3  }
0x1: {  	(tag) =	ssettag $0x0;
	lr =	simm.s32 $0x1  }
0x2: {  	[smem:$0x3F97] =	sst lr;
	_ =	strace $0xD0000000  }
0x3: {  	_ = 	snop  }
0x4: {  	_ = 	snop  }
0x5: {  	_ = 	snop  }
0x6: {  	_ = 	snop  }
0x7: {  	_ = 	snop  }
__scs_overlays_trampoline_lowered:
0x8: {  	[smem:$0x3FA6] =	sst s0  }
0x9: {  	[smem:$0x3FA7] =	sst s1  }
0xa: {  	[smem:$0x3FA8] =	sst s2  }
0xb: {  	[smem:$0x3FA9] =	sst s3  }
0xc: {  	[smem:$0x3FAA] =	sst s4  }
0xd: {  	[smem:$0x3FAB] =	sst s5  }
0xe: {  	[smem:$0x3FAC] =	sst s6  }
0xf: {  	[smem:$0x3FAD] =	sst s7  }
0x10: {  	[smem:$0x3FAE] =	sst s8  }
0x11: {  	[smem:$0x3FAF] =	sst s9;
	s0 =	simm.s32 @!p0 $0x0  }
0x12: {  	s1 =	sld [smem:$0x3F95];
	s0 =	simm.s32 @p0 $0x1  }
0x13: {  	[smem:$0x3FB0] =	sst s0;
	s0 =	simm.s32 @!p1 $0x0  }
0x14: {  	s2 =	sld [smem:$0x3F94];
	s0 =	simm.s32 @p1 $0x1  }
0x15: {  	[smem:$0x3FB1] =	sst s0;
	s0 =	simm.s32 @!p2 $0x0  }
0x16: {  	s3 =	sld [smem:$0x3FDB];
	s0 =	simm.s32 @p2 $0x1  }
0x17: {  	s4 =	simm.s32 $0x1BF5;
	[smem:$0x3FB3] =	sst s0  }
0x18: {  	s0 =	sld [smem:$0x3F96];
	_ =	swait.ge [sflag:s4], $0x0  }
0x19: {  	s7 =	sld [smem:$0x3F97]  }
0x1a: {  	s8 =	sadd.s32 $0xFFFFE003, lr  }
0x1b: {  	s9 =	sadd.s32 $0xFFFFFEF7, lr;
	s5 =	simm.s32 $0xFFFFFFFF;
	p2 =	slt.u32 s8, $0xFFFFF086  }
0x1c: {  	p1 =	slt.u32 s9, $0xF7A;
	s5 =	simm.s32 @!p2 $0x0  }
0x1d: {  	s5 =	simm.s32 @p1 $0x1;
	p0 =	seq.s32 s7, s2  }
0x1e: {  	s7 =	smul.u32 @!p0 $0xF7A, s2;
	p2 =	seq.s32 @!p0 s5, $0x0  }
0x1f: {  	s9 =	smul.u32 $0xF7A, s1;
	s8 =	simm.s32 @!p0 $0x1BF5;
	p2 =	por !p2, p0  }
0x20: {  	[sflag:s8] =	ssyncset.s32 @!p0 $0xFFFFF086;
	s6 =	sadd.s32 @!p0 s3, s7;
	s7 =	simm.s32 @!p0 $0x108  }
0x21: {  	s3 =	sadd.s32 s3, s9;
	s6 =	sadd.s32 @!p0 $0x88, s6;
	s7 =	simm.s32 @p2 $0x1082  }
0x22: {  	[simem:s7], [sflag:s8] =	dma.local @!p0 [hbm:s6], $0xF7A  }
0x23: {  	s9 =	sor.u32 $0xD0000000, s2;
	s6 =	simm.s32 $0x108;
	_ =	swait.ge @!p0 [sflag:s8], $0x0  }
0x24: {  	s3 =	sadd.s32 $0x88, s3;
	s6 =	simm.s32 @!p1 $0x1082;
	[sflag:s4] =	ssyncset.s32 $0xFFFFF086  }
0x25: {  	[simem:s6], [sflag:s4] =	dma.local [hbm:s3], $0xF7A  }
0x26: {  	[smem:$0x3F97] =	sst s1;
	(tag) =	ssettag s2;
	_ =	strace s9  }
0x27: {  	s1 =	sld [smem:$0x3FA7]  }
0x28: {  	s2 =	sld [smem:$0x3FA8]  }
0x29: {  	s4 =	sld [smem:$0x3FAA]  }
0x2a: {  	p0 =	seq.s32 s5, $0x0;
	s5 =	sld [smem:$0x3FAB]  }
0x2b: {  	s6 =	sld [smem:$0x3FAC]  }
0x2c: {  	s7 =	sld [smem:$0x3FAD]  }
0x2d: {  	s3 =	simm.s32 $0x108;
	s8 =	sld [smem:$0x3FAE]  }
0x2e: {  	s3 =	simm.s32 @!p0 $0x1082;
	s9 =	sld [smem:$0x3FAF]  }
0x2f: {  	lr =	sadd.s32 s0, s3;
	s0 =	sld [smem:$0x3FA6]  }
0x30: {  	s3 =	sld [smem:$0x3FA9]  }
0x31: {  	[smem:$0x3FB2] =	sst s10  }
0x32: {  	s10 =	sld [smem:$0x3FB0];
	_ =	sdelay $0x3  }
0x33: {  	p0 =	seq.s32 s10, $0x1;
	s10 =	sld [smem:$0x3FB2];
	_ =	sdelay $0x3  }
0x34: {  	[smem:$0x3FB2] =	sst s10  }
0x35: {  	s10 =	sld [smem:$0x3FB1];
	_ =	sdelay $0x3  }
0x36: {  	p1 =	seq.s32 s10, $0x1;
	s10 =	sld [smem:$0x3FB2];
	_ =	sdelay $0x3  }
0x37: {  	[smem:$0x3FB2] =	sst s10  }
0x38: {  	s10 =	sld [smem:$0x3FB3]  }
0x39: {  	_ = 	snop;
	(pc) =	sbr.ind lr, $3  }
0x3a: {  	_ = 	snop  }
0x3b: {  	_ = 	snop  }
0x3c: {  	p2 =	seq.s32 s10, $0x1;
	s10 =	sld [smem:$0x3FB2]  }
0x3d: {  	_ =	shalt  }
0x3e: {  	_ =	shalt  }
0x3f: {  	_ =	shalt  }
0x40: {  	_ =	shalt  }
0x41: {  	_ =	shalt  }
0x42: {  	_ =	shalt  }
0x43: {  	_ =	shalt  }
0x44: {  	_ =	shalt  }
0x45: {  	_ =	shalt  }
0x46: {  	_ =	shalt  }
0x47: {  	_ =	shalt  }
0x48: {  	_ =	shalt  }
0x49: {  	_ =	shalt  }
0x4a: {  	_ =	shalt  }
0x4b: {  	_ =	shalt  }
0x4c: {  	_ =	shalt  }
0x4d: {  	_ =	shalt  }
0x4e: {  	_ =	shalt  }
0x4f: {  	_ =	shalt  }
0x50: {  	_ =	shalt  }
0x51: {  	_ =	shalt  }
0x52: {  	_ =	shalt  }
0x53: {  	_ =	shalt  }
0x54: {  	_ =	shalt  }
0x55: {  	_ =	shalt  }
0x56: {  	_ =	shalt  }
0x57: {  	_ =	shalt  }
0x58: {  	_ =	shalt  }
0x59: {  	_ =	shalt  }
0x5a: {  	_ =	shalt  }
0x5b: {  	_ =	shalt  }
0x5c: {  	_ =	shalt  }
0x5d: {  	_ =	shalt  }
0x5e: {  	_ =	shalt  }
0x5f: {  	_ =	shalt  }
0x60: {  	_ =	shalt  }
0x61: {  	_ =	shalt  }
0x62: {  	_ =	shalt  }
0x63: {  	_ =	shalt  }
0x64: {  	_ =	shalt  }
0x65: {  	_ =	shalt  }
0x66: {  	_ =	shalt  }
0x67: {  	_ =	shalt  }
0x68: {  	_ =	shalt  }
0x69: {  	_ =	shalt  }
0x6a: {  	_ =	shalt  }
0x6b: {  	_ =	shalt  }
0x6c: {  	_ =	shalt  }
0x6d: {  	_ =	shalt  }
0x6e: {  	_ =	shalt  }
0x6f: {  	_ =	shalt  }
0x70: {  	_ =	shalt  }
0x71: {  	_ =	shalt  }
0x72: {  	_ =	shalt  }
0x73: {  	_ =	shalt  }
0x74: {  	_ =	shalt  }
0x75: {  	_ =	shalt  }
0x76: {  	_ =	shalt  }
0x77: {  	_ =	shalt  }
0x78: {  	_ =	shalt  }
0x79: {  	_ =	shalt  }
0x7a: {  	_ =	shalt  }
0x7b: {  	_ =	shalt  }
0x7c: {  	_ =	shalt  }
0x7d: {  	_ =	shalt  }
0x7e: {  	_ =	shalt  }
0x7f: {  	_ =	shalt  }
0x80: {  	_ =	shalt  }
0x81: {  	_ =	shalt  }
0x82: {  	_ =	shalt  }
0x83: {  	_ =	shalt  }
0x84: {  	_ =	shalt  }
0x85: {  	_ =	shalt  }
0x86: {  	_ =	shalt  }
0x87: {  	_ =	shalt  }
.Lfunc_end0:
.L_simem_size_0:
called_computation.3_lowered:
.L_overlay_start_0:
0x88: {  	s2 =	sld [smem:$0x3FD9]  }
0x89: {  	s3 =	sld [smem:$0x3FFE];
	_ =	sdelay $0x1  }
0x8a: {  	s1 =	srdreg.scid  }
0x8b: {  	s0 =	sand.u32 $0x1, s1  }
0x8c: {  	s17 =	sshll.u32 s0, $0xA;
	s2 =	sadd.s32 s3, s2  }
0x8d: {  	s2 =	sadd.s32 s2, s17  }
0x8e: {  	[smem:$0x3FBE] =	sst s2  }
0x8f: {  	_ = 	snop  }
0x90: {  	s2 =	sld [smem:$0x3FD0];
	(tm) =	ssettm $0x1  }
0x91: {  	s18 =	sld [smem:$0x3FFB];
	_ =	sdelay $0x3  }
0x92: {  	_ =	strace s18  }
0x93: {  	s3 =	sld [smem:$0x3FFC];
	_ =	sdelay $0x3  }
0x94: {  	_ =	strace s3  }
0x95: {  	s3 =	sld [smem:$0x3FFD];
	_ =	sdelay $0x3  }
0x96: {  	_ =	strace s3  }
0x97: {  	_ =	strace $0x8FFFFFFF  }
0x98: {  	s19 =	sld [smem:$0x3FDB];
	_ =	sdelay $0x1  }
0x99: {  	s4 =	simm.s32 $_scs_section_size  }
0x9a: {  	s5 =	simm.s32 $_size__tile_overlayer_lowered;
	s6 =	simm.s32 $_tile_overlayer_lowered  }
0x9b: {  	s22 =	simm.s32 $0x1BFF;
	s21 =	sshll.u32 s6, $0x1;
	s3 =	sadd.s32 s4, s19  }
0x9c: {  	s7 =	simm.s32 $0x0;
	s20 =	sshll.u32 s5, $0x1;
	s5 =	sadd.s32 s21, s3  }
0x9d: {  	[timem:s7], [sflag:s22] =	dma.local [hbm:s5], s20  }
0x9e: {  	_ =	swait.ge [sflag:s22], s20  }
0x9f: {  	s4 =	ssub.s32 $0x0, s20;
	[sflag:s22] =	ssyncset.done $0x0  }
0xa0: {  	[sflag:s22] =	ssyncadd.s32 s4;
	_ =	sdelay $0x1  }
0xa1: {  	s23 =	simm.s32 $0x1B8B  }
0xa2: {  	_ =	swait.ge [sflag:s23], $0x1  }
0xa3: {  	[sflag:s23] =	ssyncset.done $0x0  }
0xa4: {  	s25 =	simm.s32 $0x1B8E;
	s24 =	sld [smem:$0x3FFE];
	[sflag:s23] =	ssyncadd.s32 $0xFFFFFFFF  }
0xa5: {  	s26 =	simm.s32 $execute0_lowered;
	[smem:$0x3FD2] =	sst s25  }
0xa6: {  	s5 =	sshll.u32 s26, $0x1;
	_ =	strace $0x80000046;
	[dreg:$0x1] =	wrdreg $0xFFFFFFFF  }
0xa7: {  	s28 =	simm.s32 $_size_execute0_lowered;
	s3 =	sadd.s32 s3, s5;
	[dreg:$0x0] =	wrdreg $0x0  }
0xa8: {  	s5 =	sshll.u32 s28, $0x1;
	[dreg:$0x2] =	wrdreg s3  }
0xa9: {  	[dreg:$0x3] =	wrdreg s5  }
0xaa: {  	[dreg:$0x4] =	wrdreg $0xC0  }
0xab: {  	_ =	task [dreg:s7], $0x5FFFF  }
0xac: {  	[dreg:$0x1] =	wrdreg $0xFFFFFFFF  }
0xad: {  	[dreg:$0x0] =	wrdreg $0x60  }
0xae: {  	[dreg:$0x2] =	wrdreg s2  }
0xaf: {  	[dreg:$0x3] =	wrdreg s24  }
0xb0: {  	[dreg:$0x4] =	wrdreg $0xC  }
0xb1: {  	_ =	task.clear_ibuf [dreg:s7], $0x5FFFF;
	_ =	strace $0x90000046  }
0xb2: {  	s29 =	simm.s32 $0xC;
	_ =	strace $0x80000048  }
0xb3: {  	_ =	swait.ge [sflag:s29], $0x1  }
0xb4: {  	[sflag:s29] =	ssyncadd.s32 $0xFFFFFFFF  }
0xb5: {  	_ =	strace $0x90000048  }
0xb6: {  	_ =	sfence  }
0xb7: {  	s30 =	sld [smem:$0x0];
	_ =	sdelay $0x2  }
0xb8: {  	s31 =	sshll.u32 s1, $0xD;
	s1 =	sshrl.u32 s1, $0x2  }
0xb9: {  	s3 =	sand.u32 $0x4000, s31;
	s1 =	sadd.s32 s1, s30  }
0xba: {  	s0 =	sor.u32 s3, s0;
	s1 =	sshll.u32 s1, $0x11  }
0xbb: {  	s0 =	sor.u32 s1, s0  }
0xbc: {  	s0 =	sadd.s32 $0x8F2B, s0  }
0xbd: {  	[sflag:s0] =	ssyncadd.remote.s32 $0x1  }
0xbe: {  	_ =	sfence.sel $0xFFFF  }
0xbf: {  	[dreg:$0x0] =	wrdreg $0xFFFFFFFF;
	(pc) =	sbr.abs _section_cstart, $3  }
0xc0: {  	[dreg:$0x1] =	wrdreg $0xFFFFFFFF  }
0xc1: {  	_ =	task.clear_ibuf [dreg:s7], $0x2FFFF;
	_ =	strace $0x9FFFFFFF  }
0xc2: {  	(tm) =	ssettm $0x7FFFFFFF  }
0xc3: {  	_ =	shalt  }
tec
execute0_lowered:
.L_overlay_start_1:
0x0: {  	(tag) =	ssettag $0x1  }
0x1: {  	s2 =	rddreg [dreg:$0x0]  }
0x2: {  	s0 =	rddreg [dreg:$0x1]  }
0x3: {  	s1 =	srdreg.scid;
	s4 =	stileid.u32;
	s3 =	simm.s32 $0x0  }
0x4: {  	s11 =	simm.s32 $0x200;
	s10 =	simm.s32 $0x1;
	s12 =	simm.s32 $0xC200  }
0x5: {  	s19 =	simm.s32 $0xFA00;
	s20 =	simm.s32 $0x10200;
	s21 =	simm.s32 $0x10A00  }
0x6: {  	s22 =	simm.s32 $0x11200;
	s23 =	simm.s32 $0x11A00;
	s24 =	simm.s32 $0x12200  }
0x7: {  	s25 =	simm.s32 $0x12A00;
	s28 =	simm.s32 $0x13A00;
	s29 =	simm.s32 $0x14200  }
0x8: {  	s30 =	simm.s32 $0x14A00;
	s31 =	simm.s32 $0x15200;
	s13 =	simm.s32 $0x17A00  }
0x9: {  	s14 =	simm.s32 $0x2;
	s15 =	simm.s32 $0x3;
	s1 =	sand.u32 $0x1, s1  }
0xa: {  	s18 =	simm.s32 $0x0;
	s4 =	sshll.u32 s4, $0xA;
	s5 =	sshll.u32 s1, $0x9  }
0xb: {  	[smem:$0x7FF] =	sst s3;
	s1 =	ssub.s32 $0x2, s1;
	s4 =	sor.u32 s5, s4  }
0xc: {  	_ =	strace $0x80000047;
	s7 =	sshrl.u32 s1, $0x1;
	s5 =	sshrl.u32 s4, $0x3  }
0xd: {  	s4 =	sor.u32 $0x40, s4;
	s1 =	ssub.s32 s1, s7;
	s7 =	simm.s32 $0x17200  }
0xe: {  	s6 =	sadd.s32 s5, s0;
	s8 =	smul.u32 $0x300, s5;
	s4 =	sshrl.u32 s4, $0x3  }
.Ltmp0:
0xf: {  	s0 =	sadd.s32 $0x5C00, s0;
	s5 =	sadd.s32 $0x100, s2;
	(pc) =	sbr.rel .LBB2_1-.Ltmp0, $4  }
0x10: {  	s1 =	smax.u32 s1, $0x1;
	s4 =	smul.u32 $0x300, s4;
	s26 =	sadd.s32 $0x4400, s6  }
0x11: {  	v2 =	vlaneseq.u32;
	s6 =	sadd.s32 $0x200, s2;
	[dreg:$0x4] =	wrdreg s1;
	s1 =	simm.s32 $0x16200  }
0x12: {  	vm0 =	vmmov $0xffff;
	v1 =	vshrl.u32 v2, $0x3;
	[dreg:$0x3] =	wrdreg s26;
	s8 =	sadd.s32 s8, s0;
	s26 =	simm.s32 $0x13200  }
0x13: {  	v0 =	vand.u32 $0x7, v2;
	v2 =	vor.u32 $0x8, v2;
	v1 =	vmul.u32 $0x8, v1;
	s9 =	sadd.s32 s4, s0;
	s0 =	simm.s32 $0x15A00;
	s4 =	simm.s32 $0x16A00  }
.LBB2_5:
0x14: {  	s17 =	simm.s32 $0x4  }
0x15: {  	_ =	swait.ge [sflag:s17], $0xC000  }
0x16: {  	s18 =	rddreg [dreg:$0x5]  }
0x17: {  	s16 =	rddreg [dreg:$0x4];
	s18 =	sadd.s32 $0x1, s18  }
0x18: {  	p0 =	sne.s32 s18, s16  }
.Ltmp1:
0x19: {  	_ = 	snop;
	(pc) =	sbr.rel @!p0 .LBB2_6-.Ltmp1, $3  }
0x1a: {  	_ =	sdelay $0x1  }
0x1b: {  	[sflag:s17] =	ssyncset.done $0x0  }
0x1c: {  	[sflag:s17] =	ssyncadd.s32 $0xFFFF4000  }
.LBB2_1:
0x1d: {  	[dreg:$0x5] =	wrdreg s18  }
0x1e: {  	s16 =	rddreg [dreg:$0x3];
	s17 =	simm.s32 $0x5  }
0x1f: {  	[tilespmem:s3], [sflag:$0x5] =	stream.linear.gather [hbm4b:s16+s3], $0x200, $0x38;
	[tilespmem:$0x18200] =	vst v63  }
0x20: {  	_ =	swait.ge [sflag:s17], $0x200  }
0x21: {  	[sflag:s17] =	ssyncset.done $0x0  }
0x22: {  	[sflag:s17] =	ssyncadd.s32 $0xFFFFFE00  }
0x23: {  	v3 =	vld [tilespmem:$0x0];
	_ =	sdelay $0x4  }
0x24: {  	v4 =	vshrl.u32 v3, $0x3  }
0x25: {  	v4 =	vmul.u32 $0x30, v4  }
0x26: {  	v3 =	vand.u32 $0x7, v3  }
0x27: {  	v3 =	vor.u32 v3, v4  }
0x28: {  	v4 =	vperm.xlane v3, v0;
	_ =	sdelay $0x1  }
0x29: {  	v4 =	vadd.s32 v1, v4;
	_ =	sdelay $0x3  }
0x2a: {  	v3 =	vperm.xlane v3, v2  }
0x2b: {  	[tilespmem:s11], [sflag:$0x1] =	stream.indirect_vreg.gather [hbm4b:s2+s3], $0x80, v4, vm0, $0xb8;
	[tilespmem:$0x18200] =	vst v63  }
0x2c: {  	s18 =	simm.s32 $0xA00;
	v3 =	vadd.s32 v1, v3  }
0x2d: {  	[tilespmem:s18], [sflag:$0x1] =	stream.indirect_vreg.gather [hbm4b:s5+s3], $0x80, v4, vm0, $0xb8;
	[tilespmem:$0x18200] =	vst v63  }
0x2e: {  	s17 =	simm.s32 $0x1200  }
0x2f: {  	[tilespmem:s17], [sflag:$0x1] =	stream.indirect_vreg.gather [hbm4b:s6+s3], $0x80, v4, vm0, $0xb8;
	[tilespmem:$0x18200] =	vst v63  }
0x30: {  	s18 =	simm.s32 $0x1A00  }
0x31: {  	[tilespmem:s18], [sflag:$0x1] =	stream.indirect_vreg.gather [hbm4b:s2+s3], $0x80, v3, vm0, $0xb8;
	[tilespmem:$0x18200] =	vst v63  }
0x32: {  	s17 =	simm.s32 $0x2200  }
0x33: {  	[tilespmem:s17], [sflag:$0x1] =	stream.indirect_vreg.gather [hbm4b:s5+s3], $0x80, v3, vm0, $0xb8;
	[tilespmem:$0x18200] =	vst v63  }
0x34: {  	s18 =	simm.s32 $0x2A00  }
0x35: {  	[tilespmem:s18], [sflag:$0x1] =	stream.indirect_vreg.gather [hbm4b:s6+s3], $0x80, v3, vm0, $0xb8;
	[tilespmem:$0x18200] =	vst v63  }
0x36: {  	v3 =	vld [tilespmem:$0x10];
	_ =	sdelay $0x4  }
0x37: {  	v61 =	vshrl.u32 v3, $0x3  }
0x38: {  	v4 =	vmul.u32 $0x30, v61  }
0x39: {  	v3 =	vand.u32 $0x7, v3  }
0x3a: {  	v3 =	vor.u32 v3, v4  }
0x3b: {  	v4 =	vperm.xlane v3, v0;
	_ =	sdelay $0x1  }
0x3c: {  	v4 =	vadd.s32 v1, v4;
	_ =	sdelay $0x3  }
0x3d: {  	s17 =	simm.s32 $0x3200;
	v3 =	vperm.xlane v3, v2  }
0x3e: {  	[tilespmem:s17], [sflag:$0x1] =	stream.indirect_vreg.gather [hbm4b:s2+s3], $0x80, v4, vm0, $0xb8;
	[tilespmem:$0x18200] =	vst v63  }
0x3f: {  	s18 =	simm.s32 $0x3A00;
	v3 =	vadd.s32 v1, v3  }
0x40: {  	[tilespmem:s18], [sflag:$0x1] =	stream.indirect_vreg.gather [hbm4b:s5+s3], $0x80, v4, vm0, $0xb8;
	[tilespmem:$0x18200] =	vst v63  }
0x41: {  	s17 =	simm.s32 $0x4200  }
0x42: {  	[tilespmem:s17], [sflag:$0x1] =	stream.indirect_vreg.gather [hbm4b:s6+s3], $0x80, v4, vm0, $0xb8;
	[tilespmem:$0x18200] =	vst v63  }
0x43: {  	s18 =	simm.s32 $0x4A00  }
0x44: {  	[tilespmem:s18], [sflag:$0x1] =	stream.indirect_vreg.gather [hbm4b:s2+s3], $0x80, v3, vm0, $0xb8;
	[tilespmem:$0x18200] =	vst v63  }
0x45: {  	s17 =	simm.s32 $0x5200  }
0x46: {  	[tilespmem:s17], [sflag:$0x1] =	stream.indirect_vreg.gather [hbm4b:s5+s3], $0x80, v3, vm0, $0xb8;
	[tilespmem:$0x18200] =	vst v63  }
0x47: {  	s18 =	simm.s32 $0x5A00  }
0x48: {  	[tilespmem:s18], [sflag:$0x1] =	stream.indirect_vreg.gather [hbm4b:s6+s3], $0x80, v3, vm0, $0xb8;
	[tilespmem:$0x18200] =	vst v63  }
0x49: {  	v3 =	vld [tilespmem:$0x20];
	_ =	sdelay $0x4  }
0x4a: {  	v62 =	vshrl.u32 v3, $0x3  }
0x4b: {  	v4 =	vmul.u32 $0x30, v62  }
0x4c: {  	v3 =	vand.u32 $0x7, v3  }
0x4d: {  	v3 =	vor.u32 v3, v4  }
0x4e: {  	v4 =	vperm.xlane v3, v0;
	_ =	sdelay $0x1  }
0x4f: {  	v4 =	vadd.s32 v1, v4;
	_ =	sdelay $0x3  }
0x50: {  	s17 =	simm.s32 $0x6200;
	v3 =	vperm.xlane v3, v2  }
0x51: {  	[tilespmem:s17], [sflag:$0x1] =	stream.indirect_vreg.gather [hbm4b:s2+s3], $0x80, v4, vm0, $0xb8;
	[tilespmem:$0x18200] =	vst v63  }
0x52: {  	s18 =	simm.s32 $0x6A00;
	v3 =	vadd.s32 v1, v3  }
0x53: {  	[tilespmem:s18], [sflag:$0x1] =	stream.indirect_vreg.gather [hbm4b:s5+s3], $0x80, v4, vm0, $0xb8;
	[tilespmem:$0x18200] =	vst v63  }
0x54: {  	s17 =	simm.s32 $0x7200  }
0x55: {  	[tilespmem:s17], [sflag:$0x1] =	stream.indirect_vreg.gather [hbm4b:s6+s3], $0x80, v4, vm0, $0xb8;
	[tilespmem:$0x18200] =	vst v63  }
0x56: {  	s18 =	simm.s32 $0x7A00  }
0x57: {  	[tilespmem:s18], [sflag:$0x1] =	stream.indirect_vreg.gather [hbm4b:s2+s3], $0x80, v3, vm0, $0xb8;
	[tilespmem:$0x18200] =	vst v63  }
0x58: {  	s17 =	simm.s32 $0x8200  }
0x59: {  	[tilespmem:s17], [sflag:$0x1] =	stream.indirect_vreg.gather [hbm4b:s5+s3], $0x80, v3, vm0, $0xb8;
	[tilespmem:$0x18200] =	vst v63  }
0x5a: {  	s18 =	simm.s32 $0x8A00  }
0x5b: {  	[tilespmem:s18], [sflag:$0x1] =	stream.indirect_vreg.gather [hbm4b:s6+s3], $0x80, v3, vm0, $0xb8;
	[tilespmem:$0x18200] =	vst v63  }
0x5c: {  	v3 =	vld [tilespmem:$0x30];
	_ =	sdelay $0x4  }
0x5d: {  	v63 =	vshrl.u32 v3, $0x3  }
0x5e: {  	v4 =	vmul.u32 $0x30, v63  }
0x5f: {  	v3 =	vand.u32 $0x7, v3  }
0x60: {  	v3 =	vor.u32 v3, v4  }
0x61: {  	v4 =	vperm.xlane v3, v0;
	_ =	sdelay $0x1  }
0x62: {  	v4 =	vadd.s32 v1, v4;
	_ =	sdelay $0x3  }
0x63: {  	s17 =	simm.s32 $0x9200;
	v3 =	vperm.xlane v3, v2  }
0x64: {  	[tilespmem:s17], [sflag:$0x1] =	stream.indirect_vreg.gather [hbm4b:s2+s3], $0x80, v4, vm0, $0xb8;
	[tilespmem:$0x18200] =	vst v63  }
0x65: {  	s18 =	simm.s32 $0x9A00;
	v3 =	vadd.s32 v1, v3  }
0x66: {  	[tilespmem:s18], [sflag:$0x1] =	stream.indirect_vreg.gather [hbm4b:s5+s3], $0x80, v4, vm0, $0xb8;
	[tilespmem:$0x18200] =	vst v63  }
0x67: {  	s17 =	simm.s32 $0xA200  }
0x68: {  	[tilespmem:s17], [sflag:$0x1] =	stream.indirect_vreg.gather [hbm4b:s6+s3], $0x80, v4, vm0, $0xb8;
	[tilespmem:$0x18200] =	vst v63  }
0x69: {  	s18 =	simm.s32 $0xAA00  }
0x6a: {  	[tilespmem:s18], [sflag:$0x1] =	stream.indirect_vreg.gather [hbm4b:s2+s3], $0x80, v3, vm0, $0xb8;
	[tilespmem:$0x18200] =	vst v63  }
.Ltmp2:
0x6b: {  	_ = 	snop;
	(pc) =	sbr.rel .LBB2_2-.Ltmp2, $4  }
0x6c: {  	s17 =	simm.s32 $0xB200  }
0x6d: {  	[tilespmem:s17], [sflag:$0x1] =	stream.indirect_vreg.gather [hbm4b:s5+s3], $0x80, v3, vm0, $0xb8;
	[tilespmem:$0x18200] =	vst v63  }
0x6e: {  	s16 =	simm.s32 $0x60;
	s18 =	simm.s32 $0xBA00;
	s17 =	simm.s32 $0x0  }
0x6f: {  	[tilespmem:s18], [sflag:$0x1] =	stream.indirect_vreg.gather [hbm4b:s6+s3], $0x80, v3, vm0, $0xb8;
	[tilespmem:$0x18200] =	vst v63  }
.LBB2_4:
0x70: {  	s18 =	sadd.s32 s17, s9;
	s17 =	sadd.s32 $0x3000, s17  }
0x71: {  	p0 =	sne.s32 s17, $0xC000  }
.Ltmp3:
0x72: {  	_ = 	snop;
	(pc) =	sbr.rel @!p0 .LBB2_5-.Ltmp3, $3  }
0x73: {  	_ =	sdelay $0x1  }
0x74: {  	s16 =	sadd.s32 $0x80, s16  }
0x75: {  	[hbm4b:s18+s3] =	stream.linear.scatter [tilespmem:s12], [sflag:$0x4], $0xC000, $0x38;
	[tilespmem:$0x18200] =	vst v63  }
.LBB2_2:
0x76: {  	_ =	swait.ge [sflag:s10], $0xC000  }
0x77: {  	p0 =	seq.s32 s17, $0x0;
	[sflag:s10] =	ssyncset.done $0x0  }
0x78: {  	s18 =	simm.s32 @!p0 $0x4;
	[sflag:s10] =	ssyncadd.s32 $0xFFFF4000  }
0x79: {  	_ =	swait.ge @!p0 [sflag:s18], $0xC000  }
0x7a: {  	[sflag:s18] =	ssyncset.done @!p0 $0x0  }
0x7b: {  	[sflag:s18] =	ssyncadd.s32 @!p0 $0xFFFF4000  }
0x7c: {  	v3 =	vld [tilespmem:s16+$0xFFFFFFE0];
	_ =	sdelay $0x4  }
0x7d: {  	v4 =	vshrl.u32 v3, $0x3  }
0x7e: {  	v4 =	vmul.u32 $0x30, v4  }
0x7f: {  	v3 =	vand.u32 $0x7, v3  }
0x80: {  	v3 =	vor.u32 v3, v4  }
0x81: {  	v4 =	vperm.xlane v3, v0;
	_ =	sdelay $0x1  }
0x82: {  	v4 =	vadd.s32 v1, v4;
	_ =	sdelay $0x3  }
0x83: {  	v3 =	vperm.xlane v3, v2  }
0x84: {  	[tilespmem:s12], [sflag:$0x2] =	stream.indirect_vreg.gather [hbm4b:s2+s3], $0x80, v4, vm0, $0xb8;
	[tilespmem:$0x18200] =	vst v63  }
0x85: {  	s18 =	simm.s32 $0xCA00;
	v3 =	vadd.s32 v1, v3  }
0x86: {  	[tilespmem:s18], [sflag:$0x2] =	stream.indirect_vreg.gather [hbm4b:s5+s3], $0x80, v4, vm0, $0xb8;
	[tilespmem:$0x18200] =	vst v63  }
0x87: {  	s18 =	simm.s32 $0xD200  }
0x88: {  	[tilespmem:s18], [sflag:$0x2] =	stream.indirect_vreg.gather [hbm4b:s6+s3], $0x80, v4, vm0, $0xb8;
	[tilespmem:$0x18200] =	vst v63  }
0x89: {  	s18 =	simm.s32 $0xDA00  }
0x8a: {  	[tilespmem:s18], [sflag:$0x2] =	stream.indirect_vreg.gather [hbm4b:s2+s3], $0x80, v3, vm0, $0xb8;
	[tilespmem:$0x18200] =	vst v63  }
0x8b: {  	s18 =	simm.s32 $0xE200  }
0x8c: {  	[tilespmem:s18], [sflag:$0x2] =	stream.indirect_vreg.gather [hbm4b:s5+s3], $0x80, v3, vm0, $0xb8;
	[tilespmem:$0x18200] =	vst v63  }
0x8d: {  	s18 =	simm.s32 $0xEA00  }
0x8e: {  	[tilespmem:s18], [sflag:$0x2] =	stream.indirect_vreg.gather [hbm4b:s6+s3], $0x80, v3, vm0, $0xb8;
	[tilespmem:$0x18200] =	vst v63  }
0x8f: {  	v3 =	vld [tilespmem:s16+$0xFFFFFFF0];
	_ =	sdelay $0x4  }
0x90: {  	v61 =	vshrl.u32 v3, $0x3  }
0x91: {  	v4 =	vmul.u32 $0x30, v61  }
0x92: {  	v3 =	vand.u32 $0x7, v3  }
0x93: {  	v3 =	vor.u32 v3, v4  }
0x94: {  	v4 =	vperm.xlane v3, v0;
	_ =	sdelay $0x1  }
0x95: {  	v4 =	vadd.s32 v1, v4;
	_ =	sdelay $0x3  }
0x96: {  	s18 =	simm.s32 $0xF200;
	v3 =	vperm.xlane v3, v2  }
0x97: {  	[tilespmem:s18], [sflag:$0x2] =	stream.indirect_vreg.gather [hbm4b:s2+s3], $0x80, v4, vm0, $0xb8;
	[tilespmem:$0x18200] =	vst v63  }
0x98: {  	v3 =	vadd.s32 v1, v3  }
0x99: {  	[tilespmem:s19], [sflag:$0x2] =	stream.indirect_vreg.gather [hbm4b:s5+s3], $0x80, v4, vm0, $0xb8;
	[tilespmem:$0x18200] =	vst v63  }
0x9a: {  	_ = 	snop  }
0x9b: {  	[tilespmem:s20], [sflag:$0x2] =	stream.indirect_vreg.gather [hbm4b:s6+s3], $0x80, v4, vm0, $0xb8;
	[tilespmem:$0x18200] =	vst v63  }
0x9c: {  	_ = 	snop  }
0x9d: {  	[tilespmem:s21], [sflag:$0x2] =	stream.indirect_vreg.gather [hbm4b:s2+s3], $0x80, v3, vm0, $0xb8;
	[tilespmem:$0x18200] =	vst v63  }
0x9e: {  	_ = 	snop  }
0x9f: {  	[tilespmem:s22], [sflag:$0x2] =	stream.indirect_vreg.gather [hbm4b:s5+s3], $0x80, v3, vm0, $0xb8;
	[tilespmem:$0x18200] =	vst v63  }
0xa0: {  	_ = 	snop  }
0xa1: {  	[tilespmem:s23], [sflag:$0x2] =	stream.indirect_vreg.gather [hbm4b:s6+s3], $0x80, v3, vm0, $0xb8;
	[tilespmem:$0x18200] =	vst v63  }
0xa2: {  	v3 =	vld [tilespmem:s16+$0x0];
	_ =	sdelay $0x4  }
0xa3: {  	v62 =	vshrl.u32 v3, $0x3  }
0xa4: {  	v4 =	vmul.u32 $0x30, v62  }
0xa5: {  	v3 =	vand.u32 $0x7, v3  }
0xa6: {  	v3 =	vor.u32 v3, v4  }
0xa7: {  	v4 =	vperm.xlane v3, v0;
	_ =	sdelay $0x1  }
0xa8: {  	v4 =	vadd.s32 v1, v4;
	_ =	sdelay $0x3  }
0xa9: {  	v3 =	vperm.xlane v3, v2  }
0xaa: {  	[tilespmem:s24], [sflag:$0x2] =	stream.indirect_vreg.gather [hbm4b:s2+s3], $0x80, v4, vm0, $0xb8;
	[tilespmem:$0x18200] =	vst v63  }
0xab: {  	v3 =	vadd.s32 v1, v3  }
0xac: {  	[tilespmem:s25], [sflag:$0x2] =	stream.indirect_vreg.gather [hbm4b:s5+s3], $0x80, v4, vm0, $0xb8;
	[tilespmem:$0x18200] =	vst v63  }
0xad: {  	_ = 	snop  }
0xae: {  	[tilespmem:s26], [sflag:$0x2] =	stream.indirect_vreg.gather [hbm4b:s6+s3], $0x80, v4, vm0, $0xb8;
	[tilespmem:$0x18200] =	vst v63  }
0xaf: {  	_ = 	snop  }
0xb0: {  	[tilespmem:s28], [sflag:$0x2] =	stream.indirect_vreg.gather [hbm4b:s2+s3], $0x80, v3, vm0, $0xb8;
	[tilespmem:$0x18200] =	vst v63  }
0xb1: {  	_ = 	snop  }
0xb2: {  	[tilespmem:s29], [sflag:$0x2] =	stream.indirect_vreg.gather [hbm4b:s5+s3], $0x80, v3, vm0, $0xb8;
	[tilespmem:$0x18200] =	vst v63  }
0xb3: {  	_ = 	snop  }
0xb4: {  	[tilespmem:s30], [sflag:$0x2] =	stream.indirect_vreg.gather [hbm4b:s6+s3], $0x80, v3, vm0, $0xb8;
	[tilespmem:$0x18200] =	vst v63  }
0xb5: {  	v3 =	vld [tilespmem:s16+$0x10];
	_ =	sdelay $0x4  }
0xb6: {  	v63 =	vshrl.u32 v3, $0x3  }
0xb7: {  	v4 =	vmul.u32 $0x30, v63  }
0xb8: {  	v3 =	vand.u32 $0x7, v3  }
0xb9: {  	v3 =	vor.u32 v3, v4  }
0xba: {  	v4 =	vperm.xlane v3, v0;
	_ =	sdelay $0x1  }
0xbb: {  	v4 =	vadd.s32 v1, v4;
	_ =	sdelay $0x3  }
0xbc: {  	v3 =	vperm.xlane v3, v2  }
0xbd: {  	[tilespmem:s31], [sflag:$0x2] =	stream.indirect_vreg.gather [hbm4b:s2+s3], $0x80, v4, vm0, $0xb8;
	[tilespmem:$0x18200] =	vst v63  }
0xbe: {  	v3 =	vadd.s32 v1, v3  }
0xbf: {  	[tilespmem:s0], [sflag:$0x2] =	stream.indirect_vreg.gather [hbm4b:s5+s3], $0x80, v4, vm0, $0xb8;
	[tilespmem:$0x18200] =	vst v63  }
0xc0: {  	_ = 	snop  }
0xc1: {  	[tilespmem:s1], [sflag:$0x2] =	stream.indirect_vreg.gather [hbm4b:s6+s3], $0x80, v4, vm0, $0xb8;
	[tilespmem:$0x18200] =	vst v63  }
0xc2: {  	_ = 	snop  }
0xc3: {  	[tilespmem:s4], [sflag:$0x2] =	stream.indirect_vreg.gather [hbm4b:s2+s3], $0x80, v3, vm0, $0xb8;
	[tilespmem:$0x18200] =	vst v63  }
0xc4: {  	_ = 	snop  }
0xc5: {  	[tilespmem:s7], [sflag:$0x2] =	stream.indirect_vreg.gather [hbm4b:s5+s3], $0x80, v3, vm0, $0xb8;
	[tilespmem:$0x18200] =	vst v63  }
0xc6: {  	_ = 	snop  }
0xc7: {  	[tilespmem:s13], [sflag:$0x2] =	stream.indirect_vreg.gather [hbm4b:s6+s3], $0x80, v3, vm0, $0xb8;
	[tilespmem:$0x18200] =	vst v63  }
0xc8: {  	s18 =	sadd.s32 s17, s8  }
0xc9: {  	[hbm4b:s18+s3] =	stream.linear.scatter [tilespmem:s11], [sflag:$0x3], $0xC000, $0x38;
	[tilespmem:$0x18200] =	vst v63  }
0xca: {  	p0 =	seq.s32 s17, $0x9000;
	_ =	swait.ge [sflag:s14], $0xC000  }
.Ltmp4:
0xcb: {  	[sflag:s14] =	ssyncset.done $0x0;
	(pc) =	sbr.rel @p0 .LBB2_4-.Ltmp4, $4  }
0xcc: {  	[sflag:s14] =	ssyncadd.s32 $0xFFFF4000  }
0xcd: {  	_ =	swait.ge [sflag:s15], $0xC000  }
0xce: {  	[sflag:s15] =	ssyncset.done $0x0  }
0xcf: {  	[sflag:s15] =	ssyncadd.s32 $0xFFFF4000  }
0xd0: {  	v3 =	vld [tilespmem:s16+$0x20];
	_ =	sdelay $0x4  }
0xd1: {  	v4 =	vshrl.u32 v3, $0x3  }
0xd2: {  	v4 =	vmul.u32 $0x30, v4  }
0xd3: {  	v3 =	vand.u32 $0x7, v3  }
0xd4: {  	v3 =	vor.u32 v3, v4  }
0xd5: {  	v4 =	vperm.xlane v3, v0;
	_ =	sdelay $0x1  }
0xd6: {  	v4 =	vadd.s32 v1, v4;
	_ =	sdelay $0x3  }
0xd7: {  	v3 =	vperm.xlane v3, v2  }
0xd8: {  	[tilespmem:s11], [sflag:$0x1] =	stream.indirect_vreg.gather [hbm4b:s2+s3], $0x80, v4, vm0, $0xb8;
	[tilespmem:$0x18200] =	vst v63  }
0xd9: {  	s18 =	simm.s32 $0xA00;
	v3 =	vadd.s32 v1, v3  }
0xda: {  	[tilespmem:s18], [sflag:$0x1] =	stream.indirect_vreg.gather [hbm4b:s5+s3], $0x80, v4, vm0, $0xb8;
	[tilespmem:$0x18200] =	vst v63  }
0xdb: {  	s18 =	simm.s32 $0x1200  }
0xdc: {  	[tilespmem:s18], [sflag:$0x1] =	stream.indirect_vreg.gather [hbm4b:s6+s3], $0x80, v4, vm0, $0xb8;
	[tilespmem:$0x18200] =	vst v63  }
0xdd: {  	s18 =	simm.s32 $0x1A00  }
0xde: {  	[tilespmem:s18], [sflag:$0x1] =	stream.indirect_vreg.gather [hbm4b:s2+s3], $0x80, v3, vm0, $0xb8;
	[tilespmem:$0x18200] =	vst v63  }
0xdf: {  	s18 =	simm.s32 $0x2200  }
0xe0: {  	[tilespmem:s18], [sflag:$0x1] =	stream.indirect_vreg.gather [hbm4b:s5+s3], $0x80, v3, vm0, $0xb8;
	[tilespmem:$0x18200] =	vst v63  }
0xe1: {  	s18 =	simm.s32 $0x2A00  }
0xe2: {  	[tilespmem:s18], [sflag:$0x1] =	stream.indirect_vreg.gather [hbm4b:s6+s3], $0x80, v3, vm0, $0xb8;
	[tilespmem:$0x18200] =	vst v63  }
0xe3: {  	v3 =	vld [tilespmem:s16+$0x30];
	_ =	sdelay $0x4  }
0xe4: {  	v61 =	vshrl.u32 v3, $0x3  }
0xe5: {  	v4 =	vmul.u32 $0x30, v61  }
0xe6: {  	v3 =	vand.u32 $0x7, v3  }
0xe7: {  	v3 =	vor.u32 v3, v4  }
0xe8: {  	v4 =	vperm.xlane v3, v0;
	_ =	sdelay $0x1  }
0xe9: {  	v4 =	vadd.s32 v1, v4;
	_ =	sdelay $0x3  }
0xea: {  	s18 =	simm.s32 $0x3200;
	v3 =	vperm.xlane v3, v2  }
0xeb: {  	[tilespmem:s18], [sflag:$0x1] =	stream.indirect_vreg.gather [hbm4b:s2+s3], $0x80, v4, vm0, $0xb8;
	[tilespmem:$0x18200] =	vst v63  }
0xec: {  	v3 =	vadd.s32 v1, v3;
	s18 =	simm.s32 $0x3A00  }
0xed: {  	[tilespmem:s18], [sflag:$0x1] =	stream.indirect_vreg.gather [hbm4b:s5+s3], $0x80, v4, vm0, $0xb8;
	[tilespmem:$0x18200] =	vst v63  }
0xee: {  	s18 =	simm.s32 $0x4200  }
0xef: {  	[tilespmem:s18], [sflag:$0x1] =	stream.indirect_vreg.gather [hbm4b:s6+s3], $0x80, v4, vm0, $0xb8;
	[tilespmem:$0x18200] =	vst v63  }
0xf0: {  	s18 =	simm.s32 $0x4A00  }
0xf1: {  	[tilespmem:s18], [sflag:$0x1] =	stream.indirect_vreg.gather [hbm4b:s2+s3], $0x80, v3, vm0, $0xb8;
	[tilespmem:$0x18200] =	vst v63  }
0xf2: {  	s18 =	simm.s32 $0x5200  }
0xf3: {  	[tilespmem:s18], [sflag:$0x1] =	stream.indirect_vreg.gather [hbm4b:s5+s3], $0x80, v3, vm0, $0xb8;
	[tilespmem:$0x18200] =	vst v63  }
0xf4: {  	s18 =	simm.s32 $0x5A00  }
0xf5: {  	[tilespmem:s18], [sflag:$0x1] =	stream.indirect_vreg.gather [hbm4b:s6+s3], $0x80, v3, vm0, $0xb8;
	[tilespmem:$0x18200] =	vst v63  }
0xf6: {  	v3 =	vld [tilespmem:s16+$0x40];
	_ =	sdelay $0x4  }
0xf7: {  	v62 =	vshrl.u32 v3, $0x3  }
0xf8: {  	v4 =	vmul.u32 $0x30, v62  }
0xf9: {  	v3 =	vand.u32 $0x7, v3  }
0xfa: {  	v3 =	vor.u32 v3, v4  }
0xfb: {  	v4 =	vperm.xlane v3, v0;
	_ =	sdelay $0x1  }
0xfc: {  	v4 =	vadd.s32 v1, v4;
	_ =	sdelay $0x3  }
0xfd: {  	s18 =	simm.s32 $0x6200;
	v3 =	vperm.xlane v3, v2  }
0xfe: {  	[tilespmem:s18], [sflag:$0x1] =	stream.indirect_vreg.gather [hbm4b:s2+s3], $0x80, v4, vm0, $0xb8;
	[tilespmem:$0x18200] =	vst v63  }
0xff: {  	v3 =	vadd.s32 v1, v3;
	s18 =	simm.s32 $0x6A00  }
0x100: {  	[tilespmem:s18], [sflag:$0x1] =	stream.indirect_vreg.gather [hbm4b:s5+s3], $0x80, v4, vm0, $0xb8;
	[tilespmem:$0x18200] =	vst v63  }
0x101: {  	s18 =	simm.s32 $0x7200  }
0x102: {  	[tilespmem:s18], [sflag:$0x1] =	stream.indirect_vreg.gather [hbm4b:s6+s3], $0x80, v4, vm0, $0xb8;
	[tilespmem:$0x18200] =	vst v63  }
0x103: {  	s18 =	simm.s32 $0x7A00  }
0x104: {  	[tilespmem:s18], [sflag:$0x1] =	stream.indirect_vreg.gather [hbm4b:s2+s3], $0x80, v3, vm0, $0xb8;
	[tilespmem:$0x18200] =	vst v63  }
0x105: {  	s18 =	simm.s32 $0x8200  }
0x106: {  	[tilespmem:s18], [sflag:$0x1] =	stream.indirect_vreg.gather [hbm4b:s5+s3], $0x80, v3, vm0, $0xb8;
	[tilespmem:$0x18200] =	vst v63  }
0x107: {  	s18 =	simm.s32 $0x8A00  }
0x108: {  	[tilespmem:s18], [sflag:$0x1] =	stream.indirect_vreg.gather [hbm4b:s6+s3], $0x80, v3, vm0, $0xb8;
	[tilespmem:$0x18200] =	vst v63  }
0x109: {  	v3 =	vld [tilespmem:s16+$0x50];
	_ =	sdelay $0x4  }
0x10a: {  	v63 =	vshrl.u32 v3, $0x3  }
0x10b: {  	v4 =	vmul.u32 $0x30, v63  }
0x10c: {  	v3 =	vand.u32 $0x7, v3  }
0x10d: {  	v3 =	vor.u32 v3, v4  }
0x10e: {  	v4 =	vperm.xlane v3, v0;
	_ =	sdelay $0x1  }
0x10f: {  	v4 =	vadd.s32 v1, v4;
	_ =	sdelay $0x3  }
0x110: {  	s18 =	simm.s32 $0x9200;
	v3 =	vperm.xlane v3, v2  }
0x111: {  	[tilespmem:s18], [sflag:$0x1] =	stream.indirect_vreg.gather [hbm4b:s2+s3], $0x80, v4, vm0, $0xb8;
	[tilespmem:$0x18200] =	vst v63  }
0x112: {  	v3 =	vadd.s32 v1, v3;
	s18 =	simm.s32 $0x9A00  }
0x113: {  	[tilespmem:s18], [sflag:$0x1] =	stream.indirect_vreg.gather [hbm4b:s5+s3], $0x80, v4, vm0, $0xb8;
	[tilespmem:$0x18200] =	vst v63  }
0x114: {  	s18 =	simm.s32 $0xA200  }
0x115: {  	[tilespmem:s18], [sflag:$0x1] =	stream.indirect_vreg.gather [hbm4b:s6+s3], $0x80, v4, vm0, $0xb8;
	[tilespmem:$0x18200] =	vst v63  }
0x116: {  	s18 =	simm.s32 $0xAA00  }
0x117: {  	[tilespmem:s18], [sflag:$0x1] =	stream.indirect_vreg.gather [hbm4b:s2+s3], $0x80, v3, vm0, $0xb8;
	[tilespmem:$0x18200] =	vst v63  }
.Ltmp5:
0x118: {  	_ = 	snop;
	(pc) =	sbr.rel .LBB2_4-.Ltmp5, $4  }
0x119: {  	s18 =	simm.s32 $0xB200  }
0x11a: {  	[tilespmem:s18], [sflag:$0x1] =	stream.indirect_vreg.gather [hbm4b:s5+s3], $0x80, v3, vm0, $0xb8;
	[tilespmem:$0x18200] =	vst v63  }
0x11b: {  	s18 =	simm.s32 $0xBA00  }
0x11c: {  	[tilespmem:s18], [sflag:$0x1] =	stream.indirect_vreg.gather [hbm4b:s6+s3], $0x80, v3, vm0, $0xb8;
	[tilespmem:$0x18200] =	vst v63  }
.LBB2_6:
0x11d: {  	_ =	sfence.sel $0x180000  }
0x11e: {  	[bflag:$0x0] =	sbarrier.arrive $0xFFFF  }
0x11f: {  	_ =	strace $0x90000047  }
0x120: {  	s0 =	stileid.u32;
	[bflag:$0x2] =	sbarrier.arrive $0xFFFF  }
0x121: {  	p0 =	sne.s32 s0, $0x0;
	s0 =	rddreg [dreg:$0x2]  }
0x122: {  	s0 =	sadd.s32 @!p0 $0x100000, s0  }
0x123: {  	[sflag:s0] =	ssyncadd.tile.s32 @!p0 $0x1;
	_ =	shalt  }
.Lfunc_end2:
_tile_overlayer_lowered:
.L_overlay_start_2:
0x124: {  	(tag) =	ssettag $0x2  }
0x125: {  	s0 =	rddreg [dreg:$0x0];
	s2 =	stileid.u32  }
0x126: {  	s1 =	rddreg [dreg:$0x1];
	p0 =	sne.s32 s2, $0x0  }
0x127: {  	s3 =	rddreg [dreg:$0x2];
	[bflag:$0x3] =	sbarrier.arrive $0xFFFF;
	s2 =	simm.s32 @!p0 $0x1C05  }
0x128: {  	[timem:s3], [sflag:s2] =	dma.local @!p0 [hbm:s0], s1  }
0x129: {  	s0 =	simm.s32 @!p0 $0x5  }
0x12a: {  	_ =	swait.ge @!p0 [sflag:s0], s1  }
0x12b: {  	s1 =	ssub.s32 @!p0 $0x0, s1;
	[sflag:s0] =	ssyncset.done @!p0 $0x0  }
0x12c: {  	[sflag:s0] =	ssyncadd.s32 @!p0 s1  }
0x12d: {  	[bflag:$0x3] =	sbarrier.arrive $0xFFFF  }
0x12e: {  	_ =	shalt  }

</sc_bundles>
